<compile_context>
chip_gen: v7x
topology: tpu7x:2x2x1
jax: 0.10.2.dev20260603
libtpu: 0.0.44.dev20260713+nightly
codegen_flags: <defaults>
</compile_context>

<pallas_src>
import functools
import jax
import jax.numpy as jnp
from jax import lax
from jax.experimental import pallas as pl
from jax.experimental.pallas import tpu as pltpu
from jax.experimental.pallas import tpu_sc as plsc

_N, _C, _B = 32, 81, 8732
_BP = 8736
_NSEG = _BP // 16
_SCALE_XY = 1.0 / 0.1
_SCALE_WH = 1.0 / 0.2
_SPS = 4


def _tc_kernel(pl0_ref, pl1_ref, pl2_ref, pl3_ref, glab_ref, ploc_ref,
               gloc_ref, dbox_ref, con_ref, cn_ref, k_ref, aux_ref):
    g = pl.program_id(0)
    cls = jax.lax.broadcasted_iota(jnp.int32, (_C, _B), 0)
    dxy = dbox_ref[0, 0:2, :]
    dwh = dbox_ref[0, 2:4, :]
    zpad = jnp.zeros((1, _BP - _B), jnp.float32)

    def smooth_l1(d):
        ad = jnp.abs(d)
        return jnp.where(ad < 1.0, 0.5 * d * d, ad - 0.5)

    for j, pref in enumerate((pl0_ref, pl1_ref, pl2_ref, pl3_ref)):
        n = g * _SPS + j
        x = pref[0]
        m = jnp.max(x, axis=0, keepdims=True)
        s = jnp.sum(jnp.exp(x - m), axis=0, keepdims=True)
        lse = m + jnp.log(s)
        glab = glab_ref[pl.ds(n, 1), :]
        true_logit = jnp.sum(jnp.where(cls == glab, x, 0.0), axis=0,
                             keepdims=True)
        con = lse - true_logit
        maskf = (glab > 0).astype(jnp.float32)

        ploc = ploc_ref[n]
        gloc = gloc_ref[n]
        gxy = _SCALE_XY * (gloc[0:2, :] - dxy) / dwh
        gwh = _SCALE_WH * jnp.log(gloc[2:4, :] / dwh)
        sl1 = (jnp.sum(smooth_l1(ploc[0:2, :] - gxy), axis=0, keepdims=True)
               + jnp.sum(smooth_l1(ploc[2:4, :] - gwh), axis=0,
                         keepdims=True))

        pos_i = jnp.sum((glab > 0).astype(jnp.int32))
        base = jnp.sum(maskf * (sl1 + con))
        k1 = jnp.maximum(jnp.minimum(3 * pos_i, _B), 1)
        con_ref[pl.ds(n, 1), :] = jnp.concatenate([con, zpad], axis=1)
        cn_ref[pl.ds(n, 1), :] = jnp.concatenate([con * (1.0 - maskf), zpad],
                                                 axis=1)
        k_ref[pl.ds(n, 1), :] = jnp.full((1, 16), k1, jnp.int32)
        lane = jax.lax.broadcasted_iota(jnp.int32, (1, 16), 1)
        aux_ref[pl.ds(n, 1), :] = jnp.where(
            lane == 0, base,
            jnp.where(lane == 1, jnp.maximum(pos_i.astype(jnp.float32), 1e-6),
                      jnp.where(lane == 2, (pos_i > 0).astype(jnp.float32),
                                0.0)))


def _permute(x, idx):
    return lax.gather(
        x, idx[:, None],
        dimension_numbers=lax.GatherDimensionNumbers(
            offset_dims=(), collapsed_slice_dims=(0,), start_index_map=(0,)),
        slice_sizes=(1,), mode=lax.GatherScatterMode.PROMISE_IN_BOUNDS)


def _tot_all(x):
    lane = lax.iota(jnp.int32, 16)
    for d in (1, 2, 4, 8):
        x = x + _permute(x, lane ^ d)
    return x


def _excl_prefix(x):
    lane = lax.iota(jnp.int32, 16)
    zero = jnp.zeros_like(x)
    inc = x
    for d in (1, 2, 4, 8):
        shifted = _permute(inc, jnp.maximum(lane - d, 0))
        inc = inc + jnp.where(lane >= d, shifted, zero)
    return inc - x


def _sc_mine_kernel(con_hbm, cn_hbm, k_hbm, out_hbm, con_v, cn_v, k_v,
                    out_v):
    wid = lax.axis_index("s") * 2 + lax.axis_index("c")
    pltpu.sync_copy(con_hbm.at[wid], con_v)
    pltpu.sync_copy(cn_hbm.at[wid], cn_v)
    pltpu.sync_copy(k_hbm.at[wid], k_v)
    k1v = k_v[...]
    zi = jnp.zeros((16,), jnp.int32)
    one = jnp.ones((16,), jnp.int32)

    T = zi
    for bit in range(30, -1, -1):
        t = T | jnp.full((16,), 1 << bit, jnp.int32)

        def seg_body(c, cnt, t=t):
            kv = lax.bitcast_convert_type(cn_v[pl.ds(c * 16, 16)], jnp.int32)
            return cnt + jnp.where(kv >= t, one, zi)

        cntv = lax.fori_loop(0, _NSEG, seg_body, zi)
        T = jnp.where(_tot_all(cntv) >= k1v, t, T)

    def cgt_body(c, cnt):
        kv = lax.bitcast_convert_type(cn_v[pl.ds(c * 16, 16)], jnp.int32)
        return cnt + jnp.where(kv > T, one, zi)

    rv = k1v - _tot_all(lax.fori_loop(0, _NSEG, cgt_body, zi))

    def sel_body(c, carry):
        tc, acc = carry
        kv = lax.bitcast_convert_type(cn_v[pl.ds(c * 16, 16)], jnp.int32)
        cv = con_v[pl.ds(c * 16, 16)]
        tiem = kv == T
        ti = jnp.where(tiem, one, zi)
        pref = _excl_prefix(ti) + tc
        sel = (kv > T) | (tiem & (pref < rv))
        return tc + _tot_all(ti), acc + jnp.where(sel, cv, 0.0)

    _, accv = lax.fori_loop(0, _NSEG, sel_body,
                            (zi, jnp.zeros((16,), jnp.float32)))
    out_v[...] = accv
    pltpu.sync_copy(out_v, out_hbm.at[wid])


_sc_mine = functools.partial(
    pl.kernel,
    out_type=jax.ShapeDtypeStruct((_N, 16), jnp.float32),
    mesh=plsc.VectorSubcoreMesh(core_axis_name="c", subcore_axis_name="s"),
    scratch_types=[
        pltpu.VMEM((_BP,), jnp.float32),
        pltpu.VMEM((_BP,), jnp.float32),
        pltpu.VMEM((16,), jnp.int32),
        pltpu.VMEM((16,), jnp.float32),
    ],
)(_sc_mine_kernel)


def kernel(ploc, plabel, gloc, glabel, dboxes):
    con2, cn2, krow, aux = pl.pallas_call(
        _tc_kernel,
        grid=(_N // _SPS,),
        in_specs=[
            pl.BlockSpec((1, _C, _B), lambda g: (_SPS * g + 0, 0, 0)),
            pl.BlockSpec((1, _C, _B), lambda g: (_SPS * g + 1, 0, 0)),
            pl.BlockSpec((1, _C, _B), lambda g: (_SPS * g + 2, 0, 0)),
            pl.BlockSpec((1, _C, _B), lambda g: (_SPS * g + 3, 0, 0)),
            pl.BlockSpec((_N, _B), lambda g: (0, 0)),
            pl.BlockSpec((_N, 4, _B), lambda g: (0, 0, 0)),
            pl.BlockSpec((_N, 4, _B), lambda g: (0, 0, 0)),
            pl.BlockSpec((1, 4, _B), lambda g: (0, 0, 0)),
        ],
        out_specs=[
            pl.BlockSpec((_N, _BP), lambda g: (0, 0)),
            pl.BlockSpec((_N, _BP), lambda g: (0, 0)),
            pl.BlockSpec((_N, 16), lambda g: (0, 0)),
            pl.BlockSpec((_N, 16), lambda g: (0, 0)),
        ],
        out_shape=[
            jax.ShapeDtypeStruct((_N, _BP), jnp.float32),
            jax.ShapeDtypeStruct((_N, _BP), jnp.float32),
            jax.ShapeDtypeStruct((_N, 16), jnp.int32),
            jax.ShapeDtypeStruct((_N, 16), jnp.float32),
        ],
    )(plabel, plabel, plabel, plabel, glabel, ploc, gloc, dboxes)

    negs = jnp.sum(_sc_mine(con2, cn2, krow), axis=1)
    base, pos_f, num_mask = aux[:, 0], aux[:, 1], aux[:, 2]
    return jnp.mean((base + negs) * num_mask / pos_f)

# --- scband reference (transcript-rebuilt; emitter-appended) ---
"""Pipeline reference for scband-loss-5669356835181 (READ-ONLY COPY).

The authoritative reference and input builder live on the scoring server;
editing this copy changes nothing except your own understanding.
"""

import jax, jax.numpy as jnp
import numpy as np

N, C, B = 32, 81, 8732
SCALE_XY = 1.0 / 0.1
SCALE_WH = 1.0 / 0.2

def setup_inputs(seed: int = 0) -> dict:
    key = jax.random.key(seed)
    k1, k2, k3, k4, k5 = jax.random.split(key, 5)
    ploc = jax.random.normal(k1, (N, 4, B), dtype=jnp.float32)
    plabel = jax.random.normal(k2, (N, C, B), dtype=jnp.float32)
    gloc = jax.random.uniform(k3, (N, 4, B), dtype=jnp.float32, minval=0.05, maxval=1.0)
    glabel = jax.random.randint(k4, (N, B), 0, 81, dtype=jnp.int32)
    # dboxes buffer: [1, 4, 8732] in xywh order, positive wh (requires_grad=False param)
    dboxes = jax.random.uniform(k5, (1, 4, B), dtype=jnp.float32, minval=0.1, maxval=0.9)
    return {"ploc": ploc, "plabel": plabel, "gloc": gloc, "glabel": glabel, "dboxes": dboxes}

def _smooth_l1(d):
    ad = jnp.abs(d)
    return jnp.where(ad < 1.0, 0.5 * d * d, ad - 0.5)

def reference(ploc, plabel, gloc, glabel, dboxes):
    mask = glabel > 0
    pos_num = mask.sum(axis=1)
    # loc_vec(gloc)
    gxy = SCALE_XY * (gloc[:, :2, :] - dboxes[:, :2, :]) / dboxes[:, 2:, :]
    gwh = SCALE_WH * jnp.log(gloc[:, 2:, :] / dboxes[:, 2:, :])
    vec_gd = jnp.concatenate((gxy, gwh), axis=1)
    # SmoothL1, reduce=False, sum over coord dim then masked sum over boxes
    sl1 = _smooth_l1(ploc - vec_gd).sum(axis=1)
    sl1 = (mask.astype(jnp.float32) * sl1).sum(axis=1)
    # CrossEntropy per box (reduce=False): logsumexp - true-class logit
    lse = jax.scipy.special.logsumexp(plabel, axis=1)
    true_logit = jnp.take_along_axis(plabel, glabel[:, None, :], axis=1)[:, 0, :]
    con = lse - true_logit
    # hard negative mining
    con_neg = jnp.where(mask, 0.0, con)
    con_idx = jnp.argsort(-con_neg, axis=1)
    con_rank = jnp.argsort(con_idx, axis=1)
    neg_num = jnp.minimum(3 * pos_num, mask.shape[1])[:, None]
    neg_mask = con_rank < neg_num
    closs = (con * (mask.astype(jnp.float32) + neg_mask.astype(jnp.float32))).sum(axis=1)
    total_loss = sl1 + closs
    num_mask = (pos_num > 0).astype(jnp.float32)
    pos_f = jnp.maximum(pos_num.astype(jnp.float32), 1e-6)
    return jnp.mean(total_loss * num_mask / pos_f, axis=0)

if __name__ == "__main__":
    import jax
    _d = setup_inputs()
    print(jax.jit(kernel)(*tuple(_d.values())))

</pallas_src>

<mosaic_0001>
#map = affine_map<(d0, d1) -> (0, 0)>
module attributes {stable_mosaic.version = 14 : i64} {
  func.func @_sc_mine_kernel(%arg0: i32, %arg1: i32, %arg2: memref<32x8736xf32, #tpu.memory_space<hbm>>, %arg3: memref<32x8736xf32, #tpu.memory_space<hbm>>, %arg4: memref<32x16xi32, #tpu.memory_space<hbm>>, %arg5: memref<32x16xf32, #tpu.memory_space<hbm>>, %arg6: memref<8736xf32, #tpu.memory_space<vmem>>, %arg7: memref<8736xf32, #tpu.memory_space<vmem>>, %arg8: memref<16xi32, #tpu.memory_space<vmem>>, %arg9: memref<16xf32, #tpu.memory_space<vmem>>) attributes {dimension_semantics = [#tpu.dimension_semantics<core_parallel>, #tpu.dimension_semantics<subcore_parallel>], iteration_bounds = array<i64: 2, 16>, scalar_prefetch = 0 : i64, scratch_operands = 4 : i64, tpu.core_type = #tpu.core_type<sc_vector_subcore>, window_params = [{transform_indices = #map}, {transform_indices = #map}, {transform_indices = #map}, {transform_indices = #map}]} {
    %mul3A = arith.constant 2 : i32
    %mul3A_0 = arith.muli %arg1, %mul3A : i32
    %add3A = arith.addi %mul3A_0, %arg0 : i32
    "tpu.region"() ({
      %run_scoped3A = tpu.sem_alloc : memref<!tpu.dma_semaphore, #tpu.memory_space<semaphore_mem>>
      %dma_start3A = arith.constant 0 : i32
      %dma_start3A_1285 = tpu.memref_slice %arg2[%add3A, %dma_start3A] : memref<32x8736xf32, #tpu.memory_space<hbm>> -> memref<1x8736xf32, #tpu.memory_space<hbm>>
      %dma_start3A_1286 = tpu.memref_squeeze %dma_start3A_1285 : memref<1x8736xf32, #tpu.memory_space<hbm>> -> memref<8736xf32, #tpu.memory_space<hbm>>
      %dma_start3A_1287 = arith.constant 0 : i32
      %dma_start3A_1288 = tpu.memref_slice %arg2[%add3A, %dma_start3A_1287] : memref<32x8736xf32, #tpu.memory_space<hbm>> -> memref<1x8736xf32, #tpu.memory_space<hbm>>
      %dma_start3A_1289 = tpu.memref_squeeze %dma_start3A_1288 : memref<1x8736xf32, #tpu.memory_space<hbm>> -> memref<8736xf32, #tpu.memory_space<hbm>>
      tpu.enqueue_dma source(%dma_start3A_1289 : memref<8736xf32, #tpu.memory_space<hbm>>) target(%arg6 : memref<8736xf32, #tpu.memory_space<vmem>>) target_semaphore(%run_scoped3A : memref<!tpu.dma_semaphore, #tpu.memory_space<semaphore_mem>>)
      %dma_wait3A = arith.constant 0 : i32
      %dma_wait3A_1290 = tpu.memref_slice %arg2[%add3A, %dma_wait3A] : memref<32x8736xf32, #tpu.memory_space<hbm>> -> memref<1x8736xf32, #tpu.memory_space<hbm>>
      %dma_wait3A_1291 = tpu.memref_squeeze %dma_wait3A_1290 : memref<1x8736xf32, #tpu.memory_space<hbm>> -> memref<8736xf32, #tpu.memory_space<hbm>>
      %dma_wait3A_1292 = arith.constant 0 : i32
      %dma_wait3A_1293 = tpu.memref_slice %arg2[%add3A, %dma_wait3A_1292] : memref<32x8736xf32, #tpu.memory_space<hbm>> -> memref<1x8736xf32, #tpu.memory_space<hbm>>
      %dma_wait3A_1294 = tpu.memref_squeeze %dma_wait3A_1293 : memref<1x8736xf32, #tpu.memory_space<hbm>> -> memref<8736xf32, #tpu.memory_space<hbm>>
      tpu.wait_dma2 semaphore(%run_scoped3A : memref<!tpu.dma_semaphore, #tpu.memory_space<semaphore_mem>>) src(%dma_wait3A_1294 : memref<8736xf32, #tpu.memory_space<hbm>>) dst(%arg6 : memref<8736xf32, #tpu.memory_space<vmem>>)
      tpu.yield
    }) : () -> ()
    "tpu.region"() ({
      %run_scoped3A = tpu.sem_alloc : memref<!tpu.dma_semaphore, #tpu.memory_space<semaphore_mem>>
      %dma_start3A = arith.constant 0 : i32
      %dma_start3A_1285 = tpu.memref_slice %arg3[%add3A, %dma_start3A] : memref<32x8736xf32, #tpu.memory_space<hbm>> -> memref<1x8736xf32, #tpu.memory_space<hbm>>
      %dma_start3A_1286 = tpu.memref_squeeze %dma_start3A_1285 : memref<1x8736xf32, #tpu.memory_space<hbm>> -> memref<8736xf32, #tpu.memory_space<hbm>>
      %dma_start3A_1287 = arith.constant 0 : i32
      %dma_start3A_1288 = tpu.memref_slice %arg3[%add3A, %dma_start3A_1287] : memref<32x8736xf32, #tpu.memory_space<hbm>> -> memref<1x8736xf32, #tpu.memory_space<hbm>>
      %dma_start3A_1289 = tpu.memref_squeeze %dma_start3A_1288 : memref<1x8736xf32, #tpu.memory_space<hbm>> -> memref<8736xf32, #tpu.memory_space<hbm>>
      tpu.enqueue_dma source(%dma_start3A_1289 : memref<8736xf32, #tpu.memory_space<hbm>>) target(%arg7 : memref<8736xf32, #tpu.memory_space<vmem>>) target_semaphore(%run_scoped3A : memref<!tpu.dma_semaphore, #tpu.memory_space<semaphore_mem>>)
      %dma_wait3A = arith.constant 0 : i32
      %dma_wait3A_1290 = tpu.memref_slice %arg3[%add3A, %dma_wait3A] : memref<32x8736xf32, #tpu.memory_space<hbm>> -> memref<1x8736xf32, #tpu.memory_space<hbm>>
      %dma_wait3A_1291 = tpu.memref_squeeze %dma_wait3A_1290 : memref<1x8736xf32, #tpu.memory_space<hbm>> -> memref<8736xf32, #tpu.memory_space<hbm>>
      %dma_wait3A_1292 = arith.constant 0 : i32
      %dma_wait3A_1293 = tpu.memref_slice %arg3[%add3A, %dma_wait3A_1292] : memref<32x8736xf32, #tpu.memory_space<hbm>> -> memref<1x8736xf32, #tpu.memory_space<hbm>>
      %dma_wait3A_1294 = tpu.memref_squeeze %dma_wait3A_1293 : memref<1x8736xf32, #tpu.memory_space<hbm>> -> memref<8736xf32, #tpu.memory_space<hbm>>
      tpu.wait_dma2 semaphore(%run_scoped3A : memref<!tpu.dma_semaphore, #tpu.memory_space<semaphore_mem>>) src(%dma_wait3A_1294 : memref<8736xf32, #tpu.memory_space<hbm>>) dst(%arg7 : memref<8736xf32, #tpu.memory_space<vmem>>)
      tpu.yield
    }) : () -> ()
    "tpu.region"() ({
      %run_scoped3A = tpu.sem_alloc : memref<!tpu.dma_semaphore, #tpu.memory_space<semaphore_mem>>
      %dma_start3A = arith.constant 0 : i32
      %dma_start3A_1285 = tpu.memref_slice %arg4[%add3A, %dma_start3A] : memref<32x16xi32, #tpu.memory_space<hbm>> -> memref<1x16xi32, #tpu.memory_space<hbm>>
      %dma_start3A_1286 = tpu.memref_squeeze %dma_start3A_1285 : memref<1x16xi32, #tpu.memory_space<hbm>> -> memref<16xi32, #tpu.memory_space<hbm>>
      %dma_start3A_1287 = arith.constant 0 : i32
      %dma_start3A_1288 = tpu.memref_slice %arg4[%add3A, %dma_start3A_1287] : memref<32x16xi32, #tpu.memory_space<hbm>> -> memref<1x16xi32, #tpu.memory_space<hbm>>
      %dma_start3A_1289 = tpu.memref_squeeze %dma_start3A_1288 : memref<1x16xi32, #tpu.memory_space<hbm>> -> memref<16xi32, #tpu.memory_space<hbm>>
      tpu.enqueue_dma source(%dma_start3A_1289 : memref<16xi32, #tpu.memory_space<hbm>>) target(%arg8 : memref<16xi32, #tpu.memory_space<vmem>>) target_semaphore(%run_scoped3A : memref<!tpu.dma_semaphore, #tpu.memory_space<semaphore_mem>>)
      %dma_wait3A = arith.constant 0 : i32
      %dma_wait3A_1290 = tpu.memref_slice %arg4[%add3A, %dma_wait3A] : memref<32x16xi32, #tpu.memory_space<hbm>> -> memref<1x16xi32, #tpu.memory_space<hbm>>
      %dma_wait3A_1291 = tpu.memref_squeeze %dma_wait3A_1290 : memref<1x16xi32, #tpu.memory_space<hbm>> -> memref<16xi32, #tpu.memory_space<hbm>>
      %dma_wait3A_1292 = arith.constant 0 : i32
      %dma_wait3A_1293 = tpu.memref_slice %arg4[%add3A, %dma_wait3A_1292] : memref<32x16xi32, #tpu.memory_space<hbm>> -> memref<1x16xi32, #tpu.memory_space<hbm>>
      %dma_wait3A_1294 = tpu.memref_squeeze %dma_wait3A_1293 : memref<1x16xi32, #tpu.memory_space<hbm>> -> memref<16xi32, #tpu.memory_space<hbm>>
      tpu.wait_dma2 semaphore(%run_scoped3A : memref<!tpu.dma_semaphore, #tpu.memory_space<semaphore_mem>>) src(%dma_wait3A_1294 : memref<16xi32, #tpu.memory_space<hbm>>) dst(%arg8 : memref<16xi32, #tpu.memory_space<vmem>>)
      tpu.yield
    }) : () -> ()
    %get3A = arith.constant 0 : index
    %get3A_1 = tpu.vector_load %arg8[%get3A] {strides = array<i32>} : memref<16xi32, #tpu.memory_space<vmem>>, vector<16xi32>,
    %get3A_2 = vector.shape_cast %get3A_1 : vector<16xi32> to vector<16xi32>
    %broadcast_in_dim3A = arith.constant 0 : i32
    %broadcast_in_dim3A_3 = vector.broadcast %broadcast_in_dim3A : i32 to vector<16xi32>
    %broadcast_in_dim3A_4 = arith.constant 1 : i32
    %broadcast_in_dim3A_5 = vector.broadcast %broadcast_in_dim3A_4 : i32 to vector<16xi32>
    %broadcast_in_dim3A_6 = arith.constant 1073741824 : i32
    %broadcast_in_dim3A_7 = vector.broadcast %broadcast_in_dim3A_6 : i32 to vector<16xi32>
    %or3A = arith.ori %broadcast_in_dim3A_3, %broadcast_in_dim3A_7 : vector<16xi32>
    %scan3A = arith.constant 0 : i32
    %scan3A_8 = arith.constant 546 : i32
    %scan3A_9 = arith.addi %scan3A, %scan3A_8 : i32
    %scan3A_10 = arith.constant 1 : i32
    %scan3A_11 = scf.for %scan3A_1285 = %scan3A to %scan3A_9 step %scan3A_10 iter_args(%scan3A_1286 = %broadcast_in_dim3A_3) -> (vector<16xi32>)  : i32 {
      %mul3A_1287 = arith.constant 16 : i32
      %mul3A_1288 = arith.muli %scan3A_1285, %mul3A_1287 : i32
      %get3A_1289 = arith.index_cast %mul3A_1288 : i32 to index
      %get3A_1290 = tpu.vector_load %arg7[%get3A_1289] {strides = array<i32>} : memref<8736xf32, #tpu.memory_space<vmem>>, vector<16xf32>,
      %get3A_1291 = vector.shape_cast %get3A_1290 : vector<16xf32> to vector<16xf32>
      %bitcast_convert_type3A = tpu.bitcast %get3A_1291 : vector<16xf32> -> vector<16xi32>
      %ge3A_1292 = arith.cmpi sge, %bitcast_convert_type3A, %or3A : vector<16xi32>
      %select_n3A_1293 = arith.select %ge3A_1292, %broadcast_in_dim3A_5, %broadcast_in_dim3A_3 : vector<16xi1>, vector<16xi32>
      %add3A_1294 = arith.addi %scan3A_1286, %select_n3A_1293 : vector<16xi32>
      scf.yield %add3A_1294 : vector<16xi32>
    }
    %scan3A_12 = arith.constant 546 : i32
    %iota3A = tpu.iota {dimensions = array<i32: 0>} : vector<16xi32>
    %xor3A = arith.constant 1 : i32
    %xor3A_13 = vector.broadcast %xor3A : i32 to vector<16xi32>
    %xor3A_14 = arith.xori %iota3A, %xor3A_13 : vector<16xi32>
    %broadcast_in_dim3A_15 = vector.shape_cast %xor3A_14 : vector<16xi32> to vector<16x1xi32>
    %gather3A = vector.shape_cast %broadcast_in_dim3A_15 : vector<16x1xi32> to vector<16xi32>
    %gather3A_16 = tpu.dynamic_gather %scan3A_11[%gather3A] in [0] : vector<16xi32>, vector<16xi32> -> vector<16xi32>
    %add3A_17 = arith.addi %scan3A_11, %gather3A_16 : vector<16xi32>
    %xor3A_18 = arith.constant 2 : i32
    %xor3A_19 = vector.broadcast %xor3A_18 : i32 to vector<16xi32>
    %xor3A_20 = arith.xori %iota3A, %xor3A_19 : vector<16xi32>
    %broadcast_in_dim3A_21 = vector.shape_cast %xor3A_20 : vector<16xi32> to vector<16x1xi32>
    %gather3A_22 = vector.shape_cast %broadcast_in_dim3A_21 : vector<16x1xi32> to vector<16xi32>
    %gather3A_23 = tpu.dynamic_gather %add3A_17[%gather3A_22] in [0] : vector<16xi32>, vector<16xi32> -> vector<16xi32>
    %add3A_24 = arith.addi %add3A_17, %gather3A_23 : vector<16xi32>
    %xor3A_25 = arith.constant 4 : i32
    %xor3A_26 = vector.broadcast %xor3A_25 : i32 to vector<16xi32>
    %xor3A_27 = arith.xori %iota3A, %xor3A_26 : vector<16xi32>
    %broadcast_in_dim3A_28 = vector.shape_cast %xor3A_27 : vector<16xi32> to vector<16x1xi32>
    %gather3A_29 = vector.shape_cast %broadcast_in_dim3A_28 : vector<16x1xi32> to vector<16xi32>
    %gather3A_30 = tpu.dynamic_gather %add3A_24[%gather3A_29] in [0] : vector<16xi32>, vector<16xi32> -> vector<16xi32>
    %add3A_31 = arith.addi %add3A_24, %gather3A_30 : vector<16xi32>
    %xor3A_32 = arith.constant 8 : i32
    %xor3A_33 = vector.broadcast %xor3A_32 : i32 to vector<16xi32>
    %xor3A_34 = arith.xori %iota3A, %xor3A_33 : vector<16xi32>
    %broadcast_in_dim3A_35 = vector.shape_cast %xor3A_34 : vector<16xi32> to vector<16x1xi32>
    %gather3A_36 = vector.shape_cast %broadcast_in_dim3A_35 : vector<16x1xi32> to vector<16xi32>
    %gather3A_37 = tpu.dynamic_gather %add3A_31[%gather3A_36] in [0] : vector<16xi32>, vector<16xi32> -> vector<16xi32>
    %add3A_38 = arith.addi %add3A_31, %gather3A_37 : vector<16xi32>
    %ge3A = arith.cmpi sge, %add3A_38, %get3A_2 : vector<16xi32>
    %select_n3A = arith.select %ge3A, %or3A, %broadcast_in_dim3A_3 : vector<16xi1>, vector<16xi32>
    %broadcast_in_dim3A_39 = arith.constant 536870912 : i32
    %broadcast_in_dim3A_40 = vector.broadcast %broadcast_in_dim3A_39 : i32 to vector<16xi32>
    %or3A_41 = arith.ori %select_n3A, %broadcast_in_dim3A_40 : vector<16xi32>
    %scan3A_42 = arith.constant 0 : i32
    %scan3A_43 = arith.constant 546 : i32
    %scan3A_44 = arith.addi %scan3A_42, %scan3A_43 : i32
    %scan3A_45 = arith.constant 1 : i32
    %scan3A_46 = scf.for %scan3A_1285 = %scan3A_42 to %scan3A_44 step %scan3A_45 iter_args(%scan3A_1286 = %broadcast_in_dim3A_3) -> (vector<16xi32>)  : i32 {
      %mul3A_1287 = arith.constant 16 : i32
      %mul3A_1288 = arith.muli %scan3A_1285, %mul3A_1287 : i32
      %get3A_1289 = arith.index_cast %mul3A_1288 : i32 to index
      %get3A_1290 = tpu.vector_load %arg7[%get3A_1289] {strides = array<i32>} : memref<8736xf32, #tpu.memory_space<vmem>>, vector<16xf32>,
      %get3A_1291 = vector.shape_cast %get3A_1290 : vector<16xf32> to vector<16xf32>
      %bitcast_convert_type3A = tpu.bitcast %get3A_1291 : vector<16xf32> -> vector<16xi32>
      %ge3A_1292 = arith.cmpi sge, %bitcast_convert_type3A, %or3A_41 : vector<16xi32>
      %select_n3A_1293 = arith.select %ge3A_1292, %broadcast_in_dim3A_5, %broadcast_in_dim3A_3 : vector<16xi1>, vector<16xi32>
      %add3A_1294 = arith.addi %scan3A_1286, %select_n3A_1293 : vector<16xi32>
      scf.yield %add3A_1294 : vector<16xi32>
    }
    %scan3A_47 = arith.constant 546 : i32
    %iota3A_48 = tpu.iota {dimensions = array<i32: 0>} : vector<16xi32>
    %xor3A_49 = arith.constant 1 : i32
    %xor3A_50 = vector.broadcast %xor3A_49 : i32 to vector<16xi32>
    %xor3A_51 = arith.xori %iota3A_48, %xor3A_50 : vector<16xi32>
    %broadcast_in_dim3A_52 = vector.shape_cast %xor3A_51 : vector<16xi32> to vector<16x1xi32>
    %gather3A_53 = vector.shape_cast %broadcast_in_dim3A_52 : vector<16x1xi32> to vector<16xi32>
    %gather3A_54 = tpu.dynamic_gather %scan3A_46[%gather3A_53] in [0] : vector<16xi32>, vector<16xi32> -> vector<16xi32>
    %add3A_55 = arith.addi %scan3A_46, %gather3A_54 : vector<16xi32>
    %xor3A_56 = arith.constant 2 : i32
    %xor3A_57 = vector.broadcast %xor3A_56 : i32 to vector<16xi32>
    %xor3A_58 = arith.xori %iota3A_48, %xor3A_57 : vector<16xi32>
    %broadcast_in_dim3A_59 = vector.shape_cast %xor3A_58 : vector<16xi32> to vector<16x1xi32>
    %gather3A_60 = vector.shape_cast %broadcast_in_dim3A_59 : vector<16x1xi32> to vector<16xi32>
    %gather3A_61 = tpu.dynamic_gather %add3A_55[%gather3A_60] in [0] : vector<16xi32>, vector<16xi32> -> vector<16xi32>
    %add3A_62 = arith.addi %add3A_55, %gather3A_61 : vector<16xi32>
    %xor3A_63 = arith.constant 4 : i32
    %xor3A_64 = vector.broadcast %xor3A_63 : i32 to vector<16xi32>
    %xor3A_65 = arith.xori %iota3A_48, %xor3A_64 : vector<16xi32>
    %broadcast_in_dim3A_66 = vector.shape_cast %xor3A_65 : vector<16xi32> to vector<16x1xi32>
    %gather3A_67 = vector.shape_cast %broadcast_in_dim3A_66 : vector<16x1xi32> to vector<16xi32>
    %gather3A_68 = tpu.dynamic_gather %add3A_62[%gather3A_67] in [0] : vector<16xi32>, vector<16xi32> -> vector<16xi32>
    %add3A_69 = arith.addi %add3A_62, %gather3A_68 : vector<16xi32>
    %xor3A_70 = arith.constant 8 : i32
    %xor3A_71 = vector.broadcast %xor3A_70 : i32 to vector<16xi32>
    %xor3A_72 = arith.xori %iota3A_48, %xor3A_71 : vector<16xi32>
    %broadcast_in_dim3A_73 = vector.shape_cast %xor3A_72 : vector<16xi32> to vector<16x1xi32>
    %gather3A_74 = vector.shape_cast %broadcast_in_dim3A_73 : vector<16x1xi32> to vector<16xi32>
    %gather3A_75 = tpu.dynamic_gather %add3A_69[%gather3A_74] in [0] : vector<16xi32>, vector<16xi32> -> vector<16xi32>
    %add3A_76 = arith.addi %add3A_69, %gather3A_75 : vector<16xi32>
    %ge3A_77 = arith.cmpi sge, %add3A_76, %get3A_2 : vector<16xi32>
    %select_n3A_78 = arith.select %ge3A_77, %or3A_41, %select_n3A : vector<16xi1>, vector<16xi32>
    %broadcast_in_dim3A_79 = arith.constant 268435456 : i32
    %broadcast_in_dim3A_80 = vector.broadcast %broadcast_in_dim3A_79 : i32 to vector<16xi32>
    %or3A_81 = arith.ori %select_n3A_78, %broadcast_in_dim3A_80 : vector<16xi32>
    %scan3A_82 = arith.constant 0 : i32
    %scan3A_83 = arith.constant 546 : i32
    %scan3A_84 = arith.addi %scan3A_82, %scan3A_83 : i32
    %scan3A_85 = arith.constant 1 : i32
    %scan3A_86 = scf.for %scan3A_1285 = %scan3A_82 to %scan3A_84 step %scan3A_85 iter_args(%scan3A_1286 = %broadcast_in_dim3A_3) -> (vector<16xi32>)  : i32 {
      %mul3A_1287 = arith.constant 16 : i32
      %mul3A_1288 = arith.muli %scan3A_1285, %mul3A_1287 : i32
      %get3A_1289 = arith.index_cast %mul3A_1288 : i32 to index
      %get3A_1290 = tpu.vector_load %arg7[%get3A_1289] {strides = array<i32>} : memref<8736xf32, #tpu.memory_space<vmem>>, vector<16xf32>,
      %get3A_1291 = vector.shape_cast %get3A_1290 : vector<16xf32> to vector<16xf32>
      %bitcast_convert_type3A = tpu.bitcast %get3A_1291 : vector<16xf32> -> vector<16xi32>
      %ge3A_1292 = arith.cmpi sge, %bitcast_convert_type3A, %or3A_81 : vector<16xi32>
      %select_n3A_1293 = arith.select %ge3A_1292, %broadcast_in_dim3A_5, %broadcast_in_dim3A_3 : vector<16xi1>, vector<16xi32>
      %add3A_1294 = arith.addi %scan3A_1286, %select_n3A_1293 : vector<16xi32>
      scf.yield %add3A_1294 : vector<16xi32>
    }
    %scan3A_87 = arith.constant 546 : i32
    %iota3A_88 = tpu.iota {dimensions = array<i32: 0>} : vector<16xi32>
    %xor3A_89 = arith.constant 1 : i32
    %xor3A_90 = vector.broadcast %xor3A_89 : i32 to vector<16xi32>
    %xor3A_91 = arith.xori %iota3A_88, %xor3A_90 : vector<16xi32>
    %broadcast_in_dim3A_92 = vector.shape_cast %xor3A_91 : vector<16xi32> to vector<16x1xi32>
    %gather3A_93 = vector.shape_cast %broadcast_in_dim3A_92 : vector<16x1xi32> to vector<16xi32>
    %gather3A_94 = tpu.dynamic_gather %scan3A_86[%gather3A_93] in [0] : vector<16xi32>, vector<16xi32> -> vector<16xi32>
    %add3A_95 = arith.addi %scan3A_86, %gather3A_94 : vector<16xi32>
    %xor3A_96 = arith.constant 2 : i32
    %xor3A_97 = vector.broadcast %xor3A_96 : i32 to vector<16xi32>
    %xor3A_98 = arith.xori %iota3A_88, %xor3A_97 : vector<16xi32>
    %broadcast_in_dim3A_99 = vector.shape_cast %xor3A_98 : vector<16xi32> to vector<16x1xi32>
    %gather3A_100 = vector.shape_cast %broadcast_in_dim3A_99 : vector<16x1xi32> to vector<16xi32>
    %gather3A_101 = tpu.dynamic_gather %add3A_95[%gather3A_100] in [0] : vector<16xi32>, vector<16xi32> -> vector<16xi32>
    %add3A_102 = arith.addi %add3A_95, %gather3A_101 : vector<16xi32>
    %xor3A_103 = arith.constant 4 : i32
    %xor3A_104 = vector.broadcast %xor3A_103 : i32 to vector<16xi32>
    %xor3A_105 = arith.xori %iota3A_88, %xor3A_104 : vector<16xi32>
    %broadcast_in_dim3A_106 = vector.shape_cast %xor3A_105 : vector<16xi32> to vector<16x1xi32>
    %gather3A_107 = vector.shape_cast %broadcast_in_dim3A_106 : vector<16x1xi32> to vector<16xi32>
    %gather3A_108 = tpu.dynamic_gather %add3A_102[%gather3A_107] in [0] : vector<16xi32>, vector<16xi32> -> vector<16xi32>
    %add3A_109 = arith.addi %add3A_102, %gather3A_108 : vector<16xi32>
    %xor3A_110 = arith.constant 8 : i32
    %xor3A_111 = vector.broadcast %xor3A_110 : i32 to vector<16xi32>
    %xor3A_112 = arith.xori %iota3A_88, %xor3A_111 : vector<16xi32>
    %broadcast_in_dim3A_113 = vector.shape_cast %xor3A_112 : vector<16xi32> to vector<16x1xi32>
    %gather3A_114 = vector.shape_cast %broadcast_in_dim3A_113 : vector<16x1xi32> to vector<16xi32>
    %gather3A_115 = tpu.dynamic_gather %add3A_109[%gather3A_114] in [0] : vector<16xi32>, vector<16xi32> -> vector<16xi32>
    %add3A_116 = arith.addi %add3A_109, %gather3A_115 : vector<16xi32>
    %ge3A_117 = arith.cmpi sge, %add3A_116, %get3A_2 : vector<16xi32>
    %select_n3A_118 = arith.select %ge3A_117, %or3A_81, %select_n3A_78 : vector<16xi1>, vector<16xi32>
    %broadcast_in_dim3A_119 = arith.constant 134217728 : i32
    %broadcast_in_dim3A_120 = vector.broadcast %broadcast_in_dim3A_119 : i32 to vector<16xi32>
    %or3A_121 = arith.ori %select_n3A_118, %broadcast_in_dim3A_120 : vector<16xi32>
    %scan3A_122 = arith.constant 0 : i32
    %scan3A_123 = arith.constant 546 : i32
    %scan3A_124 = arith.addi %scan3A_122, %scan3A_123 : i32
    %scan3A_125 = arith.constant 1 : i32
    %scan3A_126 = scf.for %scan3A_1285 = %scan3A_122 to %scan3A_124 step %scan3A_125 iter_args(%scan3A_1286 = %broadcast_in_dim3A_3) -> (vector<16xi32>)  : i32 {
      %mul3A_1287 = arith.constant 16 : i32
      %mul3A_1288 = arith.muli %scan3A_1285, %mul3A_1287 : i32
      %get3A_1289 = arith.index_cast %mul3A_1288 : i32 to index
      %get3A_1290 = tpu.vector_load %arg7[%get3A_1289] {strides = array<i32>} : memref<8736xf32, #tpu.memory_space<vmem>>, vector<16xf32>,
      %get3A_1291 = vector.shape_cast %get3A_1290 : vector<16xf32> to vector<16xf32>
      %bitcast_convert_type3A = tpu.bitcast %get3A_1291 : vector<16xf32> -> vector<16xi32>
      %ge3A_1292 = arith.cmpi sge, %bitcast_convert_type3A, %or3A_121 : vector<16xi32>
      %select_n3A_1293 = arith.select %ge3A_1292, %broadcast_in_dim3A_5, %broadcast_in_dim3A_3 : vector<16xi1>, vector<16xi32>
      %add3A_1294 = arith.addi %scan3A_1286, %select_n3A_1293 : vector<16xi32>
      scf.yield %add3A_1294 : vector<16xi32>
    }
    %scan3A_127 = arith.constant 546 : i32
    %iota3A_128 = tpu.iota {dimensions = array<i32: 0>} : vector<16xi32>
    %xor3A_129 = arith.constant 1 : i32
    %xor3A_130 = vector.broadcast %xor3A_129 : i32 to vector<16xi32>
    %xor3A_131 = arith.xori %iota3A_128, %xor3A_130 : vector<16xi32>
    %broadcast_in_dim3A_132 = vector.shape_cast %xor3A_131 : vector<16xi32> to vector<16x1xi32>
    %gather3A_133 = vector.shape_cast %broadcast_in_dim3A_132 : vector<16x1xi32> to vector<16xi32>
    %gather3A_134 = tpu.dynamic_gather %scan3A_126[%gather3A_133] in [0] : vector<16xi32>, vector<16xi32> -> vector<16xi32>
    %add3A_135 = arith.addi %scan3A_126, %gather3A_134 : vector<16xi32>
    %xor3A_136 = arith.constant 2 : i32
    %xor3A_137 = vector.broadcast %xor3A_136 : i32 to vector<16xi32>
    %xor3A_138 = arith.xori %iota3A_128, %xor3A_137 : vector<16xi32>
    %broadcast_in_dim3A_139 = vector.shape_cast %xor3A_138 : vector<16xi32> to vector<16x1xi32>
    %gather3A_140 = vector.shape_cast %broadcast_in_dim3A_139 : vector<16x1xi32> to vector<16xi32>
    %gather3A_141 = tpu.dynamic_gather %add3A_135[%gather3A_140] in [0] : vector<16xi32>, vector<16xi32> -> vector<16xi32>
    %add3A_142 = arith.addi %add3A_135, %gather3A_141 : vector<16xi32>
    %xor3A_143 = arith.constant 4 : i32
    %xor3A_144 = vector.broadcast %xor3A_143 : i32 to vector<16xi32>
    %xor3A_145 = arith.xori %iota3A_128, %xor3A_144 : vector<16xi32>
    %broadcast_in_dim3A_146 = vector.shape_cast %xor3A_145 : vector<16xi32> to vector<16x1xi32>
    %gather3A_147 = vector.shape_cast %broadcast_in_dim3A_146 : vector<16x1xi32> to vector<16xi32>
    %gather3A_148 = tpu.dynamic_gather %add3A_142[%gather3A_147] in [0] : vector<16xi32>, vector<16xi32> -> vector<16xi32>
    %add3A_149 = arith.addi %add3A_142, %gather3A_148 : vector<16xi32>
    %xor3A_150 = arith.constant 8 : i32
    %xor3A_151 = vector.broadcast %xor3A_150 : i32 to vector<16xi32>
    %xor3A_152 = arith.xori %iota3A_128, %xor3A_151 : vector<16xi32>
    %broadcast_in_dim3A_153 = vector.shape_cast %xor3A_152 : vector<16xi32> to vector<16x1xi32>
    %gather3A_154 = vector.shape_cast %broadcast_in_dim3A_153 : vector<16x1xi32> to vector<16xi32>
    %gather3A_155 = tpu.dynamic_gather %add3A_149[%gather3A_154] in [0] : vector<16xi32>, vector<16xi32> -> vector<16xi32>
    %add3A_156 = arith.addi %add3A_149, %gather3A_155 : vector<16xi32>
    %ge3A_157 = arith.cmpi sge, %add3A_156, %get3A_2 : vector<16xi32>
    %select_n3A_158 = arith.select %ge3A_157, %or3A_121, %select_n3A_118 : vector<16xi1>, vector<16xi32>
    %broadcast_in_dim3A_159 = arith.constant 67108864 : i32
    %broadcast_in_dim3A_160 = vector.broadcast %broadcast_in_dim3A_159 : i32 to vector<16xi32>
    %or3A_161 = arith.ori %select_n3A_158, %broadcast_in_dim3A_160 : vector<16xi32>
    %scan3A_162 = arith.constant 0 : i32
    %scan3A_163 = arith.constant 546 : i32
    %scan3A_164 = arith.addi %scan3A_162, %scan3A_163 : i32
    %scan3A_165 = arith.constant 1 : i32
    %scan3A_166 = scf.for %scan3A_1285 = %scan3A_162 to %scan3A_164 step %scan3A_165 iter_args(%scan3A_1286 = %broadcast_in_dim3A_3) -> (vector<16xi32>)  : i32 {
      %mul3A_1287 = arith.constant 16 : i32
      %mul3A_1288 = arith.muli %scan3A_1285, %mul3A_1287 : i32
      %get3A_1289 = arith.index_cast %mul3A_1288 : i32 to index
      %get3A_1290 = tpu.vector_load %arg7[%get3A_1289] {strides = array<i32>} : memref<8736xf32, #tpu.memory_space<vmem>>, vector<16xf32>,
      %get3A_1291 = vector.shape_cast %get3A_1290 : vector<16xf32> to vector<16xf32>
      %bitcast_convert_type3A = tpu.bitcast %get3A_1291 : vector<16xf32> -> vector<16xi32>
      %ge3A_1292 = arith.cmpi sge, %bitcast_convert_type3A, %or3A_161 : vector<16xi32>
      %select_n3A_1293 = arith.select %ge3A_1292, %broadcast_in_dim3A_5, %broadcast_in_dim3A_3 : vector<16xi1>, vector<16xi32>
      %add3A_1294 = arith.addi %scan3A_1286, %select_n3A_1293 : vector<16xi32>
      scf.yield %add3A_1294 : vector<16xi32>
    }
    %scan3A_167 = arith.constant 546 : i32
    %iota3A_168 = tpu.iota {dimensions = array<i32: 0>} : vector<16xi32>
    %xor3A_169 = arith.constant 1 : i32
    %xor3A_170 = vector.broadcast %xor3A_169 : i32 to vector<16xi32>
    %xor3A_171 = arith.xori %iota3A_168, %xor3A_170 : vector<16xi32>
    %broadcast_in_dim3A_172 = vector.shape_cast %xor3A_171 : vector<16xi32> to vector<16x1xi32>
    %gather3A_173 = vector.shape_cast %broadcast_in_dim3A_172 : vector<16x1xi32> to vector<16xi32>
    %gather3A_174 = tpu.dynamic_gather %scan3A_166[%gather3A_173] in [0] : vector<16xi32>, vector<16xi32> -> vector<16xi32>
    %add3A_175 = arith.addi %scan3A_166, %gather3A_174 : vector<16xi32>
    %xor3A_176 = arith.constant 2 : i32
    %xor3A_177 = vector.broadcast %xor3A_176 : i32 to vector<16xi32>
    %xor3A_178 = arith.xori %iota3A_168, %xor3A_177 : vector<16xi32>
    %broadcast_in_dim3A_179 = vector.shape_cast %xor3A_178 : vector<16xi32> to vector<16x1xi32>
    %gather3A_180 = vector.shape_cast %broadcast_in_dim3A_179 : vector<16x1xi32> to vector<16xi32>
    %gather3A_181 = tpu.dynamic_gather %add3A_175[%gather3A_180] in [0] : vector<16xi32>, vector<16xi32> -> vector<16xi32>
    %add3A_182 = arith.addi %add3A_175, %gather3A_181 : vector<16xi32>
    %xor3A_183 = arith.constant 4 : i32
    %xor3A_184 = vector.broadcast %xor3A_183 : i32 to vector<16xi32>
    %xor3A_185 = arith.xori %iota3A_168, %xor3A_184 : vector<16xi32>
    %broadcast_in_dim3A_186 = vector.shape_cast %xor3A_185 : vector<16xi32> to vector<16x1xi32>
    %gather3A_187 = vector.shape_cast %broadcast_in_dim3A_186 : vector<16x1xi32> to vector<16xi32>
    %gather3A_188 = tpu.dynamic_gather %add3A_182[%gather3A_187] in [0] : vector<16xi32>, vector<16xi32> -> vector<16xi32>
    %add3A_189 = arith.addi %add3A_182, %gather3A_188 : vector<16xi32>
    %xor3A_190 = arith.constant 8 : i32
    %xor3A_191 = vector.broadcast %xor3A_190 : i32 to vector<16xi32>
    %xor3A_192 = arith.xori %iota3A_168, %xor3A_191 : vector<16xi32>
    %broadcast_in_dim3A_193 = vector.shape_cast %xor3A_192 : vector<16xi32> to vector<16x1xi32>
    %gather3A_194 = vector.shape_cast %broadcast_in_dim3A_193 : vector<16x1xi32> to vector<16xi32>
    %gather3A_195 = tpu.dynamic_gather %add3A_189[%gather3A_194] in [0] : vector<16xi32>, vector<16xi32> -> vector<16xi32>
    %add3A_196 = arith.addi %add3A_189, %gather3A_195 : vector<16xi32>
    %ge3A_197 = arith.cmpi sge, %add3A_196, %get3A_2 : vector<16xi32>
    %select_n3A_198 = arith.select %ge3A_197, %or3A_161, %select_n3A_158 : vector<16xi1>, vector<16xi32>
    %broadcast_in_dim3A_199 = arith.constant 33554432 : i32
    %broadcast_in_dim3A_200 = vector.broadcast %broadcast_in_dim3A_199 : i32 to vector<16xi32>
    %or3A_201 = arith.ori %select_n3A_198, %broadcast_in_dim3A_200 : vector<16xi32>
    %scan3A_202 = arith.constant 0 : i32
    %scan3A_203 = arith.constant 546 : i32
    %scan3A_204 = arith.addi %scan3A_202, %scan3A_203 : i32
    %scan3A_205 = arith.constant 1 : i32
    %scan3A_206 = scf.for %scan3A_1285 = %scan3A_202 to %scan3A_204 step %scan3A_205 iter_args(%scan3A_1286 = %broadcast_in_dim3A_3) -> (vector<16xi32>)  : i32 {
      %mul3A_1287 = arith.constant 16 : i32
      %mul3A_1288 = arith.muli %scan3A_1285, %mul3A_1287 : i32
      %get3A_1289 = arith.index_cast %mul3A_1288 : i32 to index
      %get3A_1290 = tpu.vector_load %arg7[%get3A_1289] {strides = array<i32>} : memref<8736xf32, #tpu.memory_space<vmem>>, vector<16xf32>,
      %get3A_1291 = vector.shape_cast %get3A_1290 : vector<16xf32> to vector<16xf32>
      %bitcast_convert_type3A = tpu.bitcast %get3A_1291 : vector<16xf32> -> vector<16xi32>
      %ge3A_1292 = arith.cmpi sge, %bitcast_convert_type3A, %or3A_201 : vector<16xi32>
      %select_n3A_1293 = arith.select %ge3A_1292, %broadcast_in_dim3A_5, %broadcast_in_dim3A_3 : vector<16xi1>, vector<16xi32>
      %add3A_1294 = arith.addi %scan3A_1286, %select_n3A_1293 : vector<16xi32>
      scf.yield %add3A_1294 : vector<16xi32>
    }
    %scan3A_207 = arith.constant 546 : i32
    %iota3A_208 = tpu.iota {dimensions = array<i32: 0>} : vector<16xi32>
    %xor3A_209 = arith.constant 1 : i32
    %xor3A_210 = vector.broadcast %xor3A_209 : i32 to vector<16xi32>
    %xor3A_211 = arith.xori %iota3A_208, %xor3A_210 : vector<16xi32>
    %broadcast_in_dim3A_212 = vector.shape_cast %xor3A_211 : vector<16xi32> to vector<16x1xi32>
    %gather3A_213 = vector.shape_cast %broadcast_in_dim3A_212 : vector<16x1xi32> to vector<16xi32>
    %gather3A_214 = tpu.dynamic_gather %scan3A_206[%gather3A_213] in [0] : vector<16xi32>, vector<16xi32> -> vector<16xi32>
    %add3A_215 = arith.addi %scan3A_206, %gather3A_214 : vector<16xi32>
    %xor3A_216 = arith.constant 2 : i32
    %xor3A_217 = vector.broadcast %xor3A_216 : i32 to vector<16xi32>
    %xor3A_218 = arith.xori %iota3A_208, %xor3A_217 : vector<16xi32>
    %broadcast_in_dim3A_219 = vector.shape_cast %xor3A_218 : vector<16xi32> to vector<16x1xi32>
    %gather3A_220 = vector.shape_cast %broadcast_in_dim3A_219 : vector<16x1xi32> to vector<16xi32>
    %gather3A_221 = tpu.dynamic_gather %add3A_215[%gather3A_220] in [0] : vector<16xi32>, vector<16xi32> -> vector<16xi32>
    %add3A_222 = arith.addi %add3A_215, %gather3A_221 : vector<16xi32>
    %xor3A_223 = arith.constant 4 : i32
    %xor3A_224 = vector.broadcast %xor3A_223 : i32 to vector<16xi32>
    %xor3A_225 = arith.xori %iota3A_208, %xor3A_224 : vector<16xi32>
    %broadcast_in_dim3A_226 = vector.shape_cast %xor3A_225 : vector<16xi32> to vector<16x1xi32>
    %gather3A_227 = vector.shape_cast %broadcast_in_dim3A_226 : vector<16x1xi32> to vector<16xi32>
    %gather3A_228 = tpu.dynamic_gather %add3A_222[%gather3A_227] in [0] : vector<16xi32>, vector<16xi32> -> vector<16xi32>
    %add3A_229 = arith.addi %add3A_222, %gather3A_228 : vector<16xi32>
    %xor3A_230 = arith.constant 8 : i32
    %xor3A_231 = vector.broadcast %xor3A_230 : i32 to vector<16xi32>
    %xor3A_232 = arith.xori %iota3A_208, %xor3A_231 : vector<16xi32>
    %broadcast_in_dim3A_233 = vector.shape_cast %xor3A_232 : vector<16xi32> to vector<16x1xi32>
    %gather3A_234 = vector.shape_cast %broadcast_in_dim3A_233 : vector<16x1xi32> to vector<16xi32>
    %gather3A_235 = tpu.dynamic_gather %add3A_229[%gather3A_234] in [0] : vector<16xi32>, vector<16xi32> -> vector<16xi32>
    %add3A_236 = arith.addi %add3A_229, %gather3A_235 : vector<16xi32>
    %ge3A_237 = arith.cmpi sge, %add3A_236, %get3A_2 : vector<16xi32>
    %select_n3A_238 = arith.select %ge3A_237, %or3A_201, %select_n3A_198 : vector<16xi1>, vector<16xi32>
    %broadcast_in_dim3A_239 = arith.constant 16777216 : i32
    %broadcast_in_dim3A_240 = vector.broadcast %broadcast_in_dim3A_239 : i32 to vector<16xi32>
    %or3A_241 = arith.ori %select_n3A_238, %broadcast_in_dim3A_240 : vector<16xi32>
    %scan3A_242 = arith.constant 0 : i32
    %scan3A_243 = arith.constant 546 : i32
    %scan3A_244 = arith.addi %scan3A_242, %scan3A_243 : i32
    %scan3A_245 = arith.constant 1 : i32
    %scan3A_246 = scf.for %scan3A_1285 = %scan3A_242 to %scan3A_244 step %scan3A_245 iter_args(%scan3A_1286 = %broadcast_in_dim3A_3) -> (vector<16xi32>)  : i32 {
      %mul3A_1287 = arith.constant 16 : i32
      %mul3A_1288 = arith.muli %scan3A_1285, %mul3A_1287 : i32
      %get3A_1289 = arith.index_cast %mul3A_1288 : i32 to index
      %get3A_1290 = tpu.vector_load %arg7[%get3A_1289] {strides = array<i32>} : memref<8736xf32, #tpu.memory_space<vmem>>, vector<16xf32>,
      %get3A_1291 = vector.shape_cast %get3A_1290 : vector<16xf32> to vector<16xf32>
      %bitcast_convert_type3A = tpu.bitcast %get3A_1291 : vector<16xf32> -> vector<16xi32>
      %ge3A_1292 = arith.cmpi sge, %bitcast_convert_type3A, %or3A_241 : vector<16xi32>
      %select_n3A_1293 = arith.select %ge3A_1292, %broadcast_in_dim3A_5, %broadcast_in_dim3A_3 : vector<16xi1>, vector<16xi32>
      %add3A_1294 = arith.addi %scan3A_1286, %select_n3A_1293 : vector<16xi32>
      scf.yield %add3A_1294 : vector<16xi32>
    }
    %scan3A_247 = arith.constant 546 : i32
    %iota3A_248 = tpu.iota {dimensions = array<i32: 0>} : vector<16xi32>
    %xor3A_249 = arith.constant 1 : i32
    %xor3A_250 = vector.broadcast %xor3A_249 : i32 to vector<16xi32>
    %xor3A_251 = arith.xori %iota3A_248, %xor3A_250 : vector<16xi32>
    %broadcast_in_dim3A_252 = vector.shape_cast %xor3A_251 : vector<16xi32> to vector<16x1xi32>
    %gather3A_253 = vector.shape_cast %broadcast_in_dim3A_252 : vector<16x1xi32> to vector<16xi32>
    %gather3A_254 = tpu.dynamic_gather %scan3A_246[%gather3A_253] in [0] : vector<16xi32>, vector<16xi32> -> vector<16xi32>
    %add3A_255 = arith.addi %scan3A_246, %gather3A_254 : vector<16xi32>
    %xor3A_256 = arith.constant 2 : i32
    %xor3A_257 = vector.broadcast %xor3A_256 : i32 to vector<16xi32>
    %xor3A_258 = arith.xori %iota3A_248, %xor3A_257 : vector<16xi32>
    %broadcast_in_dim3A_259 = vector.shape_cast %xor3A_258 : vector<16xi32> to vector<16x1xi32>
    %gather3A_260 = vector.shape_cast %broadcast_in_dim3A_259 : vector<16x1xi32> to vector<16xi32>
    %gather3A_261 = tpu.dynamic_gather %add3A_255[%gather3A_260] in [0] : vector<16xi32>, vector<16xi32> -> vector<16xi32>
    %add3A_262 = arith.addi %add3A_255, %gather3A_261 : vector<16xi32>
    %xor3A_263 = arith.constant 4 : i32
    %xor3A_264 = vector.broadcast %xor3A_263 : i32 to vector<16xi32>
    %xor3A_265 = arith.xori %iota3A_248, %xor3A_264 : vector<16xi32>
    %broadcast_in_dim3A_266 = vector.shape_cast %xor3A_265 : vector<16xi32> to vector<16x1xi32>
    %gather3A_267 = vector.shape_cast %broadcast_in_dim3A_266 : vector<16x1xi32> to vector<16xi32>
    %gather3A_268 = tpu.dynamic_gather %add3A_262[%gather3A_267] in [0] : vector<16xi32>, vector<16xi32> -> vector<16xi32>
    %add3A_269 = arith.addi %add3A_262, %gather3A_268 : vector<16xi32>
    %xor3A_270 = arith.constant 8 : i32
    %xor3A_271 = vector.broadcast %xor3A_270 : i32 to vector<16xi32>
    %xor3A_272 = arith.xori %iota3A_248, %xor3A_271 : vector<16xi32>
    %broadcast_in_dim3A_273 = vector.shape_cast %xor3A_272 : vector<16xi32> to vector<16x1xi32>
    %gather3A_274 = vector.shape_cast %broadcast_in_dim3A_273 : vector<16x1xi32> to vector<16xi32>
    %gather3A_275 = tpu.dynamic_gather %add3A_269[%gather3A_274] in [0] : vector<16xi32>, vector<16xi32> -> vector<16xi32>
    %add3A_276 = arith.addi %add3A_269, %gather3A_275 : vector<16xi32>
    %ge3A_277 = arith.cmpi sge, %add3A_276, %get3A_2 : vector<16xi32>
    %select_n3A_278 = arith.select %ge3A_277, %or3A_241, %select_n3A_238 : vector<16xi1>, vector<16xi32>
    %broadcast_in_dim3A_279 = arith.constant 8388608 : i32
    %broadcast_in_dim3A_280 = vector.broadcast %broadcast_in_dim3A_279 : i32 to vector<16xi32>
    %or3A_281 = arith.ori %select_n3A_278, %broadcast_in_dim3A_280 : vector<16xi32>
    %scan3A_282 = arith.constant 0 : i32
    %scan3A_283 = arith.constant 546 : i32
    %scan3A_284 = arith.addi %scan3A_282, %scan3A_283 : i32
    %scan3A_285 = arith.constant 1 : i32
    %scan3A_286 = scf.for %scan3A_1285 = %scan3A_282 to %scan3A_284 step %scan3A_285 iter_args(%scan3A_1286 = %broadcast_in_dim3A_3) -> (vector<16xi32>)  : i32 {
      %mul3A_1287 = arith.constant 16 : i32
      %mul3A_1288 = arith.muli %scan3A_1285, %mul3A_1287 : i32
      %get3A_1289 = arith.index_cast %mul3A_1288 : i32 to index
      %get3A_1290 = tpu.vector_load %arg7[%get3A_1289] {strides = array<i32>} : memref<8736xf32, #tpu.memory_space<vmem>>, vector<16xf32>,
      %get3A_1291 = vector.shape_cast %get3A_1290 : vector<16xf32> to vector<16xf32>
      %bitcast_convert_type3A = tpu.bitcast %get3A_1291 : vector<16xf32> -> vector<16xi32>
      %ge3A_1292 = arith.cmpi sge, %bitcast_convert_type3A, %or3A_281 : vector<16xi32>
      %select_n3A_1293 = arith.select %ge3A_1292, %broadcast_in_dim3A_5, %broadcast_in_dim3A_3 : vector<16xi1>, vector<16xi32>
      %add3A_1294 = arith.addi %scan3A_1286, %select_n3A_1293 : vector<16xi32>
      scf.yield %add3A_1294 : vector<16xi32>
    }
    %scan3A_287 = arith.constant 546 : i32
    %iota3A_288 = tpu.iota {dimensions = array<i32: 0>} : vector<16xi32>
    %xor3A_289 = arith.constant 1 : i32
    %xor3A_290 = vector.broadcast %xor3A_289 : i32 to vector<16xi32>
    %xor3A_291 = arith.xori %iota3A_288, %xor3A_290 : vector<16xi32>
    %broadcast_in_dim3A_292 = vector.shape_cast %xor3A_291 : vector<16xi32> to vector<16x1xi32>
    %gather3A_293 = vector.shape_cast %broadcast_in_dim3A_292 : vector<16x1xi32> to vector<16xi32>
    %gather3A_294 = tpu.dynamic_gather %scan3A_286[%gather3A_293] in [0] : vector<16xi32>, vector<16xi32> -> vector<16xi32>
    %add3A_295 = arith.addi %scan3A_286, %gather3A_294 : vector<16xi32>
    %xor3A_296 = arith.constant 2 : i32
    %xor3A_297 = vector.broadcast %xor3A_296 : i32 to vector<16xi32>
    %xor3A_298 = arith.xori %iota3A_288, %xor3A_297 : vector<16xi32>
    %broadcast_in_dim3A_299 = vector.shape_cast %xor3A_298 : vector<16xi32> to vector<16x1xi32>
    %gather3A_300 = vector.shape_cast %broadcast_in_dim3A_299 : vector<16x1xi32> to vector<16xi32>
    %gather3A_301 = tpu.dynamic_gather %add3A_295[%gather3A_300] in [0] : vector<16xi32>, vector<16xi32> -> vector<16xi32>
    %add3A_302 = arith.addi %add3A_295, %gather3A_301 : vector<16xi32>
    %xor3A_303 = arith.constant 4 : i32
    %xor3A_304 = vector.broadcast %xor3A_303 : i32 to vector<16xi32>
    %xor3A_305 = arith.xori %iota3A_288, %xor3A_304 : vector<16xi32>
    %broadcast_in_dim3A_306 = vector.shape_cast %xor3A_305 : vector<16xi32> to vector<16x1xi32>
    %gather3A_307 = vector.shape_cast %broadcast_in_dim3A_306 : vector<16x1xi32> to vector<16xi32>
    %gather3A_308 = tpu.dynamic_gather %add3A_302[%gather3A_307] in [0] : vector<16xi32>, vector<16xi32> -> vector<16xi32>
    %add3A_309 = arith.addi %add3A_302, %gather3A_308 : vector<16xi32>
    %xor3A_310 = arith.constant 8 : i32
    %xor3A_311 = vector.broadcast %xor3A_310 : i32 to vector<16xi32>
    %xor3A_312 = arith.xori %iota3A_288, %xor3A_311 : vector<16xi32>
    %broadcast_in_dim3A_313 = vector.shape_cast %xor3A_312 : vector<16xi32> to vector<16x1xi32>
    %gather3A_314 = vector.shape_cast %broadcast_in_dim3A_313 : vector<16x1xi32> to vector<16xi32>
    %gather3A_315 = tpu.dynamic_gather %add3A_309[%gather3A_314] in [0] : vector<16xi32>, vector<16xi32> -> vector<16xi32>
    %add3A_316 = arith.addi %add3A_309, %gather3A_315 : vector<16xi32>
    %ge3A_317 = arith.cmpi sge, %add3A_316, %get3A_2 : vector<16xi32>
    %select_n3A_318 = arith.select %ge3A_317, %or3A_281, %select_n3A_278 : vector<16xi1>, vector<16xi32>
    %broadcast_in_dim3A_319 = arith.constant 4194304 : i32
    %broadcast_in_dim3A_320 = vector.broadcast %broadcast_in_dim3A_319 : i32 to vector<16xi32>
    %or3A_321 = arith.ori %select_n3A_318, %broadcast_in_dim3A_320 : vector<16xi32>
    %scan3A_322 = arith.constant 0 : i32
    %scan3A_323 = arith.constant 546 : i32
    %scan3A_324 = arith.addi %scan3A_322, %scan3A_323 : i32
    %scan3A_325 = arith.constant 1 : i32
    %scan3A_326 = scf.for %scan3A_1285 = %scan3A_322 to %scan3A_324 step %scan3A_325 iter_args(%scan3A_1286 = %broadcast_in_dim3A_3) -> (vector<16xi32>)  : i32 {
      %mul3A_1287 = arith.constant 16 : i32
      %mul3A_1288 = arith.muli %scan3A_1285, %mul3A_1287 : i32
      %get3A_1289 = arith.index_cast %mul3A_1288 : i32 to index
      %get3A_1290 = tpu.vector_load %arg7[%get3A_1289] {strides = array<i32>} : memref<8736xf32, #tpu.memory_space<vmem>>, vector<16xf32>,
      %get3A_1291 = vector.shape_cast %get3A_1290 : vector<16xf32> to vector<16xf32>
      %bitcast_convert_type3A = tpu.bitcast %get3A_1291 : vector<16xf32> -> vector<16xi32>
      %ge3A_1292 = arith.cmpi sge, %bitcast_convert_type3A, %or3A_321 : vector<16xi32>
      %select_n3A_1293 = arith.select %ge3A_1292, %broadcast_in_dim3A_5, %broadcast_in_dim3A_3 : vector<16xi1>, vector<16xi32>
      %add3A_1294 = arith.addi %scan3A_1286, %select_n3A_1293 : vector<16xi32>
      scf.yield %add3A_1294 : vector<16xi32>
    }
    %scan3A_327 = arith.constant 546 : i32
    %iota3A_328 = tpu.iota {dimensions = array<i32: 0>} : vector<16xi32>
    %xor3A_329 = arith.constant 1 : i32
    %xor3A_330 = vector.broadcast %xor3A_329 : i32 to vector<16xi32>
    %xor3A_331 = arith.xori %iota3A_328, %xor3A_330 : vector<16xi32>
    %broadcast_in_dim3A_332 = vector.shape_cast %xor3A_331 : vector<16xi32> to vector<16x1xi32>
    %gather3A_333 = vector.shape_cast %broadcast_in_dim3A_332 : vector<16x1xi32> to vector<16xi32>
    %gather3A_334 = tpu.dynamic_gather %scan3A_326[%gather3A_333] in [0] : vector<16xi32>, vector<16xi32> -> vector<16xi32>
    %add3A_335 = arith.addi %scan3A_326, %gather3A_334 : vector<16xi32>
    %xor3A_336 = arith.constant 2 : i32
    %xor3A_337 = vector.broadcast %xor3A_336 : i32 to vector<16xi32>
    %xor3A_338 = arith.xori %iota3A_328, %xor3A_337 : vector<16xi32>
    %broadcast_in_dim3A_339 = vector.shape_cast %xor3A_338 : vector<16xi32> to vector<16x1xi32>
    %gather3A_340 = vector.shape_cast %broadcast_in_dim3A_339 : vector<16x1xi32> to vector<16xi32>
    %gather3A_341 = tpu.dynamic_gather %add3A_335[%gather3A_340] in [0] : vector<16xi32>, vector<16xi32> -> vector<16xi32>
    %add3A_342 = arith.addi %add3A_335, %gather3A_341 : vector<16xi32>
    %xor3A_343 = arith.constant 4 : i32
    %xor3A_344 = vector.broadcast %xor3A_343 : i32 to vector<16xi32>
    %xor3A_345 = arith.xori %iota3A_328, %xor3A_344 : vector<16xi32>
    %broadcast_in_dim3A_346 = vector.shape_cast %xor3A_345 : vector<16xi32> to vector<16x1xi32>
    %gather3A_347 = vector.shape_cast %broadcast_in_dim3A_346 : vector<16x1xi32> to vector<16xi32>
    %gather3A_348 = tpu.dynamic_gather %add3A_342[%gather3A_347] in [0] : vector<16xi32>, vector<16xi32> -> vector<16xi32>
    %add3A_349 = arith.addi %add3A_342, %gather3A_348 : vector<16xi32>
    %xor3A_350 = arith.constant 8 : i32
    %xor3A_351 = vector.broadcast %xor3A_350 : i32 to vector<16xi32>
    %xor3A_352 = arith.xori %iota3A_328, %xor3A_351 : vector<16xi32>
    %broadcast_in_dim3A_353 = vector.shape_cast %xor3A_352 : vector<16xi32> to vector<16x1xi32>
    %gather3A_354 = vector.shape_cast %broadcast_in_dim3A_353 : vector<16x1xi32> to vector<16xi32>
    %gather3A_355 = tpu.dynamic_gather %add3A_349[%gather3A_354] in [0] : vector<16xi32>, vector<16xi32> -> vector<16xi32>
    %add3A_356 = arith.addi %add3A_349, %gather3A_355 : vector<16xi32>
    %ge3A_357 = arith.cmpi sge, %add3A_356, %get3A_2 : vector<16xi32>
    %select_n3A_358 = arith.select %ge3A_357, %or3A_321, %select_n3A_318 : vector<16xi1>, vector<16xi32>
    %broadcast_in_dim3A_359 = arith.constant 2097152 : i32
    %broadcast_in_dim3A_360 = vector.broadcast %broadcast_in_dim3A_359 : i32 to vector<16xi32>
    %or3A_361 = arith.ori %select_n3A_358, %broadcast_in_dim3A_360 : vector<16xi32>
    %scan3A_362 = arith.constant 0 : i32
    %scan3A_363 = arith.constant 546 : i32
    %scan3A_364 = arith.addi %scan3A_362, %scan3A_363 : i32
    %scan3A_365 = arith.constant 1 : i32
    %scan3A_366 = scf.for %scan3A_1285 = %scan3A_362 to %scan3A_364 step %scan3A_365 iter_args(%scan3A_1286 = %broadcast_in_dim3A_3) -> (vector<16xi32>)  : i32 {
      %mul3A_1287 = arith.constant 16 : i32
      %mul3A_1288 = arith.muli %scan3A_1285, %mul3A_1287 : i32
      %get3A_1289 = arith.index_cast %mul3A_1288 : i32 to index
      %get3A_1290 = tpu.vector_load %arg7[%get3A_1289] {strides = array<i32>} : memref<8736xf32, #tpu.memory_space<vmem>>, vector<16xf32>,
      %get3A_1291 = vector.shape_cast %get3A_1290 : vector<16xf32> to vector<16xf32>
      %bitcast_convert_type3A = tpu.bitcast %get3A_1291 : vector<16xf32> -> vector<16xi32>
      %ge3A_1292 = arith.cmpi sge, %bitcast_convert_type3A, %or3A_361 : vector<16xi32>
      %select_n3A_1293 = arith.select %ge3A_1292, %broadcast_in_dim3A_5, %broadcast_in_dim3A_3 : vector<16xi1>, vector<16xi32>
      %add3A_1294 = arith.addi %scan3A_1286, %select_n3A_1293 : vector<16xi32>
      scf.yield %add3A_1294 : vector<16xi32>
    }
    %scan3A_367 = arith.constant 546 : i32
    %iota3A_368 = tpu.iota {dimensions = array<i32: 0>} : vector<16xi32>
    %xor3A_369 = arith.constant 1 : i32
    %xor3A_370 = vector.broadcast %xor3A_369 : i32 to vector<16xi32>
    %xor3A_371 = arith.xori %iota3A_368, %xor3A_370 : vector<16xi32>
    %broadcast_in_dim3A_372 = vector.shape_cast %xor3A_371 : vector<16xi32> to vector<16x1xi32>
    %gather3A_373 = vector.shape_cast %broadcast_in_dim3A_372 : vector<16x1xi32> to vector<16xi32>
    %gather3A_374 = tpu.dynamic_gather %scan3A_366[%gather3A_373] in [0] : vector<16xi32>, vector<16xi32> -> vector<16xi32>
    %add3A_375 = arith.addi %scan3A_366, %gather3A_374 : vector<16xi32>
    %xor3A_376 = arith.constant 2 : i32
    %xor3A_377 = vector.broadcast %xor3A_376 : i32 to vector<16xi32>
    %xor3A_378 = arith.xori %iota3A_368, %xor3A_377 : vector<16xi32>
    %broadcast_in_dim3A_379 = vector.shape_cast %xor3A_378 : vector<16xi32> to vector<16x1xi32>
    %gather3A_380 = vector.shape_cast %broadcast_in_dim3A_379 : vector<16x1xi32> to vector<16xi32>
    %gather3A_381 = tpu.dynamic_gather %add3A_375[%gather3A_380] in [0] : vector<16xi32>, vector<16xi32> -> vector<16xi32>
    %add3A_382 = arith.addi %add3A_375, %gather3A_381 : vector<16xi32>
    %xor3A_383 = arith.constant 4 : i32
    %xor3A_384 = vector.broadcast %xor3A_383 : i32 to vector<16xi32>
    %xor3A_385 = arith.xori %iota3A_368, %xor3A_384 : vector<16xi32>
    %broadcast_in_dim3A_386 = vector.shape_cast %xor3A_385 : vector<16xi32> to vector<16x1xi32>
    %gather3A_387 = vector.shape_cast %broadcast_in_dim3A_386 : vector<16x1xi32> to vector<16xi32>
    %gather3A_388 = tpu.dynamic_gather %add3A_382[%gather3A_387] in [0] : vector<16xi32>, vector<16xi32> -> vector<16xi32>
    %add3A_389 = arith.addi %add3A_382, %gather3A_388 : vector<16xi32>
    %xor3A_390 = arith.constant 8 : i32
    %xor3A_391 = vector.broadcast %xor3A_390 : i32 to vector<16xi32>
    %xor3A_392 = arith.xori %iota3A_368, %xor3A_391 : vector<16xi32>
    %broadcast_in_dim3A_393 = vector.shape_cast %xor3A_392 : vector<16xi32> to vector<16x1xi32>
    %gather3A_394 = vector.shape_cast %broadcast_in_dim3A_393 : vector<16x1xi32> to vector<16xi32>
    %gather3A_395 = tpu.dynamic_gather %add3A_389[%gather3A_394] in [0] : vector<16xi32>, vector<16xi32> -> vector<16xi32>
    %add3A_396 = arith.addi %add3A_389, %gather3A_395 : vector<16xi32>
    %ge3A_397 = arith.cmpi sge, %add3A_396, %get3A_2 : vector<16xi32>
    %select_n3A_398 = arith.select %ge3A_397, %or3A_361, %select_n3A_358 : vector<16xi1>, vector<16xi32>
    %broadcast_in_dim3A_399 = arith.constant 1048576 : i32
    %broadcast_in_dim3A_400 = vector.broadcast %broadcast_in_dim3A_399 : i32 to vector<16xi32>
    %or3A_401 = arith.ori %select_n3A_398, %broadcast_in_dim3A_400 : vector<16xi32>
    %scan3A_402 = arith.constant 0 : i32
    %scan3A_403 = arith.constant 546 : i32
    %scan3A_404 = arith.addi %scan3A_402, %scan3A_403 : i32
    %scan3A_405 = arith.constant 1 : i32
    %scan3A_406 = scf.for %scan3A_1285 = %scan3A_402 to %scan3A_404 step %scan3A_405 iter_args(%scan3A_1286 = %broadcast_in_dim3A_3) -> (vector<16xi32>)  : i32 {
      %mul3A_1287 = arith.constant 16 : i32
      %mul3A_1288 = arith.muli %scan3A_1285, %mul3A_1287 : i32
      %get3A_1289 = arith.index_cast %mul3A_1288 : i32 to index
      %get3A_1290 = tpu.vector_load %arg7[%get3A_1289] {strides = array<i32>} : memref<8736xf32, #tpu.memory_space<vmem>>, vector<16xf32>,
      %get3A_1291 = vector.shape_cast %get3A_1290 : vector<16xf32> to vector<16xf32>
      %bitcast_convert_type3A = tpu.bitcast %get3A_1291 : vector<16xf32> -> vector<16xi32>
      %ge3A_1292 = arith.cmpi sge, %bitcast_convert_type3A, %or3A_401 : vector<16xi32>
      %select_n3A_1293 = arith.select %ge3A_1292, %broadcast_in_dim3A_5, %broadcast_in_dim3A_3 : vector<16xi1>, vector<16xi32>
      %add3A_1294 = arith.addi %scan3A_1286, %select_n3A_1293 : vector<16xi32>
      scf.yield %add3A_1294 : vector<16xi32>
    }
    %scan3A_407 = arith.constant 546 : i32
    %iota3A_408 = tpu.iota {dimensions = array<i32: 0>} : vector<16xi32>
    %xor3A_409 = arith.constant 1 : i32
    %xor3A_410 = vector.broadcast %xor3A_409 : i32 to vector<16xi32>
    %xor3A_411 = arith.xori %iota3A_408, %xor3A_410 : vector<16xi32>
    %broadcast_in_dim3A_412 = vector.shape_cast %xor3A_411 : vector<16xi32> to vector<16x1xi32>
    %gather3A_413 = vector.shape_cast %broadcast_in_dim3A_412 : vector<16x1xi32> to vector<16xi32>
    %gather3A_414 = tpu.dynamic_gather %scan3A_406[%gather3A_413] in [0] : vector<16xi32>, vector<16xi32> -> vector<16xi32>
    %add3A_415 = arith.addi %scan3A_406, %gather3A_414 : vector<16xi32>
    %xor3A_416 = arith.constant 2 : i32
    %xor3A_417 = vector.broadcast %xor3A_416 : i32 to vector<16xi32>
    %xor3A_418 = arith.xori %iota3A_408, %xor3A_417 : vector<16xi32>
    %broadcast_in_dim3A_419 = vector.shape_cast %xor3A_418 : vector<16xi32> to vector<16x1xi32>
    %gather3A_420 = vector.shape_cast %broadcast_in_dim3A_419 : vector<16x1xi32> to vector<16xi32>
    %gather3A_421 = tpu.dynamic_gather %add3A_415[%gather3A_420] in [0] : vector<16xi32>, vector<16xi32> -> vector<16xi32>
    %add3A_422 = arith.addi %add3A_415, %gather3A_421 : vector<16xi32>
    %xor3A_423 = arith.constant 4 : i32
    %xor3A_424 = vector.broadcast %xor3A_423 : i32 to vector<16xi32>
    %xor3A_425 = arith.xori %iota3A_408, %xor3A_424 : vector<16xi32>
    %broadcast_in_dim3A_426 = vector.shape_cast %xor3A_425 : vector<16xi32> to vector<16x1xi32>
    %gather3A_427 = vector.shape_cast %broadcast_in_dim3A_426 : vector<16x1xi32> to vector<16xi32>
    %gather3A_428 = tpu.dynamic_gather %add3A_422[%gather3A_427] in [0] : vector<16xi32>, vector<16xi32> -> vector<16xi32>
    %add3A_429 = arith.addi %add3A_422, %gather3A_428 : vector<16xi32>
    %xor3A_430 = arith.constant 8 : i32
    %xor3A_431 = vector.broadcast %xor3A_430 : i32 to vector<16xi32>
    %xor3A_432 = arith.xori %iota3A_408, %xor3A_431 : vector<16xi32>
    %broadcast_in_dim3A_433 = vector.shape_cast %xor3A_432 : vector<16xi32> to vector<16x1xi32>
    %gather3A_434 = vector.shape_cast %broadcast_in_dim3A_433 : vector<16x1xi32> to vector<16xi32>
    %gather3A_435 = tpu.dynamic_gather %add3A_429[%gather3A_434] in [0] : vector<16xi32>, vector<16xi32> -> vector<16xi32>
    %add3A_436 = arith.addi %add3A_429, %gather3A_435 : vector<16xi32>
    %ge3A_437 = arith.cmpi sge, %add3A_436, %get3A_2 : vector<16xi32>
    %select_n3A_438 = arith.select %ge3A_437, %or3A_401, %select_n3A_398 : vector<16xi1>, vector<16xi32>
    %broadcast_in_dim3A_439 = arith.constant 524288 : i32
    %broadcast_in_dim3A_440 = vector.broadcast %broadcast_in_dim3A_439 : i32 to vector<16xi32>
    %or3A_441 = arith.ori %select_n3A_438, %broadcast_in_dim3A_440 : vector<16xi32>
    %scan3A_442 = arith.constant 0 : i32
    %scan3A_443 = arith.constant 546 : i32
    %scan3A_444 = arith.addi %scan3A_442, %scan3A_443 : i32
    %scan3A_445 = arith.constant 1 : i32
    %scan3A_446 = scf.for %scan3A_1285 = %scan3A_442 to %scan3A_444 step %scan3A_445 iter_args(%scan3A_1286 = %broadcast_in_dim3A_3) -> (vector<16xi32>)  : i32 {
      %mul3A_1287 = arith.constant 16 : i32
      %mul3A_1288 = arith.muli %scan3A_1285, %mul3A_1287 : i32
      %get3A_1289 = arith.index_cast %mul3A_1288 : i32 to index
      %get3A_1290 = tpu.vector_load %arg7[%get3A_1289] {strides = array<i32>} : memref<8736xf32, #tpu.memory_space<vmem>>, vector<16xf32>,
      %get3A_1291 = vector.shape_cast %get3A_1290 : vector<16xf32> to vector<16xf32>
      %bitcast_convert_type3A = tpu.bitcast %get3A_1291 : vector<16xf32> -> vector<16xi32>
      %ge3A_1292 = arith.cmpi sge, %bitcast_convert_type3A, %or3A_441 : vector<16xi32>
      %select_n3A_1293 = arith.select %ge3A_1292, %broadcast_in_dim3A_5, %broadcast_in_dim3A_3 : vector<16xi1>, vector<16xi32>
      %add3A_1294 = arith.addi %scan3A_1286, %select_n3A_1293 : vector<16xi32>
      scf.yield %add3A_1294 : vector<16xi32>
    }
    %scan3A_447 = arith.constant 546 : i32
    %iota3A_448 = tpu.iota {dimensions = array<i32: 0>} : vector<16xi32>
    %xor3A_449 = arith.constant 1 : i32
    %xor3A_450 = vector.broadcast %xor3A_449 : i32 to vector<16xi32>
    %xor3A_451 = arith.xori %iota3A_448, %xor3A_450 : vector<16xi32>
    %broadcast_in_dim3A_452 = vector.shape_cast %xor3A_451 : vector<16xi32> to vector<16x1xi32>
    %gather3A_453 = vector.shape_cast %broadcast_in_dim3A_452 : vector<16x1xi32> to vector<16xi32>
    %gather3A_454 = tpu.dynamic_gather %scan3A_446[%gather3A_453] in [0] : vector<16xi32>, vector<16xi32> -> vector<16xi32>
    %add3A_455 = arith.addi %scan3A_446, %gather3A_454 : vector<16xi32>
    %xor3A_456 = arith.constant 2 : i32
    %xor3A_457 = vector.broadcast %xor3A_456 : i32 to vector<16xi32>
    %xor3A_458 = arith.xori %iota3A_448, %xor3A_457 : vector<16xi32>
    %broadcast_in_dim3A_459 = vector.shape_cast %xor3A_458 : vector<16xi32> to vector<16x1xi32>
    %gather3A_460 = vector.shape_cast %broadcast_in_dim3A_459 : vector<16x1xi32> to vector<16xi32>
    %gather3A_461 = tpu.dynamic_gather %add3A_455[%gather3A_460] in [0] : vector<16xi32>, vector<16xi32> -> vector<16xi32>
    %add3A_462 = arith.addi %add3A_455, %gather3A_461 : vector<16xi32>
    %xor3A_463 = arith.constant 4 : i32
    %xor3A_464 = vector.broadcast %xor3A_463 : i32 to vector<16xi32>
    %xor3A_465 = arith.xori %iota3A_448, %xor3A_464 : vector<16xi32>
    %broadcast_in_dim3A_466 = vector.shape_cast %xor3A_465 : vector<16xi32> to vector<16x1xi32>
    %gather3A_467 = vector.shape_cast %broadcast_in_dim3A_466 : vector<16x1xi32> to vector<16xi32>
    %gather3A_468 = tpu.dynamic_gather %add3A_462[%gather3A_467] in [0] : vector<16xi32>, vector<16xi32> -> vector<16xi32>
    %add3A_469 = arith.addi %add3A_462, %gather3A_468 : vector<16xi32>
    %xor3A_470 = arith.constant 8 : i32
    %xor3A_471 = vector.broadcast %xor3A_470 : i32 to vector<16xi32>
    %xor3A_472 = arith.xori %iota3A_448, %xor3A_471 : vector<16xi32>
    %broadcast_in_dim3A_473 = vector.shape_cast %xor3A_472 : vector<16xi32> to vector<16x1xi32>
    %gather3A_474 = vector.shape_cast %broadcast_in_dim3A_473 : vector<16x1xi32> to vector<16xi32>
    %gather3A_475 = tpu.dynamic_gather %add3A_469[%gather3A_474] in [0] : vector<16xi32>, vector<16xi32> -> vector<16xi32>
    %add3A_476 = arith.addi %add3A_469, %gather3A_475 : vector<16xi32>
    %ge3A_477 = arith.cmpi sge, %add3A_476, %get3A_2 : vector<16xi32>
    %select_n3A_478 = arith.select %ge3A_477, %or3A_441, %select_n3A_438 : vector<16xi1>, vector<16xi32>
    %broadcast_in_dim3A_479 = arith.constant 262144 : i32
    %broadcast_in_dim3A_480 = vector.broadcast %broadcast_in_dim3A_479 : i32 to vector<16xi32>
    %or3A_481 = arith.ori %select_n3A_478, %broadcast_in_dim3A_480 : vector<16xi32>
    %scan3A_482 = arith.constant 0 : i32
    %scan3A_483 = arith.constant 546 : i32
    %scan3A_484 = arith.addi %scan3A_482, %scan3A_483 : i32
    %scan3A_485 = arith.constant 1 : i32
    %scan3A_486 = scf.for %scan3A_1285 = %scan3A_482 to %scan3A_484 step %scan3A_485 iter_args(%scan3A_1286 = %broadcast_in_dim3A_3) -> (vector<16xi32>)  : i32 {
      %mul3A_1287 = arith.constant 16 : i32
      %mul3A_1288 = arith.muli %scan3A_1285, %mul3A_1287 : i32
      %get3A_1289 = arith.index_cast %mul3A_1288 : i32 to index
      %get3A_1290 = tpu.vector_load %arg7[%get3A_1289] {strides = array<i32>} : memref<8736xf32, #tpu.memory_space<vmem>>, vector<16xf32>,
      %get3A_1291 = vector.shape_cast %get3A_1290 : vector<16xf32> to vector<16xf32>
      %bitcast_convert_type3A = tpu.bitcast %get3A_1291 : vector<16xf32> -> vector<16xi32>
      %ge3A_1292 = arith.cmpi sge, %bitcast_convert_type3A, %or3A_481 : vector<16xi32>
      %select_n3A_1293 = arith.select %ge3A_1292, %broadcast_in_dim3A_5, %broadcast_in_dim3A_3 : vector<16xi1>, vector<16xi32>
      %add3A_1294 = arith.addi %scan3A_1286, %select_n3A_1293 : vector<16xi32>
      scf.yield %add3A_1294 : vector<16xi32>
    }
    %scan3A_487 = arith.constant 546 : i32
    %iota3A_488 = tpu.iota {dimensions = array<i32: 0>} : vector<16xi32>
    %xor3A_489 = arith.constant 1 : i32
    %xor3A_490 = vector.broadcast %xor3A_489 : i32 to vector<16xi32>
    %xor3A_491 = arith.xori %iota3A_488, %xor3A_490 : vector<16xi32>
    %broadcast_in_dim3A_492 = vector.shape_cast %xor3A_491 : vector<16xi32> to vector<16x1xi32>
    %gather3A_493 = vector.shape_cast %broadcast_in_dim3A_492 : vector<16x1xi32> to vector<16xi32>
    %gather3A_494 = tpu.dynamic_gather %scan3A_486[%gather3A_493] in [0] : vector<16xi32>, vector<16xi32> -> vector<16xi32>
    %add3A_495 = arith.addi %scan3A_486, %gather3A_494 : vector<16xi32>
    %xor3A_496 = arith.constant 2 : i32
    %xor3A_497 = vector.broadcast %xor3A_496 : i32 to vector<16xi32>
    %xor3A_498 = arith.xori %iota3A_488, %xor3A_497 : vector<16xi32>
    %broadcast_in_dim3A_499 = vector.shape_cast %xor3A_498 : vector<16xi32> to vector<16x1xi32>
    %gather3A_500 = vector.shape_cast %broadcast_in_dim3A_499 : vector<16x1xi32> to vector<16xi32>
    %gather3A_501 = tpu.dynamic_gather %add3A_495[%gather3A_500] in [0] : vector<16xi32>, vector<16xi32> -> vector<16xi32>
    %add3A_502 = arith.addi %add3A_495, %gather3A_501 : vector<16xi32>
    %xor3A_503 = arith.constant 4 : i32
    %xor3A_504 = vector.broadcast %xor3A_503 : i32 to vector<16xi32>
    %xor3A_505 = arith.xori %iota3A_488, %xor3A_504 : vector<16xi32>
    %broadcast_in_dim3A_506 = vector.shape_cast %xor3A_505 : vector<16xi32> to vector<16x1xi32>
    %gather3A_507 = vector.shape_cast %broadcast_in_dim3A_506 : vector<16x1xi32> to vector<16xi32>
    %gather3A_508 = tpu.dynamic_gather %add3A_502[%gather3A_507] in [0] : vector<16xi32>, vector<16xi32> -> vector<16xi32>
    %add3A_509 = arith.addi %add3A_502, %gather3A_508 : vector<16xi32>
    %xor3A_510 = arith.constant 8 : i32
    %xor3A_511 = vector.broadcast %xor3A_510 : i32 to vector<16xi32>
    %xor3A_512 = arith.xori %iota3A_488, %xor3A_511 : vector<16xi32>
    %broadcast_in_dim3A_513 = vector.shape_cast %xor3A_512 : vector<16xi32> to vector<16x1xi32>
    %gather3A_514 = vector.shape_cast %broadcast_in_dim3A_513 : vector<16x1xi32> to vector<16xi32>
    %gather3A_515 = tpu.dynamic_gather %add3A_509[%gather3A_514] in [0] : vector<16xi32>, vector<16xi32> -> vector<16xi32>
    %add3A_516 = arith.addi %add3A_509, %gather3A_515 : vector<16xi32>
    %ge3A_517 = arith.cmpi sge, %add3A_516, %get3A_2 : vector<16xi32>
    %select_n3A_518 = arith.select %ge3A_517, %or3A_481, %select_n3A_478 : vector<16xi1>, vector<16xi32>
    %broadcast_in_dim3A_519 = arith.constant 131072 : i32
    %broadcast_in_dim3A_520 = vector.broadcast %broadcast_in_dim3A_519 : i32 to vector<16xi32>
    %or3A_521 = arith.ori %select_n3A_518, %broadcast_in_dim3A_520 : vector<16xi32>
    %scan3A_522 = arith.constant 0 : i32
    %scan3A_523 = arith.constant 546 : i32
    %scan3A_524 = arith.addi %scan3A_522, %scan3A_523 : i32
    %scan3A_525 = arith.constant 1 : i32
    %scan3A_526 = scf.for %scan3A_1285 = %scan3A_522 to %scan3A_524 step %scan3A_525 iter_args(%scan3A_1286 = %broadcast_in_dim3A_3) -> (vector<16xi32>)  : i32 {
      %mul3A_1287 = arith.constant 16 : i32
      %mul3A_1288 = arith.muli %scan3A_1285, %mul3A_1287 : i32
      %get3A_1289 = arith.index_cast %mul3A_1288 : i32 to index
      %get3A_1290 = tpu.vector_load %arg7[%get3A_1289] {strides = array<i32>} : memref<8736xf32, #tpu.memory_space<vmem>>, vector<16xf32>,
      %get3A_1291 = vector.shape_cast %get3A_1290 : vector<16xf32> to vector<16xf32>
      %bitcast_convert_type3A = tpu.bitcast %get3A_1291 : vector<16xf32> -> vector<16xi32>
      %ge3A_1292 = arith.cmpi sge, %bitcast_convert_type3A, %or3A_521 : vector<16xi32>
      %select_n3A_1293 = arith.select %ge3A_1292, %broadcast_in_dim3A_5, %broadcast_in_dim3A_3 : vector<16xi1>, vector<16xi32>
      %add3A_1294 = arith.addi %scan3A_1286, %select_n3A_1293 : vector<16xi32>
      scf.yield %add3A_1294 : vector<16xi32>
    }
    %scan3A_527 = arith.constant 546 : i32
    %iota3A_528 = tpu.iota {dimensions = array<i32: 0>} : vector<16xi32>
    %xor3A_529 = arith.constant 1 : i32
    %xor3A_530 = vector.broadcast %xor3A_529 : i32 to vector<16xi32>
    %xor3A_531 = arith.xori %iota3A_528, %xor3A_530 : vector<16xi32>
    %broadcast_in_dim3A_532 = vector.shape_cast %xor3A_531 : vector<16xi32> to vector<16x1xi32>
    %gather3A_533 = vector.shape_cast %broadcast_in_dim3A_532 : vector<16x1xi32> to vector<16xi32>
    %gather3A_534 = tpu.dynamic_gather %scan3A_526[%gather3A_533] in [0] : vector<16xi32>, vector<16xi32> -> vector<16xi32>
    %add3A_535 = arith.addi %scan3A_526, %gather3A_534 : vector<16xi32>
    %xor3A_536 = arith.constant 2 : i32
    %xor3A_537 = vector.broadcast %xor3A_536 : i32 to vector<16xi32>
    %xor3A_538 = arith.xori %iota3A_528, %xor3A_537 : vector<16xi32>
    %broadcast_in_dim3A_539 = vector.shape_cast %xor3A_538 : vector<16xi32> to vector<16x1xi32>
    %gather3A_540 = vector.shape_cast %broadcast_in_dim3A_539 : vector<16x1xi32> to vector<16xi32>
    %gather3A_541 = tpu.dynamic_gather %add3A_535[%gather3A_540] in [0] : vector<16xi32>, vector<16xi32> -> vector<16xi32>
    %add3A_542 = arith.addi %add3A_535, %gather3A_541 : vector<16xi32>
    %xor3A_543 = arith.constant 4 : i32
    %xor3A_544 = vector.broadcast %xor3A_543 : i32 to vector<16xi32>
    %xor3A_545 = arith.xori %iota3A_528, %xor3A_544 : vector<16xi32>
    %broadcast_in_dim3A_546 = vector.shape_cast %xor3A_545 : vector<16xi32> to vector<16x1xi32>
    %gather3A_547 = vector.shape_cast %broadcast_in_dim3A_546 : vector<16x1xi32> to vector<16xi32>
    %gather3A_548 = tpu.dynamic_gather %add3A_542[%gather3A_547] in [0] : vector<16xi32>, vector<16xi32> -> vector<16xi32>
    %add3A_549 = arith.addi %add3A_542, %gather3A_548 : vector<16xi32>
    %xor3A_550 = arith.constant 8 : i32
    %xor3A_551 = vector.broadcast %xor3A_550 : i32 to vector<16xi32>
    %xor3A_552 = arith.xori %iota3A_528, %xor3A_551 : vector<16xi32>
    %broadcast_in_dim3A_553 = vector.shape_cast %xor3A_552 : vector<16xi32> to vector<16x1xi32>
    %gather3A_554 = vector.shape_cast %broadcast_in_dim3A_553 : vector<16x1xi32> to vector<16xi32>
    %gather3A_555 = tpu.dynamic_gather %add3A_549[%gather3A_554] in [0] : vector<16xi32>, vector<16xi32> -> vector<16xi32>
    %add3A_556 = arith.addi %add3A_549, %gather3A_555 : vector<16xi32>
    %ge3A_557 = arith.cmpi sge, %add3A_556, %get3A_2 : vector<16xi32>
    %select_n3A_558 = arith.select %ge3A_557, %or3A_521, %select_n3A_518 : vector<16xi1>, vector<16xi32>
    %broadcast_in_dim3A_559 = arith.constant 65536 : i32
    %broadcast_in_dim3A_560 = vector.broadcast %broadcast_in_dim3A_559 : i32 to vector<16xi32>
    %or3A_561 = arith.ori %select_n3A_558, %broadcast_in_dim3A_560 : vector<16xi32>
    %scan3A_562 = arith.constant 0 : i32
    %scan3A_563 = arith.constant 546 : i32
    %scan3A_564 = arith.addi %scan3A_562, %scan3A_563 : i32
    %scan3A_565 = arith.constant 1 : i32
    %scan3A_566 = scf.for %scan3A_1285 = %scan3A_562 to %scan3A_564 step %scan3A_565 iter_args(%scan3A_1286 = %broadcast_in_dim3A_3) -> (vector<16xi32>)  : i32 {
      %mul3A_1287 = arith.constant 16 : i32
      %mul3A_1288 = arith.muli %scan3A_1285, %mul3A_1287 : i32
      %get3A_1289 = arith.index_cast %mul3A_1288 : i32 to index
      %get3A_1290 = tpu.vector_load %arg7[%get3A_1289] {strides = array<i32>} : memref<8736xf32, #tpu.memory_space<vmem>>, vector<16xf32>,
      %get3A_1291 = vector.shape_cast %get3A_1290 : vector<16xf32> to vector<16xf32>
      %bitcast_convert_type3A = tpu.bitcast %get3A_1291 : vector<16xf32> -> vector<16xi32>
      %ge3A_1292 = arith.cmpi sge, %bitcast_convert_type3A, %or3A_561 : vector<16xi32>
      %select_n3A_1293 = arith.select %ge3A_1292, %broadcast_in_dim3A_5, %broadcast_in_dim3A_3 : vector<16xi1>, vector<16xi32>
      %add3A_1294 = arith.addi %scan3A_1286, %select_n3A_1293 : vector<16xi32>
      scf.yield %add3A_1294 : vector<16xi32>
    }
    %scan3A_567 = arith.constant 546 : i32
    %iota3A_568 = tpu.iota {dimensions = array<i32: 0>} : vector<16xi32>
    %xor3A_569 = arith.constant 1 : i32
    %xor3A_570 = vector.broadcast %xor3A_569 : i32 to vector<16xi32>
    %xor3A_571 = arith.xori %iota3A_568, %xor3A_570 : vector<16xi32>
    %broadcast_in_dim3A_572 = vector.shape_cast %xor3A_571 : vector<16xi32> to vector<16x1xi32>
    %gather3A_573 = vector.shape_cast %broadcast_in_dim3A_572 : vector<16x1xi32> to vector<16xi32>
    %gather3A_574 = tpu.dynamic_gather %scan3A_566[%gather3A_573] in [0] : vector<16xi32>, vector<16xi32> -> vector<16xi32>
    %add3A_575 = arith.addi %scan3A_566, %gather3A_574 : vector<16xi32>
    %xor3A_576 = arith.constant 2 : i32
    %xor3A_577 = vector.broadcast %xor3A_576 : i32 to vector<16xi32>
    %xor3A_578 = arith.xori %iota3A_568, %xor3A_577 : vector<16xi32>
    %broadcast_in_dim3A_579 = vector.shape_cast %xor3A_578 : vector<16xi32> to vector<16x1xi32>
    %gather3A_580 = vector.shape_cast %broadcast_in_dim3A_579 : vector<16x1xi32> to vector<16xi32>
    %gather3A_581 = tpu.dynamic_gather %add3A_575[%gather3A_580] in [0] : vector<16xi32>, vector<16xi32> -> vector<16xi32>
    %add3A_582 = arith.addi %add3A_575, %gather3A_581 : vector<16xi32>
    %xor3A_583 = arith.constant 4 : i32
    %xor3A_584 = vector.broadcast %xor3A_583 : i32 to vector<16xi32>
    %xor3A_585 = arith.xori %iota3A_568, %xor3A_584 : vector<16xi32>
    %broadcast_in_dim3A_586 = vector.shape_cast %xor3A_585 : vector<16xi32> to vector<16x1xi32>
    %gather3A_587 = vector.shape_cast %broadcast_in_dim3A_586 : vector<16x1xi32> to vector<16xi32>
    %gather3A_588 = tpu.dynamic_gather %add3A_582[%gather3A_587] in [0] : vector<16xi32>, vector<16xi32> -> vector<16xi32>
    %add3A_589 = arith.addi %add3A_582, %gather3A_588 : vector<16xi32>
    %xor3A_590 = arith.constant 8 : i32
    %xor3A_591 = vector.broadcast %xor3A_590 : i32 to vector<16xi32>
    %xor3A_592 = arith.xori %iota3A_568, %xor3A_591 : vector<16xi32>
    %broadcast_in_dim3A_593 = vector.shape_cast %xor3A_592 : vector<16xi32> to vector<16x1xi32>
    %gather3A_594 = vector.shape_cast %broadcast_in_dim3A_593 : vector<16x1xi32> to vector<16xi32>
    %gather3A_595 = tpu.dynamic_gather %add3A_589[%gather3A_594] in [0] : vector<16xi32>, vector<16xi32> -> vector<16xi32>
    %add3A_596 = arith.addi %add3A_589, %gather3A_595 : vector<16xi32>
    %ge3A_597 = arith.cmpi sge, %add3A_596, %get3A_2 : vector<16xi32>
    %select_n3A_598 = arith.select %ge3A_597, %or3A_561, %select_n3A_558 : vector<16xi1>, vector<16xi32>
    %broadcast_in_dim3A_599 = arith.constant 32768 : i32
    %broadcast_in_dim3A_600 = vector.broadcast %broadcast_in_dim3A_599 : i32 to vector<16xi32>
    %or3A_601 = arith.ori %select_n3A_598, %broadcast_in_dim3A_600 : vector<16xi32>
    %scan3A_602 = arith.constant 0 : i32
    %scan3A_603 = arith.constant 546 : i32
    %scan3A_604 = arith.addi %scan3A_602, %scan3A_603 : i32
    %scan3A_605 = arith.constant 1 : i32
    %scan3A_606 = scf.for %scan3A_1285 = %scan3A_602 to %scan3A_604 step %scan3A_605 iter_args(%scan3A_1286 = %broadcast_in_dim3A_3) -> (vector<16xi32>)  : i32 {
      %mul3A_1287 = arith.constant 16 : i32
      %mul3A_1288 = arith.muli %scan3A_1285, %mul3A_1287 : i32
      %get3A_1289 = arith.index_cast %mul3A_1288 : i32 to index
      %get3A_1290 = tpu.vector_load %arg7[%get3A_1289] {strides = array<i32>} : memref<8736xf32, #tpu.memory_space<vmem>>, vector<16xf32>,
      %get3A_1291 = vector.shape_cast %get3A_1290 : vector<16xf32> to vector<16xf32>
      %bitcast_convert_type3A = tpu.bitcast %get3A_1291 : vector<16xf32> -> vector<16xi32>
      %ge3A_1292 = arith.cmpi sge, %bitcast_convert_type3A, %or3A_601 : vector<16xi32>
      %select_n3A_1293 = arith.select %ge3A_1292, %broadcast_in_dim3A_5, %broadcast_in_dim3A_3 : vector<16xi1>, vector<16xi32>
      %add3A_1294 = arith.addi %scan3A_1286, %select_n3A_1293 : vector<16xi32>
      scf.yield %add3A_1294 : vector<16xi32>
    }
    %scan3A_607 = arith.constant 546 : i32
    %iota3A_608 = tpu.iota {dimensions = array<i32: 0>} : vector<16xi32>
    %xor3A_609 = arith.constant 1 : i32
    %xor3A_610 = vector.broadcast %xor3A_609 : i32 to vector<16xi32>
    %xor3A_611 = arith.xori %iota3A_608, %xor3A_610 : vector<16xi32>
    %broadcast_in_dim3A_612 = vector.shape_cast %xor3A_611 : vector<16xi32> to vector<16x1xi32>
    %gather3A_613 = vector.shape_cast %broadcast_in_dim3A_612 : vector<16x1xi32> to vector<16xi32>
    %gather3A_614 = tpu.dynamic_gather %scan3A_606[%gather3A_613] in [0] : vector<16xi32>, vector<16xi32> -> vector<16xi32>
    %add3A_615 = arith.addi %scan3A_606, %gather3A_614 : vector<16xi32>
    %xor3A_616 = arith.constant 2 : i32
    %xor3A_617 = vector.broadcast %xor3A_616 : i32 to vector<16xi32>
    %xor3A_618 = arith.xori %iota3A_608, %xor3A_617 : vector<16xi32>
    %broadcast_in_dim3A_619 = vector.shape_cast %xor3A_618 : vector<16xi32> to vector<16x1xi32>
    %gather3A_620 = vector.shape_cast %broadcast_in_dim3A_619 : vector<16x1xi32> to vector<16xi32>
    %gather3A_621 = tpu.dynamic_gather %add3A_615[%gather3A_620] in [0] : vector<16xi32>, vector<16xi32> -> vector<16xi32>
    %add3A_622 = arith.addi %add3A_615, %gather3A_621 : vector<16xi32>
    %xor3A_623 = arith.constant 4 : i32
    %xor3A_624 = vector.broadcast %xor3A_623 : i32 to vector<16xi32>
    %xor3A_625 = arith.xori %iota3A_608, %xor3A_624 : vector<16xi32>
    %broadcast_in_dim3A_626 = vector.shape_cast %xor3A_625 : vector<16xi32> to vector<16x1xi32>
    %gather3A_627 = vector.shape_cast %broadcast_in_dim3A_626 : vector<16x1xi32> to vector<16xi32>
    %gather3A_628 = tpu.dynamic_gather %add3A_622[%gather3A_627] in [0] : vector<16xi32>, vector<16xi32> -> vector<16xi32>
    %add3A_629 = arith.addi %add3A_622, %gather3A_628 : vector<16xi32>
    %xor3A_630 = arith.constant 8 : i32
    %xor3A_631 = vector.broadcast %xor3A_630 : i32 to vector<16xi32>
    %xor3A_632 = arith.xori %iota3A_608, %xor3A_631 : vector<16xi32>
    %broadcast_in_dim3A_633 = vector.shape_cast %xor3A_632 : vector<16xi32> to vector<16x1xi32>
    %gather3A_634 = vector.shape_cast %broadcast_in_dim3A_633 : vector<16x1xi32> to vector<16xi32>
    %gather3A_635 = tpu.dynamic_gather %add3A_629[%gather3A_634] in [0] : vector<16xi32>, vector<16xi32> -> vector<16xi32>
    %add3A_636 = arith.addi %add3A_629, %gather3A_635 : vector<16xi32>
    %ge3A_637 = arith.cmpi sge, %add3A_636, %get3A_2 : vector<16xi32>
    %select_n3A_638 = arith.select %ge3A_637, %or3A_601, %select_n3A_598 : vector<16xi1>, vector<16xi32>
    %broadcast_in_dim3A_639 = arith.constant 16384 : i32
    %broadcast_in_dim3A_640 = vector.broadcast %broadcast_in_dim3A_639 : i32 to vector<16xi32>
    %or3A_641 = arith.ori %select_n3A_638, %broadcast_in_dim3A_640 : vector<16xi32>
    %scan3A_642 = arith.constant 0 : i32
    %scan3A_643 = arith.constant 546 : i32
    %scan3A_644 = arith.addi %scan3A_642, %scan3A_643 : i32
    %scan3A_645 = arith.constant 1 : i32
    %scan3A_646 = scf.for %scan3A_1285 = %scan3A_642 to %scan3A_644 step %scan3A_645 iter_args(%scan3A_1286 = %broadcast_in_dim3A_3) -> (vector<16xi32>)  : i32 {
      %mul3A_1287 = arith.constant 16 : i32
      %mul3A_1288 = arith.muli %scan3A_1285, %mul3A_1287 : i32
      %get3A_1289 = arith.index_cast %mul3A_1288 : i32 to index
      %get3A_1290 = tpu.vector_load %arg7[%get3A_1289] {strides = array<i32>} : memref<8736xf32, #tpu.memory_space<vmem>>, vector<16xf32>,
      %get3A_1291 = vector.shape_cast %get3A_1290 : vector<16xf32> to vector<16xf32>
      %bitcast_convert_type3A = tpu.bitcast %get3A_1291 : vector<16xf32> -> vector<16xi32>
      %ge3A_1292 = arith.cmpi sge, %bitcast_convert_type3A, %or3A_641 : vector<16xi32>
      %select_n3A_1293 = arith.select %ge3A_1292, %broadcast_in_dim3A_5, %broadcast_in_dim3A_3 : vector<16xi1>, vector<16xi32>
      %add3A_1294 = arith.addi %scan3A_1286, %select_n3A_1293 : vector<16xi32>
      scf.yield %add3A_1294 : vector<16xi32>
    }
    %scan3A_647 = arith.constant 546 : i32
    %iota3A_648 = tpu.iota {dimensions = array<i32: 0>} : vector<16xi32>
    %xor3A_649 = arith.constant 1 : i32
    %xor3A_650 = vector.broadcast %xor3A_649 : i32 to vector<16xi32>
    %xor3A_651 = arith.xori %iota3A_648, %xor3A_650 : vector<16xi32>
    %broadcast_in_dim3A_652 = vector.shape_cast %xor3A_651 : vector<16xi32> to vector<16x1xi32>
    %gather3A_653 = vector.shape_cast %broadcast_in_dim3A_652 : vector<16x1xi32> to vector<16xi32>
    %gather3A_654 = tpu.dynamic_gather %scan3A_646[%gather3A_653] in [0] : vector<16xi32>, vector<16xi32> -> vector<16xi32>
    %add3A_655 = arith.addi %scan3A_646, %gather3A_654 : vector<16xi32>
    %xor3A_656 = arith.constant 2 : i32
    %xor3A_657 = vector.broadcast %xor3A_656 : i32 to vector<16xi32>
    %xor3A_658 = arith.xori %iota3A_648, %xor3A_657 : vector<16xi32>
    %broadcast_in_dim3A_659 = vector.shape_cast %xor3A_658 : vector<16xi32> to vector<16x1xi32>
    %gather3A_660 = vector.shape_cast %broadcast_in_dim3A_659 : vector<16x1xi32> to vector<16xi32>
    %gather3A_661 = tpu.dynamic_gather %add3A_655[%gather3A_660] in [0] : vector<16xi32>, vector<16xi32> -> vector<16xi32>
    %add3A_662 = arith.addi %add3A_655, %gather3A_661 : vector<16xi32>
    %xor3A_663 = arith.constant 4 : i32
    %xor3A_664 = vector.broadcast %xor3A_663 : i32 to vector<16xi32>
    %xor3A_665 = arith.xori %iota3A_648, %xor3A_664 : vector<16xi32>
    %broadcast_in_dim3A_666 = vector.shape_cast %xor3A_665 : vector<16xi32> to vector<16x1xi32>
    %gather3A_667 = vector.shape_cast %broadcast_in_dim3A_666 : vector<16x1xi32> to vector<16xi32>
    %gather3A_668 = tpu.dynamic_gather %add3A_662[%gather3A_667] in [0] : vector<16xi32>, vector<16xi32> -> vector<16xi32>
    %add3A_669 = arith.addi %add3A_662, %gather3A_668 : vector<16xi32>
    %xor3A_670 = arith.constant 8 : i32
    %xor3A_671 = vector.broadcast %xor3A_670 : i32 to vector<16xi32>
    %xor3A_672 = arith.xori %iota3A_648, %xor3A_671 : vector<16xi32>
    %broadcast_in_dim3A_673 = vector.shape_cast %xor3A_672 : vector<16xi32> to vector<16x1xi32>
    %gather3A_674 = vector.shape_cast %broadcast_in_dim3A_673 : vector<16x1xi32> to vector<16xi32>
    %gather3A_675 = tpu.dynamic_gather %add3A_669[%gather3A_674] in [0] : vector<16xi32>, vector<16xi32> -> vector<16xi32>
    %add3A_676 = arith.addi %add3A_669, %gather3A_675 : vector<16xi32>
    %ge3A_677 = arith.cmpi sge, %add3A_676, %get3A_2 : vector<16xi32>
    %select_n3A_678 = arith.select %ge3A_677, %or3A_641, %select_n3A_638 : vector<16xi1>, vector<16xi32>
    %broadcast_in_dim3A_679 = arith.constant 8192 : i32
    %broadcast_in_dim3A_680 = vector.broadcast %broadcast_in_dim3A_679 : i32 to vector<16xi32>
    %or3A_681 = arith.ori %select_n3A_678, %broadcast_in_dim3A_680 : vector<16xi32>
    %scan3A_682 = arith.constant 0 : i32
    %scan3A_683 = arith.constant 546 : i32
    %scan3A_684 = arith.addi %scan3A_682, %scan3A_683 : i32
    %scan3A_685 = arith.constant 1 : i32
    %scan3A_686 = scf.for %scan3A_1285 = %scan3A_682 to %scan3A_684 step %scan3A_685 iter_args(%scan3A_1286 = %broadcast_in_dim3A_3) -> (vector<16xi32>)  : i32 {
      %mul3A_1287 = arith.constant 16 : i32
      %mul3A_1288 = arith.muli %scan3A_1285, %mul3A_1287 : i32
      %get3A_1289 = arith.index_cast %mul3A_1288 : i32 to index
      %get3A_1290 = tpu.vector_load %arg7[%get3A_1289] {strides = array<i32>} : memref<8736xf32, #tpu.memory_space<vmem>>, vector<16xf32>,
      %get3A_1291 = vector.shape_cast %get3A_1290 : vector<16xf32> to vector<16xf32>
      %bitcast_convert_type3A = tpu.bitcast %get3A_1291 : vector<16xf32> -> vector<16xi32>
      %ge3A_1292 = arith.cmpi sge, %bitcast_convert_type3A, %or3A_681 : vector<16xi32>
      %select_n3A_1293 = arith.select %ge3A_1292, %broadcast_in_dim3A_5, %broadcast_in_dim3A_3 : vector<16xi1>, vector<16xi32>
      %add3A_1294 = arith.addi %scan3A_1286, %select_n3A_1293 : vector<16xi32>
      scf.yield %add3A_1294 : vector<16xi32>
    }
    %scan3A_687 = arith.constant 546 : i32
    %iota3A_688 = tpu.iota {dimensions = array<i32: 0>} : vector<16xi32>
    %xor3A_689 = arith.constant 1 : i32
    %xor3A_690 = vector.broadcast %xor3A_689 : i32 to vector<16xi32>
    %xor3A_691 = arith.xori %iota3A_688, %xor3A_690 : vector<16xi32>
    %broadcast_in_dim3A_692 = vector.shape_cast %xor3A_691 : vector<16xi32> to vector<16x1xi32>
    %gather3A_693 = vector.shape_cast %broadcast_in_dim3A_692 : vector<16x1xi32> to vector<16xi32>
    %gather3A_694 = tpu.dynamic_gather %scan3A_686[%gather3A_693] in [0] : vector<16xi32>, vector<16xi32> -> vector<16xi32>
    %add3A_695 = arith.addi %scan3A_686, %gather3A_694 : vector<16xi32>
    %xor3A_696 = arith.constant 2 : i32
    %xor3A_697 = vector.broadcast %xor3A_696 : i32 to vector<16xi32>
    %xor3A_698 = arith.xori %iota3A_688, %xor3A_697 : vector<16xi32>
    %broadcast_in_dim3A_699 = vector.shape_cast %xor3A_698 : vector<16xi32> to vector<16x1xi32>
    %gather3A_700 = vector.shape_cast %broadcast_in_dim3A_699 : vector<16x1xi32> to vector<16xi32>
    %gather3A_701 = tpu.dynamic_gather %add3A_695[%gather3A_700] in [0] : vector<16xi32>, vector<16xi32> -> vector<16xi32>
    %add3A_702 = arith.addi %add3A_695, %gather3A_701 : vector<16xi32>
    %xor3A_703 = arith.constant 4 : i32
    %xor3A_704 = vector.broadcast %xor3A_703 : i32 to vector<16xi32>
    %xor3A_705 = arith.xori %iota3A_688, %xor3A_704 : vector<16xi32>
    %broadcast_in_dim3A_706 = vector.shape_cast %xor3A_705 : vector<16xi32> to vector<16x1xi32>
    %gather3A_707 = vector.shape_cast %broadcast_in_dim3A_706 : vector<16x1xi32> to vector<16xi32>
    %gather3A_708 = tpu.dynamic_gather %add3A_702[%gather3A_707] in [0] : vector<16xi32>, vector<16xi32> -> vector<16xi32>
    %add3A_709 = arith.addi %add3A_702, %gather3A_708 : vector<16xi32>
    %xor3A_710 = arith.constant 8 : i32
    %xor3A_711 = vector.broadcast %xor3A_710 : i32 to vector<16xi32>
    %xor3A_712 = arith.xori %iota3A_688, %xor3A_711 : vector<16xi32>
    %broadcast_in_dim3A_713 = vector.shape_cast %xor3A_712 : vector<16xi32> to vector<16x1xi32>
    %gather3A_714 = vector.shape_cast %broadcast_in_dim3A_713 : vector<16x1xi32> to vector<16xi32>
    %gather3A_715 = tpu.dynamic_gather %add3A_709[%gather3A_714] in [0] : vector<16xi32>, vector<16xi32> -> vector<16xi32>
    %add3A_716 = arith.addi %add3A_709, %gather3A_715 : vector<16xi32>
    %ge3A_717 = arith.cmpi sge, %add3A_716, %get3A_2 : vector<16xi32>
    %select_n3A_718 = arith.select %ge3A_717, %or3A_681, %select_n3A_678 : vector<16xi1>, vector<16xi32>
    %broadcast_in_dim3A_719 = arith.constant 4096 : i32
    %broadcast_in_dim3A_720 = vector.broadcast %broadcast_in_dim3A_719 : i32 to vector<16xi32>
    %or3A_721 = arith.ori %select_n3A_718, %broadcast_in_dim3A_720 : vector<16xi32>
    %scan3A_722 = arith.constant 0 : i32
    %scan3A_723 = arith.constant 546 : i32
    %scan3A_724 = arith.addi %scan3A_722, %scan3A_723 : i32
    %scan3A_725 = arith.constant 1 : i32
    %scan3A_726 = scf.for %scan3A_1285 = %scan3A_722 to %scan3A_724 step %scan3A_725 iter_args(%scan3A_1286 = %broadcast_in_dim3A_3) -> (vector<16xi32>)  : i32 {
      %mul3A_1287 = arith.constant 16 : i32
      %mul3A_1288 = arith.muli %scan3A_1285, %mul3A_1287 : i32
      %get3A_1289 = arith.index_cast %mul3A_1288 : i32 to index
      %get3A_1290 = tpu.vector_load %arg7[%get3A_1289] {strides = array<i32>} : memref<8736xf32, #tpu.memory_space<vmem>>, vector<16xf32>,
      %get3A_1291 = vector.shape_cast %get3A_1290 : vector<16xf32> to vector<16xf32>
      %bitcast_convert_type3A = tpu.bitcast %get3A_1291 : vector<16xf32> -> vector<16xi32>
      %ge3A_1292 = arith.cmpi sge, %bitcast_convert_type3A, %or3A_721 : vector<16xi32>
      %select_n3A_1293 = arith.select %ge3A_1292, %broadcast_in_dim3A_5, %broadcast_in_dim3A_3 : vector<16xi1>, vector<16xi32>
      %add3A_1294 = arith.addi %scan3A_1286, %select_n3A_1293 : vector<16xi32>
      scf.yield %add3A_1294 : vector<16xi32>
    }
    %scan3A_727 = arith.constant 546 : i32
    %iota3A_728 = tpu.iota {dimensions = array<i32: 0>} : vector<16xi32>
    %xor3A_729 = arith.constant 1 : i32
    %xor3A_730 = vector.broadcast %xor3A_729 : i32 to vector<16xi32>
    %xor3A_731 = arith.xori %iota3A_728, %xor3A_730 : vector<16xi32>
    %broadcast_in_dim3A_732 = vector.shape_cast %xor3A_731 : vector<16xi32> to vector<16x1xi32>
    %gather3A_733 = vector.shape_cast %broadcast_in_dim3A_732 : vector<16x1xi32> to vector<16xi32>
    %gather3A_734 = tpu.dynamic_gather %scan3A_726[%gather3A_733] in [0] : vector<16xi32>, vector<16xi32> -> vector<16xi32>
    %add3A_735 = arith.addi %scan3A_726, %gather3A_734 : vector<16xi32>
    %xor3A_736 = arith.constant 2 : i32
    %xor3A_737 = vector.broadcast %xor3A_736 : i32 to vector<16xi32>
    %xor3A_738 = arith.xori %iota3A_728, %xor3A_737 : vector<16xi32>
    %broadcast_in_dim3A_739 = vector.shape_cast %xor3A_738 : vector<16xi32> to vector<16x1xi32>
    %gather3A_740 = vector.shape_cast %broadcast_in_dim3A_739 : vector<16x1xi32> to vector<16xi32>
    %gather3A_741 = tpu.dynamic_gather %add3A_735[%gather3A_740] in [0] : vector<16xi32>, vector<16xi32> -> vector<16xi32>
    %add3A_742 = arith.addi %add3A_735, %gather3A_741 : vector<16xi32>
    %xor3A_743 = arith.constant 4 : i32
    %xor3A_744 = vector.broadcast %xor3A_743 : i32 to vector<16xi32>
    %xor3A_745 = arith.xori %iota3A_728, %xor3A_744 : vector<16xi32>
    %broadcast_in_dim3A_746 = vector.shape_cast %xor3A_745 : vector<16xi32> to vector<16x1xi32>
    %gather3A_747 = vector.shape_cast %broadcast_in_dim3A_746 : vector<16x1xi32> to vector<16xi32>
    %gather3A_748 = tpu.dynamic_gather %add3A_742[%gather3A_747] in [0] : vector<16xi32>, vector<16xi32> -> vector<16xi32>
    %add3A_749 = arith.addi %add3A_742, %gather3A_748 : vector<16xi32>
    %xor3A_750 = arith.constant 8 : i32
    %xor3A_751 = vector.broadcast %xor3A_750 : i32 to vector<16xi32>
    %xor3A_752 = arith.xori %iota3A_728, %xor3A_751 : vector<16xi32>
    %broadcast_in_dim3A_753 = vector.shape_cast %xor3A_752 : vector<16xi32> to vector<16x1xi32>
    %gather3A_754 = vector.shape_cast %broadcast_in_dim3A_753 : vector<16x1xi32> to vector<16xi32>
    %gather3A_755 = tpu.dynamic_gather %add3A_749[%gather3A_754] in [0] : vector<16xi32>, vector<16xi32> -> vector<16xi32>
    %add3A_756 = arith.addi %add3A_749, %gather3A_755 : vector<16xi32>
    %ge3A_757 = arith.cmpi sge, %add3A_756, %get3A_2 : vector<16xi32>
    %select_n3A_758 = arith.select %ge3A_757, %or3A_721, %select_n3A_718 : vector<16xi1>, vector<16xi32>
    %broadcast_in_dim3A_759 = arith.constant 2048 : i32
    %broadcast_in_dim3A_760 = vector.broadcast %broadcast_in_dim3A_759 : i32 to vector<16xi32>
    %or3A_761 = arith.ori %select_n3A_758, %broadcast_in_dim3A_760 : vector<16xi32>
    %scan3A_762 = arith.constant 0 : i32
    %scan3A_763 = arith.constant 546 : i32
    %scan3A_764 = arith.addi %scan3A_762, %scan3A_763 : i32
    %scan3A_765 = arith.constant 1 : i32
    %scan3A_766 = scf.for %scan3A_1285 = %scan3A_762 to %scan3A_764 step %scan3A_765 iter_args(%scan3A_1286 = %broadcast_in_dim3A_3) -> (vector<16xi32>)  : i32 {
      %mul3A_1287 = arith.constant 16 : i32
      %mul3A_1288 = arith.muli %scan3A_1285, %mul3A_1287 : i32
      %get3A_1289 = arith.index_cast %mul3A_1288 : i32 to index
      %get3A_1290 = tpu.vector_load %arg7[%get3A_1289] {strides = array<i32>} : memref<8736xf32, #tpu.memory_space<vmem>>, vector<16xf32>,
      %get3A_1291 = vector.shape_cast %get3A_1290 : vector<16xf32> to vector<16xf32>
      %bitcast_convert_type3A = tpu.bitcast %get3A_1291 : vector<16xf32> -> vector<16xi32>
      %ge3A_1292 = arith.cmpi sge, %bitcast_convert_type3A, %or3A_761 : vector<16xi32>
      %select_n3A_1293 = arith.select %ge3A_1292, %broadcast_in_dim3A_5, %broadcast_in_dim3A_3 : vector<16xi1>, vector<16xi32>
      %add3A_1294 = arith.addi %scan3A_1286, %select_n3A_1293 : vector<16xi32>
      scf.yield %add3A_1294 : vector<16xi32>
    }
    %scan3A_767 = arith.constant 546 : i32
    %iota3A_768 = tpu.iota {dimensions = array<i32: 0>} : vector<16xi32>
    %xor3A_769 = arith.constant 1 : i32
    %xor3A_770 = vector.broadcast %xor3A_769 : i32 to vector<16xi32>
    %xor3A_771 = arith.xori %iota3A_768, %xor3A_770 : vector<16xi32>
    %broadcast_in_dim3A_772 = vector.shape_cast %xor3A_771 : vector<16xi32> to vector<16x1xi32>
    %gather3A_773 = vector.shape_cast %broadcast_in_dim3A_772 : vector<16x1xi32> to vector<16xi32>
    %gather3A_774 = tpu.dynamic_gather %scan3A_766[%gather3A_773] in [0] : vector<16xi32>, vector<16xi32> -> vector<16xi32>
    %add3A_775 = arith.addi %scan3A_766, %gather3A_774 : vector<16xi32>
    %xor3A_776 = arith.constant 2 : i32
    %xor3A_777 = vector.broadcast %xor3A_776 : i32 to vector<16xi32>
    %xor3A_778 = arith.xori %iota3A_768, %xor3A_777 : vector<16xi32>
    %broadcast_in_dim3A_779 = vector.shape_cast %xor3A_778 : vector<16xi32> to vector<16x1xi32>
    %gather3A_780 = vector.shape_cast %broadcast_in_dim3A_779 : vector<16x1xi32> to vector<16xi32>
    %gather3A_781 = tpu.dynamic_gather %add3A_775[%gather3A_780] in [0] : vector<16xi32>, vector<16xi32> -> vector<16xi32>
    %add3A_782 = arith.addi %add3A_775, %gather3A_781 : vector<16xi32>
    %xor3A_783 = arith.constant 4 : i32
    %xor3A_784 = vector.broadcast %xor3A_783 : i32 to vector<16xi32>
    %xor3A_785 = arith.xori %iota3A_768, %xor3A_784 : vector<16xi32>
    %broadcast_in_dim3A_786 = vector.shape_cast %xor3A_785 : vector<16xi32> to vector<16x1xi32>
    %gather3A_787 = vector.shape_cast %broadcast_in_dim3A_786 : vector<16x1xi32> to vector<16xi32>
    %gather3A_788 = tpu.dynamic_gather %add3A_782[%gather3A_787] in [0] : vector<16xi32>, vector<16xi32> -> vector<16xi32>
    %add3A_789 = arith.addi %add3A_782, %gather3A_788 : vector<16xi32>
    %xor3A_790 = arith.constant 8 : i32
    %xor3A_791 = vector.broadcast %xor3A_790 : i32 to vector<16xi32>
    %xor3A_792 = arith.xori %iota3A_768, %xor3A_791 : vector<16xi32>
    %broadcast_in_dim3A_793 = vector.shape_cast %xor3A_792 : vector<16xi32> to vector<16x1xi32>
    %gather3A_794 = vector.shape_cast %broadcast_in_dim3A_793 : vector<16x1xi32> to vector<16xi32>
    %gather3A_795 = tpu.dynamic_gather %add3A_789[%gather3A_794] in [0] : vector<16xi32>, vector<16xi32> -> vector<16xi32>
    %add3A_796 = arith.addi %add3A_789, %gather3A_795 : vector<16xi32>
    %ge3A_797 = arith.cmpi sge, %add3A_796, %get3A_2 : vector<16xi32>
    %select_n3A_798 = arith.select %ge3A_797, %or3A_761, %select_n3A_758 : vector<16xi1>, vector<16xi32>
    %broadcast_in_dim3A_799 = arith.constant 1024 : i32
    %broadcast_in_dim3A_800 = vector.broadcast %broadcast_in_dim3A_799 : i32 to vector<16xi32>
    %or3A_801 = arith.ori %select_n3A_798, %broadcast_in_dim3A_800 : vector<16xi32>
    %scan3A_802 = arith.constant 0 : i32
    %scan3A_803 = arith.constant 546 : i32
    %scan3A_804 = arith.addi %scan3A_802, %scan3A_803 : i32
    %scan3A_805 = arith.constant 1 : i32
    %scan3A_806 = scf.for %scan3A_1285 = %scan3A_802 to %scan3A_804 step %scan3A_805 iter_args(%scan3A_1286 = %broadcast_in_dim3A_3) -> (vector<16xi32>)  : i32 {
      %mul3A_1287 = arith.constant 16 : i32
      %mul3A_1288 = arith.muli %scan3A_1285, %mul3A_1287 : i32
      %get3A_1289 = arith.index_cast %mul3A_1288 : i32 to index
      %get3A_1290 = tpu.vector_load %arg7[%get3A_1289] {strides = array<i32>} : memref<8736xf32, #tpu.memory_space<vmem>>, vector<16xf32>,
      %get3A_1291 = vector.shape_cast %get3A_1290 : vector<16xf32> to vector<16xf32>
      %bitcast_convert_type3A = tpu.bitcast %get3A_1291 : vector<16xf32> -> vector<16xi32>
      %ge3A_1292 = arith.cmpi sge, %bitcast_convert_type3A, %or3A_801 : vector<16xi32>
      %select_n3A_1293 = arith.select %ge3A_1292, %broadcast_in_dim3A_5, %broadcast_in_dim3A_3 : vector<16xi1>, vector<16xi32>
      %add3A_1294 = arith.addi %scan3A_1286, %select_n3A_1293 : vector<16xi32>
      scf.yield %add3A_1294 : vector<16xi32>
    }
    %scan3A_807 = arith.constant 546 : i32
    %iota3A_808 = tpu.iota {dimensions = array<i32: 0>} : vector<16xi32>
    %xor3A_809 = arith.constant 1 : i32
    %xor3A_810 = vector.broadcast %xor3A_809 : i32 to vector<16xi32>
    %xor3A_811 = arith.xori %iota3A_808, %xor3A_810 : vector<16xi32>
    %broadcast_in_dim3A_812 = vector.shape_cast %xor3A_811 : vector<16xi32> to vector<16x1xi32>
    %gather3A_813 = vector.shape_cast %broadcast_in_dim3A_812 : vector<16x1xi32> to vector<16xi32>
    %gather3A_814 = tpu.dynamic_gather %scan3A_806[%gather3A_813] in [0] : vector<16xi32>, vector<16xi32> -> vector<16xi32>
    %add3A_815 = arith.addi %scan3A_806, %gather3A_814 : vector<16xi32>
    %xor3A_816 = arith.constant 2 : i32
    %xor3A_817 = vector.broadcast %xor3A_816 : i32 to vector<16xi32>
    %xor3A_818 = arith.xori %iota3A_808, %xor3A_817 : vector<16xi32>
    %broadcast_in_dim3A_819 = vector.shape_cast %xor3A_818 : vector<16xi32> to vector<16x1xi32>
    %gather3A_820 = vector.shape_cast %broadcast_in_dim3A_819 : vector<16x1xi32> to vector<16xi32>
    %gather3A_821 = tpu.dynamic_gather %add3A_815[%gather3A_820] in [0] : vector<16xi32>, vector<16xi32> -> vector<16xi32>
    %add3A_822 = arith.addi %add3A_815, %gather3A_821 : vector<16xi32>
    %xor3A_823 = arith.constant 4 : i32
    %xor3A_824 = vector.broadcast %xor3A_823 : i32 to vector<16xi32>
    %xor3A_825 = arith.xori %iota3A_808, %xor3A_824 : vector<16xi32>
    %broadcast_in_dim3A_826 = vector.shape_cast %xor3A_825 : vector<16xi32> to vector<16x1xi32>
    %gather3A_827 = vector.shape_cast %broadcast_in_dim3A_826 : vector<16x1xi32> to vector<16xi32>
    %gather3A_828 = tpu.dynamic_gather %add3A_822[%gather3A_827] in [0] : vector<16xi32>, vector<16xi32> -> vector<16xi32>
    %add3A_829 = arith.addi %add3A_822, %gather3A_828 : vector<16xi32>
    %xor3A_830 = arith.constant 8 : i32
    %xor3A_831 = vector.broadcast %xor3A_830 : i32 to vector<16xi32>
    %xor3A_832 = arith.xori %iota3A_808, %xor3A_831 : vector<16xi32>
    %broadcast_in_dim3A_833 = vector.shape_cast %xor3A_832 : vector<16xi32> to vector<16x1xi32>
    %gather3A_834 = vector.shape_cast %broadcast_in_dim3A_833 : vector<16x1xi32> to vector<16xi32>
    %gather3A_835 = tpu.dynamic_gather %add3A_829[%gather3A_834] in [0] : vector<16xi32>, vector<16xi32> -> vector<16xi32>
    %add3A_836 = arith.addi %add3A_829, %gather3A_835 : vector<16xi32>
    %ge3A_837 = arith.cmpi sge, %add3A_836, %get3A_2 : vector<16xi32>
    %select_n3A_838 = arith.select %ge3A_837, %or3A_801, %select_n3A_798 : vector<16xi1>, vector<16xi32>
    %broadcast_in_dim3A_839 = arith.constant 512 : i32
    %broadcast_in_dim3A_840 = vector.broadcast %broadcast_in_dim3A_839 : i32 to vector<16xi32>
    %or3A_841 = arith.ori %select_n3A_838, %broadcast_in_dim3A_840 : vector<16xi32>
    %scan3A_842 = arith.constant 0 : i32
    %scan3A_843 = arith.constant 546 : i32
    %scan3A_844 = arith.addi %scan3A_842, %scan3A_843 : i32
    %scan3A_845 = arith.constant 1 : i32
    %scan3A_846 = scf.for %scan3A_1285 = %scan3A_842 to %scan3A_844 step %scan3A_845 iter_args(%scan3A_1286 = %broadcast_in_dim3A_3) -> (vector<16xi32>)  : i32 {
      %mul3A_1287 = arith.constant 16 : i32
      %mul3A_1288 = arith.muli %scan3A_1285, %mul3A_1287 : i32
      %get3A_1289 = arith.index_cast %mul3A_1288 : i32 to index
      %get3A_1290 = tpu.vector_load %arg7[%get3A_1289] {strides = array<i32>} : memref<8736xf32, #tpu.memory_space<vmem>>, vector<16xf32>,
      %get3A_1291 = vector.shape_cast %get3A_1290 : vector<16xf32> to vector<16xf32>
      %bitcast_convert_type3A = tpu.bitcast %get3A_1291 : vector<16xf32> -> vector<16xi32>
      %ge3A_1292 = arith.cmpi sge, %bitcast_convert_type3A, %or3A_841 : vector<16xi32>
      %select_n3A_1293 = arith.select %ge3A_1292, %broadcast_in_dim3A_5, %broadcast_in_dim3A_3 : vector<16xi1>, vector<16xi32>
      %add3A_1294 = arith.addi %scan3A_1286, %select_n3A_1293 : vector<16xi32>
      scf.yield %add3A_1294 : vector<16xi32>
    }
    %scan3A_847 = arith.constant 546 : i32
    %iota3A_848 = tpu.iota {dimensions = array<i32: 0>} : vector<16xi32>
    %xor3A_849 = arith.constant 1 : i32
    %xor3A_850 = vector.broadcast %xor3A_849 : i32 to vector<16xi32>
    %xor3A_851 = arith.xori %iota3A_848, %xor3A_850 : vector<16xi32>
    %broadcast_in_dim3A_852 = vector.shape_cast %xor3A_851 : vector<16xi32> to vector<16x1xi32>
    %gather3A_853 = vector.shape_cast %broadcast_in_dim3A_852 : vector<16x1xi32> to vector<16xi32>
    %gather3A_854 = tpu.dynamic_gather %scan3A_846[%gather3A_853] in [0] : vector<16xi32>, vector<16xi32> -> vector<16xi32>
    %add3A_855 = arith.addi %scan3A_846, %gather3A_854 : vector<16xi32>
    %xor3A_856 = arith.constant 2 : i32
    %xor3A_857 = vector.broadcast %xor3A_856 : i32 to vector<16xi32>
    %xor3A_858 = arith.xori %iota3A_848, %xor3A_857 : vector<16xi32>
    %broadcast_in_dim3A_859 = vector.shape_cast %xor3A_858 : vector<16xi32> to vector<16x1xi32>
    %gather3A_860 = vector.shape_cast %broadcast_in_dim3A_859 : vector<16x1xi32> to vector<16xi32>
    %gather3A_861 = tpu.dynamic_gather %add3A_855[%gather3A_860] in [0] : vector<16xi32>, vector<16xi32> -> vector<16xi32>
    %add3A_862 = arith.addi %add3A_855, %gather3A_861 : vector<16xi32>
    %xor3A_863 = arith.constant 4 : i32
    %xor3A_864 = vector.broadcast %xor3A_863 : i32 to vector<16xi32>
    %xor3A_865 = arith.xori %iota3A_848, %xor3A_864 : vector<16xi32>
    %broadcast_in_dim3A_866 = vector.shape_cast %xor3A_865 : vector<16xi32> to vector<16x1xi32>
    %gather3A_867 = vector.shape_cast %broadcast_in_dim3A_866 : vector<16x1xi32> to vector<16xi32>
    %gather3A_868 = tpu.dynamic_gather %add3A_862[%gather3A_867] in [0] : vector<16xi32>, vector<16xi32> -> vector<16xi32>
    %add3A_869 = arith.addi %add3A_862, %gather3A_868 : vector<16xi32>
    %xor3A_870 = arith.constant 8 : i32
    %xor3A_871 = vector.broadcast %xor3A_870 : i32 to vector<16xi32>
    %xor3A_872 = arith.xori %iota3A_848, %xor3A_871 : vector<16xi32>
    %broadcast_in_dim3A_873 = vector.shape_cast %xor3A_872 : vector<16xi32> to vector<16x1xi32>
    %gather3A_874 = vector.shape_cast %broadcast_in_dim3A_873 : vector<16x1xi32> to vector<16xi32>
    %gather3A_875 = tpu.dynamic_gather %add3A_869[%gather3A_874] in [0] : vector<16xi32>, vector<16xi32> -> vector<16xi32>
    %add3A_876 = arith.addi %add3A_869, %gather3A_875 : vector<16xi32>
    %ge3A_877 = arith.cmpi sge, %add3A_876, %get3A_2 : vector<16xi32>
    %select_n3A_878 = arith.select %ge3A_877, %or3A_841, %select_n3A_838 : vector<16xi1>, vector<16xi32>
    %broadcast_in_dim3A_879 = arith.constant 256 : i32
    %broadcast_in_dim3A_880 = vector.broadcast %broadcast_in_dim3A_879 : i32 to vector<16xi32>
    %or3A_881 = arith.ori %select_n3A_878, %broadcast_in_dim3A_880 : vector<16xi32>
    %scan3A_882 = arith.constant 0 : i32
    %scan3A_883 = arith.constant 546 : i32
    %scan3A_884 = arith.addi %scan3A_882, %scan3A_883 : i32
    %scan3A_885 = arith.constant 1 : i32
    %scan3A_886 = scf.for %scan3A_1285 = %scan3A_882 to %scan3A_884 step %scan3A_885 iter_args(%scan3A_1286 = %broadcast_in_dim3A_3) -> (vector<16xi32>)  : i32 {
      %mul3A_1287 = arith.constant 16 : i32
      %mul3A_1288 = arith.muli %scan3A_1285, %mul3A_1287 : i32
      %get3A_1289 = arith.index_cast %mul3A_1288 : i32 to index
      %get3A_1290 = tpu.vector_load %arg7[%get3A_1289] {strides = array<i32>} : memref<8736xf32, #tpu.memory_space<vmem>>, vector<16xf32>,
      %get3A_1291 = vector.shape_cast %get3A_1290 : vector<16xf32> to vector<16xf32>
      %bitcast_convert_type3A = tpu.bitcast %get3A_1291 : vector<16xf32> -> vector<16xi32>
      %ge3A_1292 = arith.cmpi sge, %bitcast_convert_type3A, %or3A_881 : vector<16xi32>
      %select_n3A_1293 = arith.select %ge3A_1292, %broadcast_in_dim3A_5, %broadcast_in_dim3A_3 : vector<16xi1>, vector<16xi32>
      %add3A_1294 = arith.addi %scan3A_1286, %select_n3A_1293 : vector<16xi32>
      scf.yield %add3A_1294 : vector<16xi32>
    }
    %scan3A_887 = arith.constant 546 : i32
    %iota3A_888 = tpu.iota {dimensions = array<i32: 0>} : vector<16xi32>
    %xor3A_889 = arith.constant 1 : i32
    %xor3A_890 = vector.broadcast %xor3A_889 : i32 to vector<16xi32>
    %xor3A_891 = arith.xori %iota3A_888, %xor3A_890 : vector<16xi32>
    %broadcast_in_dim3A_892 = vector.shape_cast %xor3A_891 : vector<16xi32> to vector<16x1xi32>
    %gather3A_893 = vector.shape_cast %broadcast_in_dim3A_892 : vector<16x1xi32> to vector<16xi32>
    %gather3A_894 = tpu.dynamic_gather %scan3A_886[%gather3A_893] in [0] : vector<16xi32>, vector<16xi32> -> vector<16xi32>
    %add3A_895 = arith.addi %scan3A_886, %gather3A_894 : vector<16xi32>
    %xor3A_896 = arith.constant 2 : i32
    %xor3A_897 = vector.broadcast %xor3A_896 : i32 to vector<16xi32>
    %xor3A_898 = arith.xori %iota3A_888, %xor3A_897 : vector<16xi32>
    %broadcast_in_dim3A_899 = vector.shape_cast %xor3A_898 : vector<16xi32> to vector<16x1xi32>
    %gather3A_900 = vector.shape_cast %broadcast_in_dim3A_899 : vector<16x1xi32> to vector<16xi32>
    %gather3A_901 = tpu.dynamic_gather %add3A_895[%gather3A_900] in [0] : vector<16xi32>, vector<16xi32> -> vector<16xi32>
    %add3A_902 = arith.addi %add3A_895, %gather3A_901 : vector<16xi32>
    %xor3A_903 = arith.constant 4 : i32
    %xor3A_904 = vector.broadcast %xor3A_903 : i32 to vector<16xi32>
    %xor3A_905 = arith.xori %iota3A_888, %xor3A_904 : vector<16xi32>
    %broadcast_in_dim3A_906 = vector.shape_cast %xor3A_905 : vector<16xi32> to vector<16x1xi32>
    %gather3A_907 = vector.shape_cast %broadcast_in_dim3A_906 : vector<16x1xi32> to vector<16xi32>
    %gather3A_908 = tpu.dynamic_gather %add3A_902[%gather3A_907] in [0] : vector<16xi32>, vector<16xi32> -> vector<16xi32>
    %add3A_909 = arith.addi %add3A_902, %gather3A_908 : vector<16xi32>
    %xor3A_910 = arith.constant 8 : i32
    %xor3A_911 = vector.broadcast %xor3A_910 : i32 to vector<16xi32>
    %xor3A_912 = arith.xori %iota3A_888, %xor3A_911 : vector<16xi32>
    %broadcast_in_dim3A_913 = vector.shape_cast %xor3A_912 : vector<16xi32> to vector<16x1xi32>
    %gather3A_914 = vector.shape_cast %broadcast_in_dim3A_913 : vector<16x1xi32> to vector<16xi32>
    %gather3A_915 = tpu.dynamic_gather %add3A_909[%gather3A_914] in [0] : vector<16xi32>, vector<16xi32> -> vector<16xi32>
    %add3A_916 = arith.addi %add3A_909, %gather3A_915 : vector<16xi32>
    %ge3A_917 = arith.cmpi sge, %add3A_916, %get3A_2 : vector<16xi32>
    %select_n3A_918 = arith.select %ge3A_917, %or3A_881, %select_n3A_878 : vector<16xi1>, vector<16xi32>
    %broadcast_in_dim3A_919 = arith.constant 128 : i32
    %broadcast_in_dim3A_920 = vector.broadcast %broadcast_in_dim3A_919 : i32 to vector<16xi32>
    %or3A_921 = arith.ori %select_n3A_918, %broadcast_in_dim3A_920 : vector<16xi32>
    %scan3A_922 = arith.constant 0 : i32
    %scan3A_923 = arith.constant 546 : i32
    %scan3A_924 = arith.addi %scan3A_922, %scan3A_923 : i32
    %scan3A_925 = arith.constant 1 : i32
    %scan3A_926 = scf.for %scan3A_1285 = %scan3A_922 to %scan3A_924 step %scan3A_925 iter_args(%scan3A_1286 = %broadcast_in_dim3A_3) -> (vector<16xi32>)  : i32 {
      %mul3A_1287 = arith.constant 16 : i32
      %mul3A_1288 = arith.muli %scan3A_1285, %mul3A_1287 : i32
      %get3A_1289 = arith.index_cast %mul3A_1288 : i32 to index
      %get3A_1290 = tpu.vector_load %arg7[%get3A_1289] {strides = array<i32>} : memref<8736xf32, #tpu.memory_space<vmem>>, vector<16xf32>,
      %get3A_1291 = vector.shape_cast %get3A_1290 : vector<16xf32> to vector<16xf32>
      %bitcast_convert_type3A = tpu.bitcast %get3A_1291 : vector<16xf32> -> vector<16xi32>
      %ge3A_1292 = arith.cmpi sge, %bitcast_convert_type3A, %or3A_921 : vector<16xi32>
      %select_n3A_1293 = arith.select %ge3A_1292, %broadcast_in_dim3A_5, %broadcast_in_dim3A_3 : vector<16xi1>, vector<16xi32>
      %add3A_1294 = arith.addi %scan3A_1286, %select_n3A_1293 : vector<16xi32>
      scf.yield %add3A_1294 : vector<16xi32>
    }
    %scan3A_927 = arith.constant 546 : i32
    %iota3A_928 = tpu.iota {dimensions = array<i32: 0>} : vector<16xi32>
    %xor3A_929 = arith.constant 1 : i32
    %xor3A_930 = vector.broadcast %xor3A_929 : i32 to vector<16xi32>
    %xor3A_931 = arith.xori %iota3A_928, %xor3A_930 : vector<16xi32>
    %broadcast_in_dim3A_932 = vector.shape_cast %xor3A_931 : vector<16xi32> to vector<16x1xi32>
    %gather3A_933 = vector.shape_cast %broadcast_in_dim3A_932 : vector<16x1xi32> to vector<16xi32>
    %gather3A_934 = tpu.dynamic_gather %scan3A_926[%gather3A_933] in [0] : vector<16xi32>, vector<16xi32> -> vector<16xi32>
    %add3A_935 = arith.addi %scan3A_926, %gather3A_934 : vector<16xi32>
    %xor3A_936 = arith.constant 2 : i32
    %xor3A_937 = vector.broadcast %xor3A_936 : i32 to vector<16xi32>
    %xor3A_938 = arith.xori %iota3A_928, %xor3A_937 : vector<16xi32>
    %broadcast_in_dim3A_939 = vector.shape_cast %xor3A_938 : vector<16xi32> to vector<16x1xi32>
    %gather3A_940 = vector.shape_cast %broadcast_in_dim3A_939 : vector<16x1xi32> to vector<16xi32>
    %gather3A_941 = tpu.dynamic_gather %add3A_935[%gather3A_940] in [0] : vector<16xi32>, vector<16xi32> -> vector<16xi32>
    %add3A_942 = arith.addi %add3A_935, %gather3A_941 : vector<16xi32>
    %xor3A_943 = arith.constant 4 : i32
    %xor3A_944 = vector.broadcast %xor3A_943 : i32 to vector<16xi32>
    %xor3A_945 = arith.xori %iota3A_928, %xor3A_944 : vector<16xi32>
    %broadcast_in_dim3A_946 = vector.shape_cast %xor3A_945 : vector<16xi32> to vector<16x1xi32>
    %gather3A_947 = vector.shape_cast %broadcast_in_dim3A_946 : vector<16x1xi32> to vector<16xi32>
    %gather3A_948 = tpu.dynamic_gather %add3A_942[%gather3A_947] in [0] : vector<16xi32>, vector<16xi32> -> vector<16xi32>
    %add3A_949 = arith.addi %add3A_942, %gather3A_948 : vector<16xi32>
    %xor3A_950 = arith.constant 8 : i32
    %xor3A_951 = vector.broadcast %xor3A_950 : i32 to vector<16xi32>
    %xor3A_952 = arith.xori %iota3A_928, %xor3A_951 : vector<16xi32>
    %broadcast_in_dim3A_953 = vector.shape_cast %xor3A_952 : vector<16xi32> to vector<16x1xi32>
    %gather3A_954 = vector.shape_cast %broadcast_in_dim3A_953 : vector<16x1xi32> to vector<16xi32>
    %gather3A_955 = tpu.dynamic_gather %add3A_949[%gather3A_954] in [0] : vector<16xi32>, vector<16xi32> -> vector<16xi32>
    %add3A_956 = arith.addi %add3A_949, %gather3A_955 : vector<16xi32>
    %ge3A_957 = arith.cmpi sge, %add3A_956, %get3A_2 : vector<16xi32>
    %select_n3A_958 = arith.select %ge3A_957, %or3A_921, %select_n3A_918 : vector<16xi1>, vector<16xi32>
    %broadcast_in_dim3A_959 = arith.constant 64 : i32
    %broadcast_in_dim3A_960 = vector.broadcast %broadcast_in_dim3A_959 : i32 to vector<16xi32>
    %or3A_961 = arith.ori %select_n3A_958, %broadcast_in_dim3A_960 : vector<16xi32>
    %scan3A_962 = arith.constant 0 : i32
    %scan3A_963 = arith.constant 546 : i32
    %scan3A_964 = arith.addi %scan3A_962, %scan3A_963 : i32
    %scan3A_965 = arith.constant 1 : i32
    %scan3A_966 = scf.for %scan3A_1285 = %scan3A_962 to %scan3A_964 step %scan3A_965 iter_args(%scan3A_1286 = %broadcast_in_dim3A_3) -> (vector<16xi32>)  : i32 {
      %mul3A_1287 = arith.constant 16 : i32
      %mul3A_1288 = arith.muli %scan3A_1285, %mul3A_1287 : i32
      %get3A_1289 = arith.index_cast %mul3A_1288 : i32 to index
      %get3A_1290 = tpu.vector_load %arg7[%get3A_1289] {strides = array<i32>} : memref<8736xf32, #tpu.memory_space<vmem>>, vector<16xf32>,
      %get3A_1291 = vector.shape_cast %get3A_1290 : vector<16xf32> to vector<16xf32>
      %bitcast_convert_type3A = tpu.bitcast %get3A_1291 : vector<16xf32> -> vector<16xi32>
      %ge3A_1292 = arith.cmpi sge, %bitcast_convert_type3A, %or3A_961 : vector<16xi32>
      %select_n3A_1293 = arith.select %ge3A_1292, %broadcast_in_dim3A_5, %broadcast_in_dim3A_3 : vector<16xi1>, vector<16xi32>
      %add3A_1294 = arith.addi %scan3A_1286, %select_n3A_1293 : vector<16xi32>
      scf.yield %add3A_1294 : vector<16xi32>
    }
    %scan3A_967 = arith.constant 546 : i32
    %iota3A_968 = tpu.iota {dimensions = array<i32: 0>} : vector<16xi32>
    %xor3A_969 = arith.constant 1 : i32
    %xor3A_970 = vector.broadcast %xor3A_969 : i32 to vector<16xi32>
    %xor3A_971 = arith.xori %iota3A_968, %xor3A_970 : vector<16xi32>
    %broadcast_in_dim3A_972 = vector.shape_cast %xor3A_971 : vector<16xi32> to vector<16x1xi32>
    %gather3A_973 = vector.shape_cast %broadcast_in_dim3A_972 : vector<16x1xi32> to vector<16xi32>
    %gather3A_974 = tpu.dynamic_gather %scan3A_966[%gather3A_973] in [0] : vector<16xi32>, vector<16xi32> -> vector<16xi32>
    %add3A_975 = arith.addi %scan3A_966, %gather3A_974 : vector<16xi32>
    %xor3A_976 = arith.constant 2 : i32
    %xor3A_977 = vector.broadcast %xor3A_976 : i32 to vector<16xi32>
    %xor3A_978 = arith.xori %iota3A_968, %xor3A_977 : vector<16xi32>
    %broadcast_in_dim3A_979 = vector.shape_cast %xor3A_978 : vector<16xi32> to vector<16x1xi32>
    %gather3A_980 = vector.shape_cast %broadcast_in_dim3A_979 : vector<16x1xi32> to vector<16xi32>
    %gather3A_981 = tpu.dynamic_gather %add3A_975[%gather3A_980] in [0] : vector<16xi32>, vector<16xi32> -> vector<16xi32>
    %add3A_982 = arith.addi %add3A_975, %gather3A_981 : vector<16xi32>
    %xor3A_983 = arith.constant 4 : i32
    %xor3A_984 = vector.broadcast %xor3A_983 : i32 to vector<16xi32>
    %xor3A_985 = arith.xori %iota3A_968, %xor3A_984 : vector<16xi32>
    %broadcast_in_dim3A_986 = vector.shape_cast %xor3A_985 : vector<16xi32> to vector<16x1xi32>
    %gather3A_987 = vector.shape_cast %broadcast_in_dim3A_986 : vector<16x1xi32> to vector<16xi32>
    %gather3A_988 = tpu.dynamic_gather %add3A_982[%gather3A_987] in [0] : vector<16xi32>, vector<16xi32> -> vector<16xi32>
    %add3A_989 = arith.addi %add3A_982, %gather3A_988 : vector<16xi32>
    %xor3A_990 = arith.constant 8 : i32
    %xor3A_991 = vector.broadcast %xor3A_990 : i32 to vector<16xi32>
    %xor3A_992 = arith.xori %iota3A_968, %xor3A_991 : vector<16xi32>
    %broadcast_in_dim3A_993 = vector.shape_cast %xor3A_992 : vector<16xi32> to vector<16x1xi32>
    %gather3A_994 = vector.shape_cast %broadcast_in_dim3A_993 : vector<16x1xi32> to vector<16xi32>
    %gather3A_995 = tpu.dynamic_gather %add3A_989[%gather3A_994] in [0] : vector<16xi32>, vector<16xi32> -> vector<16xi32>
    %add3A_996 = arith.addi %add3A_989, %gather3A_995 : vector<16xi32>
    %ge3A_997 = arith.cmpi sge, %add3A_996, %get3A_2 : vector<16xi32>
    %select_n3A_998 = arith.select %ge3A_997, %or3A_961, %select_n3A_958 : vector<16xi1>, vector<16xi32>
    %broadcast_in_dim3A_999 = arith.constant 32 : i32
    %broadcast_in_dim3A_1000 = vector.broadcast %broadcast_in_dim3A_999 : i32 to vector<16xi32>
    %or3A_1001 = arith.ori %select_n3A_998, %broadcast_in_dim3A_1000 : vector<16xi32>
    %scan3A_1002 = arith.constant 0 : i32
    %scan3A_1003 = arith.constant 546 : i32
    %scan3A_1004 = arith.addi %scan3A_1002, %scan3A_1003 : i32
    %scan3A_1005 = arith.constant 1 : i32
    %scan3A_1006 = scf.for %scan3A_1285 = %scan3A_1002 to %scan3A_1004 step %scan3A_1005 iter_args(%scan3A_1286 = %broadcast_in_dim3A_3) -> (vector<16xi32>)  : i32 {
      %mul3A_1287 = arith.constant 16 : i32
      %mul3A_1288 = arith.muli %scan3A_1285, %mul3A_1287 : i32
      %get3A_1289 = arith.index_cast %mul3A_1288 : i32 to index
      %get3A_1290 = tpu.vector_load %arg7[%get3A_1289] {strides = array<i32>} : memref<8736xf32, #tpu.memory_space<vmem>>, vector<16xf32>,
      %get3A_1291 = vector.shape_cast %get3A_1290 : vector<16xf32> to vector<16xf32>
      %bitcast_convert_type3A = tpu.bitcast %get3A_1291 : vector<16xf32> -> vector<16xi32>
      %ge3A_1292 = arith.cmpi sge, %bitcast_convert_type3A, %or3A_1001 : vector<16xi32>
      %select_n3A_1293 = arith.select %ge3A_1292, %broadcast_in_dim3A_5, %broadcast_in_dim3A_3 : vector<16xi1>, vector<16xi32>
      %add3A_1294 = arith.addi %scan3A_1286, %select_n3A_1293 : vector<16xi32>
      scf.yield %add3A_1294 : vector<16xi32>
    }
    %scan3A_1007 = arith.constant 546 : i32
    %iota3A_1008 = tpu.iota {dimensions = array<i32: 0>} : vector<16xi32>
    %xor3A_1009 = arith.constant 1 : i32
    %xor3A_1010 = vector.broadcast %xor3A_1009 : i32 to vector<16xi32>
    %xor3A_1011 = arith.xori %iota3A_1008, %xor3A_1010 : vector<16xi32>
    %broadcast_in_dim3A_1012 = vector.shape_cast %xor3A_1011 : vector<16xi32> to vector<16x1xi32>
    %gather3A_1013 = vector.shape_cast %broadcast_in_dim3A_1012 : vector<16x1xi32> to vector<16xi32>
    %gather3A_1014 = tpu.dynamic_gather %scan3A_1006[%gather3A_1013] in [0] : vector<16xi32>, vector<16xi32> -> vector<16xi32>
    %add3A_1015 = arith.addi %scan3A_1006, %gather3A_1014 : vector<16xi32>
    %xor3A_1016 = arith.constant 2 : i32
    %xor3A_1017 = vector.broadcast %xor3A_1016 : i32 to vector<16xi32>
    %xor3A_1018 = arith.xori %iota3A_1008, %xor3A_1017 : vector<16xi32>
    %broadcast_in_dim3A_1019 = vector.shape_cast %xor3A_1018 : vector<16xi32> to vector<16x1xi32>
    %gather3A_1020 = vector.shape_cast %broadcast_in_dim3A_1019 : vector<16x1xi32> to vector<16xi32>
    %gather3A_1021 = tpu.dynamic_gather %add3A_1015[%gather3A_1020] in [0] : vector<16xi32>, vector<16xi32> -> vector<16xi32>
    %add3A_1022 = arith.addi %add3A_1015, %gather3A_1021 : vector<16xi32>
    %xor3A_1023 = arith.constant 4 : i32
    %xor3A_1024 = vector.broadcast %xor3A_1023 : i32 to vector<16xi32>
    %xor3A_1025 = arith.xori %iota3A_1008, %xor3A_1024 : vector<16xi32>
    %broadcast_in_dim3A_1026 = vector.shape_cast %xor3A_1025 : vector<16xi32> to vector<16x1xi32>
    %gather3A_1027 = vector.shape_cast %broadcast_in_dim3A_1026 : vector<16x1xi32> to vector<16xi32>
    %gather3A_1028 = tpu.dynamic_gather %add3A_1022[%gather3A_1027] in [0] : vector<16xi32>, vector<16xi32> -> vector<16xi32>
    %add3A_1029 = arith.addi %add3A_1022, %gather3A_1028 : vector<16xi32>
    %xor3A_1030 = arith.constant 8 : i32
    %xor3A_1031 = vector.broadcast %xor3A_1030 : i32 to vector<16xi32>
    %xor3A_1032 = arith.xori %iota3A_1008, %xor3A_1031 : vector<16xi32>
    %broadcast_in_dim3A_1033 = vector.shape_cast %xor3A_1032 : vector<16xi32> to vector<16x1xi32>
    %gather3A_1034 = vector.shape_cast %broadcast_in_dim3A_1033 : vector<16x1xi32> to vector<16xi32>
    %gather3A_1035 = tpu.dynamic_gather %add3A_1029[%gather3A_1034] in [0] : vector<16xi32>, vector<16xi32> -> vector<16xi32>
    %add3A_1036 = arith.addi %add3A_1029, %gather3A_1035 : vector<16xi32>
    %ge3A_1037 = arith.cmpi sge, %add3A_1036, %get3A_2 : vector<16xi32>
    %select_n3A_1038 = arith.select %ge3A_1037, %or3A_1001, %select_n3A_998 : vector<16xi1>, vector<16xi32>
    %broadcast_in_dim3A_1039 = arith.constant 16 : i32
    %broadcast_in_dim3A_1040 = vector.broadcast %broadcast_in_dim3A_1039 : i32 to vector<16xi32>
    %or3A_1041 = arith.ori %select_n3A_1038, %broadcast_in_dim3A_1040 : vector<16xi32>
    %scan3A_1042 = arith.constant 0 : i32
    %scan3A_1043 = arith.constant 546 : i32
    %scan3A_1044 = arith.addi %scan3A_1042, %scan3A_1043 : i32
    %scan3A_1045 = arith.constant 1 : i32
    %scan3A_1046 = scf.for %scan3A_1285 = %scan3A_1042 to %scan3A_1044 step %scan3A_1045 iter_args(%scan3A_1286 = %broadcast_in_dim3A_3) -> (vector<16xi32>)  : i32 {
      %mul3A_1287 = arith.constant 16 : i32
      %mul3A_1288 = arith.muli %scan3A_1285, %mul3A_1287 : i32
      %get3A_1289 = arith.index_cast %mul3A_1288 : i32 to index
      %get3A_1290 = tpu.vector_load %arg7[%get3A_1289] {strides = array<i32>} : memref<8736xf32, #tpu.memory_space<vmem>>, vector<16xf32>,
      %get3A_1291 = vector.shape_cast %get3A_1290 : vector<16xf32> to vector<16xf32>
      %bitcast_convert_type3A = tpu.bitcast %get3A_1291 : vector<16xf32> -> vector<16xi32>
      %ge3A_1292 = arith.cmpi sge, %bitcast_convert_type3A, %or3A_1041 : vector<16xi32>
      %select_n3A_1293 = arith.select %ge3A_1292, %broadcast_in_dim3A_5, %broadcast_in_dim3A_3 : vector<16xi1>, vector<16xi32>
      %add3A_1294 = arith.addi %scan3A_1286, %select_n3A_1293 : vector<16xi32>
      scf.yield %add3A_1294 : vector<16xi32>
    }
    %scan3A_1047 = arith.constant 546 : i32
    %iota3A_1048 = tpu.iota {dimensions = array<i32: 0>} : vector<16xi32>
    %xor3A_1049 = arith.constant 1 : i32
    %xor3A_1050 = vector.broadcast %xor3A_1049 : i32 to vector<16xi32>
    %xor3A_1051 = arith.xori %iota3A_1048, %xor3A_1050 : vector<16xi32>
    %broadcast_in_dim3A_1052 = vector.shape_cast %xor3A_1051 : vector<16xi32> to vector<16x1xi32>
    %gather3A_1053 = vector.shape_cast %broadcast_in_dim3A_1052 : vector<16x1xi32> to vector<16xi32>
    %gather3A_1054 = tpu.dynamic_gather %scan3A_1046[%gather3A_1053] in [0] : vector<16xi32>, vector<16xi32> -> vector<16xi32>
    %add3A_1055 = arith.addi %scan3A_1046, %gather3A_1054 : vector<16xi32>
    %xor3A_1056 = arith.constant 2 : i32
    %xor3A_1057 = vector.broadcast %xor3A_1056 : i32 to vector<16xi32>
    %xor3A_1058 = arith.xori %iota3A_1048, %xor3A_1057 : vector<16xi32>
    %broadcast_in_dim3A_1059 = vector.shape_cast %xor3A_1058 : vector<16xi32> to vector<16x1xi32>
    %gather3A_1060 = vector.shape_cast %broadcast_in_dim3A_1059 : vector<16x1xi32> to vector<16xi32>
    %gather3A_1061 = tpu.dynamic_gather %add3A_1055[%gather3A_1060] in [0] : vector<16xi32>, vector<16xi32> -> vector<16xi32>
    %add3A_1062 = arith.addi %add3A_1055, %gather3A_1061 : vector<16xi32>
    %xor3A_1063 = arith.constant 4 : i32
    %xor3A_1064 = vector.broadcast %xor3A_1063 : i32 to vector<16xi32>
    %xor3A_1065 = arith.xori %iota3A_1048, %xor3A_1064 : vector<16xi32>
    %broadcast_in_dim3A_1066 = vector.shape_cast %xor3A_1065 : vector<16xi32> to vector<16x1xi32>
    %gather3A_1067 = vector.shape_cast %broadcast_in_dim3A_1066 : vector<16x1xi32> to vector<16xi32>
    %gather3A_1068 = tpu.dynamic_gather %add3A_1062[%gather3A_1067] in [0] : vector<16xi32>, vector<16xi32> -> vector<16xi32>
    %add3A_1069 = arith.addi %add3A_1062, %gather3A_1068 : vector<16xi32>
    %xor3A_1070 = arith.constant 8 : i32
    %xor3A_1071 = vector.broadcast %xor3A_1070 : i32 to vector<16xi32>
    %xor3A_1072 = arith.xori %iota3A_1048, %xor3A_1071 : vector<16xi32>
    %broadcast_in_dim3A_1073 = vector.shape_cast %xor3A_1072 : vector<16xi32> to vector<16x1xi32>
    %gather3A_1074 = vector.shape_cast %broadcast_in_dim3A_1073 : vector<16x1xi32> to vector<16xi32>
    %gather3A_1075 = tpu.dynamic_gather %add3A_1069[%gather3A_1074] in [0] : vector<16xi32>, vector<16xi32> -> vector<16xi32>
    %add3A_1076 = arith.addi %add3A_1069, %gather3A_1075 : vector<16xi32>
    %ge3A_1077 = arith.cmpi sge, %add3A_1076, %get3A_2 : vector<16xi32>
    %select_n3A_1078 = arith.select %ge3A_1077, %or3A_1041, %select_n3A_1038 : vector<16xi1>, vector<16xi32>
    %broadcast_in_dim3A_1079 = arith.constant 8 : i32
    %broadcast_in_dim3A_1080 = vector.broadcast %broadcast_in_dim3A_1079 : i32 to vector<16xi32>
    %or3A_1081 = arith.ori %select_n3A_1078, %broadcast_in_dim3A_1080 : vector<16xi32>
    %scan3A_1082 = arith.constant 0 : i32
    %scan3A_1083 = arith.constant 546 : i32
    %scan3A_1084 = arith.addi %scan3A_1082, %scan3A_1083 : i32
    %scan3A_1085 = arith.constant 1 : i32
    %scan3A_1086 = scf.for %scan3A_1285 = %scan3A_1082 to %scan3A_1084 step %scan3A_1085 iter_args(%scan3A_1286 = %broadcast_in_dim3A_3) -> (vector<16xi32>)  : i32 {
      %mul3A_1287 = arith.constant 16 : i32
      %mul3A_1288 = arith.muli %scan3A_1285, %mul3A_1287 : i32
      %get3A_1289 = arith.index_cast %mul3A_1288 : i32 to index
      %get3A_1290 = tpu.vector_load %arg7[%get3A_1289] {strides = array<i32>} : memref<8736xf32, #tpu.memory_space<vmem>>, vector<16xf32>,
      %get3A_1291 = vector.shape_cast %get3A_1290 : vector<16xf32> to vector<16xf32>
      %bitcast_convert_type3A = tpu.bitcast %get3A_1291 : vector<16xf32> -> vector<16xi32>
      %ge3A_1292 = arith.cmpi sge, %bitcast_convert_type3A, %or3A_1081 : vector<16xi32>
      %select_n3A_1293 = arith.select %ge3A_1292, %broadcast_in_dim3A_5, %broadcast_in_dim3A_3 : vector<16xi1>, vector<16xi32>
      %add3A_1294 = arith.addi %scan3A_1286, %select_n3A_1293 : vector<16xi32>
      scf.yield %add3A_1294 : vector<16xi32>
    }
    %scan3A_1087 = arith.constant 546 : i32
    %iota3A_1088 = tpu.iota {dimensions = array<i32: 0>} : vector<16xi32>
    %xor3A_1089 = arith.constant 1 : i32
    %xor3A_1090 = vector.broadcast %xor3A_1089 : i32 to vector<16xi32>
    %xor3A_1091 = arith.xori %iota3A_1088, %xor3A_1090 : vector<16xi32>
    %broadcast_in_dim3A_1092 = vector.shape_cast %xor3A_1091 : vector<16xi32> to vector<16x1xi32>
    %gather3A_1093 = vector.shape_cast %broadcast_in_dim3A_1092 : vector<16x1xi32> to vector<16xi32>
    %gather3A_1094 = tpu.dynamic_gather %scan3A_1086[%gather3A_1093] in [0] : vector<16xi32>, vector<16xi32> -> vector<16xi32>
    %add3A_1095 = arith.addi %scan3A_1086, %gather3A_1094 : vector<16xi32>
    %xor3A_1096 = arith.constant 2 : i32
    %xor3A_1097 = vector.broadcast %xor3A_1096 : i32 to vector<16xi32>
    %xor3A_1098 = arith.xori %iota3A_1088, %xor3A_1097 : vector<16xi32>
    %broadcast_in_dim3A_1099 = vector.shape_cast %xor3A_1098 : vector<16xi32> to vector<16x1xi32>
    %gather3A_1100 = vector.shape_cast %broadcast_in_dim3A_1099 : vector<16x1xi32> to vector<16xi32>
    %gather3A_1101 = tpu.dynamic_gather %add3A_1095[%gather3A_1100] in [0] : vector<16xi32>, vector<16xi32> -> vector<16xi32>
    %add3A_1102 = arith.addi %add3A_1095, %gather3A_1101 : vector<16xi32>
    %xor3A_1103 = arith.constant 4 : i32
    %xor3A_1104 = vector.broadcast %xor3A_1103 : i32 to vector<16xi32>
    %xor3A_1105 = arith.xori %iota3A_1088, %xor3A_1104 : vector<16xi32>
    %broadcast_in_dim3A_1106 = vector.shape_cast %xor3A_1105 : vector<16xi32> to vector<16x1xi32>
    %gather3A_1107 = vector.shape_cast %broadcast_in_dim3A_1106 : vector<16x1xi32> to vector<16xi32>
    %gather3A_1108 = tpu.dynamic_gather %add3A_1102[%gather3A_1107] in [0] : vector<16xi32>, vector<16xi32> -> vector<16xi32>
    %add3A_1109 = arith.addi %add3A_1102, %gather3A_1108 : vector<16xi32>
    %xor3A_1110 = arith.constant 8 : i32
    %xor3A_1111 = vector.broadcast %xor3A_1110 : i32 to vector<16xi32>
    %xor3A_1112 = arith.xori %iota3A_1088, %xor3A_1111 : vector<16xi32>
    %broadcast_in_dim3A_1113 = vector.shape_cast %xor3A_1112 : vector<16xi32> to vector<16x1xi32>
    %gather3A_1114 = vector.shape_cast %broadcast_in_dim3A_1113 : vector<16x1xi32> to vector<16xi32>
    %gather3A_1115 = tpu.dynamic_gather %add3A_1109[%gather3A_1114] in [0] : vector<16xi32>, vector<16xi32> -> vector<16xi32>
    %add3A_1116 = arith.addi %add3A_1109, %gather3A_1115 : vector<16xi32>
    %ge3A_1117 = arith.cmpi sge, %add3A_1116, %get3A_2 : vector<16xi32>
    %select_n3A_1118 = arith.select %ge3A_1117, %or3A_1081, %select_n3A_1078 : vector<16xi1>, vector<16xi32>
    %broadcast_in_dim3A_1119 = arith.constant 4 : i32
    %broadcast_in_dim3A_1120 = vector.broadcast %broadcast_in_dim3A_1119 : i32 to vector<16xi32>
    %or3A_1121 = arith.ori %select_n3A_1118, %broadcast_in_dim3A_1120 : vector<16xi32>
    %scan3A_1122 = arith.constant 0 : i32
    %scan3A_1123 = arith.constant 546 : i32
    %scan3A_1124 = arith.addi %scan3A_1122, %scan3A_1123 : i32
    %scan3A_1125 = arith.constant 1 : i32
    %scan3A_1126 = scf.for %scan3A_1285 = %scan3A_1122 to %scan3A_1124 step %scan3A_1125 iter_args(%scan3A_1286 = %broadcast_in_dim3A_3) -> (vector<16xi32>)  : i32 {
      %mul3A_1287 = arith.constant 16 : i32
      %mul3A_1288 = arith.muli %scan3A_1285, %mul3A_1287 : i32
      %get3A_1289 = arith.index_cast %mul3A_1288 : i32 to index
      %get3A_1290 = tpu.vector_load %arg7[%get3A_1289] {strides = array<i32>} : memref<8736xf32, #tpu.memory_space<vmem>>, vector<16xf32>,
      %get3A_1291 = vector.shape_cast %get3A_1290 : vector<16xf32> to vector<16xf32>
      %bitcast_convert_type3A = tpu.bitcast %get3A_1291 : vector<16xf32> -> vector<16xi32>
      %ge3A_1292 = arith.cmpi sge, %bitcast_convert_type3A, %or3A_1121 : vector<16xi32>
      %select_n3A_1293 = arith.select %ge3A_1292, %broadcast_in_dim3A_5, %broadcast_in_dim3A_3 : vector<16xi1>, vector<16xi32>
      %add3A_1294 = arith.addi %scan3A_1286, %select_n3A_1293 : vector<16xi32>
      scf.yield %add3A_1294 : vector<16xi32>
    }
    %scan3A_1127 = arith.constant 546 : i32
    %iota3A_1128 = tpu.iota {dimensions = array<i32: 0>} : vector<16xi32>
    %xor3A_1129 = arith.constant 1 : i32
    %xor3A_1130 = vector.broadcast %xor3A_1129 : i32 to vector<16xi32>
    %xor3A_1131 = arith.xori %iota3A_1128, %xor3A_1130 : vector<16xi32>
    %broadcast_in_dim3A_1132 = vector.shape_cast %xor3A_1131 : vector<16xi32> to vector<16x1xi32>
    %gather3A_1133 = vector.shape_cast %broadcast_in_dim3A_1132 : vector<16x1xi32> to vector<16xi32>
    %gather3A_1134 = tpu.dynamic_gather %scan3A_1126[%gather3A_1133] in [0] : vector<16xi32>, vector<16xi32> -> vector<16xi32>
    %add3A_1135 = arith.addi %scan3A_1126, %gather3A_1134 : vector<16xi32>
    %xor3A_1136 = arith.constant 2 : i32
    %xor3A_1137 = vector.broadcast %xor3A_1136 : i32 to vector<16xi32>
    %xor3A_1138 = arith.xori %iota3A_1128, %xor3A_1137 : vector<16xi32>
    %broadcast_in_dim3A_1139 = vector.shape_cast %xor3A_1138 : vector<16xi32> to vector<16x1xi32>
    %gather3A_1140 = vector.shape_cast %broadcast_in_dim3A_1139 : vector<16x1xi32> to vector<16xi32>
    %gather3A_1141 = tpu.dynamic_gather %add3A_1135[%gather3A_1140] in [0] : vector<16xi32>, vector<16xi32> -> vector<16xi32>
    %add3A_1142 = arith.addi %add3A_1135, %gather3A_1141 : vector<16xi32>
    %xor3A_1143 = arith.constant 4 : i32
    %xor3A_1144 = vector.broadcast %xor3A_1143 : i32 to vector<16xi32>
    %xor3A_1145 = arith.xori %iota3A_1128, %xor3A_1144 : vector<16xi32>
    %broadcast_in_dim3A_1146 = vector.shape_cast %xor3A_1145 : vector<16xi32> to vector<16x1xi32>
    %gather3A_1147 = vector.shape_cast %broadcast_in_dim3A_1146 : vector<16x1xi32> to vector<16xi32>
    %gather3A_1148 = tpu.dynamic_gather %add3A_1142[%gather3A_1147] in [0] : vector<16xi32>, vector<16xi32> -> vector<16xi32>
    %add3A_1149 = arith.addi %add3A_1142, %gather3A_1148 : vector<16xi32>
    %xor3A_1150 = arith.constant 8 : i32
    %xor3A_1151 = vector.broadcast %xor3A_1150 : i32 to vector<16xi32>
    %xor3A_1152 = arith.xori %iota3A_1128, %xor3A_1151 : vector<16xi32>
    %broadcast_in_dim3A_1153 = vector.shape_cast %xor3A_1152 : vector<16xi32> to vector<16x1xi32>
    %gather3A_1154 = vector.shape_cast %broadcast_in_dim3A_1153 : vector<16x1xi32> to vector<16xi32>
    %gather3A_1155 = tpu.dynamic_gather %add3A_1149[%gather3A_1154] in [0] : vector<16xi32>, vector<16xi32> -> vector<16xi32>
    %add3A_1156 = arith.addi %add3A_1149, %gather3A_1155 : vector<16xi32>
    %ge3A_1157 = arith.cmpi sge, %add3A_1156, %get3A_2 : vector<16xi32>
    %select_n3A_1158 = arith.select %ge3A_1157, %or3A_1121, %select_n3A_1118 : vector<16xi1>, vector<16xi32>
    %broadcast_in_dim3A_1159 = arith.constant 2 : i32
    %broadcast_in_dim3A_1160 = vector.broadcast %broadcast_in_dim3A_1159 : i32 to vector<16xi32>
    %or3A_1161 = arith.ori %select_n3A_1158, %broadcast_in_dim3A_1160 : vector<16xi32>
    %scan3A_1162 = arith.constant 0 : i32
    %scan3A_1163 = arith.constant 546 : i32
    %scan3A_1164 = arith.addi %scan3A_1162, %scan3A_1163 : i32
    %scan3A_1165 = arith.constant 1 : i32
    %scan3A_1166 = scf.for %scan3A_1285 = %scan3A_1162 to %scan3A_1164 step %scan3A_1165 iter_args(%scan3A_1286 = %broadcast_in_dim3A_3) -> (vector<16xi32>)  : i32 {
      %mul3A_1287 = arith.constant 16 : i32
      %mul3A_1288 = arith.muli %scan3A_1285, %mul3A_1287 : i32
      %get3A_1289 = arith.index_cast %mul3A_1288 : i32 to index
      %get3A_1290 = tpu.vector_load %arg7[%get3A_1289] {strides = array<i32>} : memref<8736xf32, #tpu.memory_space<vmem>>, vector<16xf32>,
      %get3A_1291 = vector.shape_cast %get3A_1290 : vector<16xf32> to vector<16xf32>
      %bitcast_convert_type3A = tpu.bitcast %get3A_1291 : vector<16xf32> -> vector<16xi32>
      %ge3A_1292 = arith.cmpi sge, %bitcast_convert_type3A, %or3A_1161 : vector<16xi32>
      %select_n3A_1293 = arith.select %ge3A_1292, %broadcast_in_dim3A_5, %broadcast_in_dim3A_3 : vector<16xi1>, vector<16xi32>
      %add3A_1294 = arith.addi %scan3A_1286, %select_n3A_1293 : vector<16xi32>
      scf.yield %add3A_1294 : vector<16xi32>
    }
    %scan3A_1167 = arith.constant 546 : i32
    %iota3A_1168 = tpu.iota {dimensions = array<i32: 0>} : vector<16xi32>
    %xor3A_1169 = arith.constant 1 : i32
    %xor3A_1170 = vector.broadcast %xor3A_1169 : i32 to vector<16xi32>
    %xor3A_1171 = arith.xori %iota3A_1168, %xor3A_1170 : vector<16xi32>
    %broadcast_in_dim3A_1172 = vector.shape_cast %xor3A_1171 : vector<16xi32> to vector<16x1xi32>
    %gather3A_1173 = vector.shape_cast %broadcast_in_dim3A_1172 : vector<16x1xi32> to vector<16xi32>
    %gather3A_1174 = tpu.dynamic_gather %scan3A_1166[%gather3A_1173] in [0] : vector<16xi32>, vector<16xi32> -> vector<16xi32>
    %add3A_1175 = arith.addi %scan3A_1166, %gather3A_1174 : vector<16xi32>
    %xor3A_1176 = arith.constant 2 : i32
    %xor3A_1177 = vector.broadcast %xor3A_1176 : i32 to vector<16xi32>
    %xor3A_1178 = arith.xori %iota3A_1168, %xor3A_1177 : vector<16xi32>
    %broadcast_in_dim3A_1179 = vector.shape_cast %xor3A_1178 : vector<16xi32> to vector<16x1xi32>
    %gather3A_1180 = vector.shape_cast %broadcast_in_dim3A_1179 : vector<16x1xi32> to vector<16xi32>
    %gather3A_1181 = tpu.dynamic_gather %add3A_1175[%gather3A_1180] in [0] : vector<16xi32>, vector<16xi32> -> vector<16xi32>
    %add3A_1182 = arith.addi %add3A_1175, %gather3A_1181 : vector<16xi32>
    %xor3A_1183 = arith.constant 4 : i32
    %xor3A_1184 = vector.broadcast %xor3A_1183 : i32 to vector<16xi32>
    %xor3A_1185 = arith.xori %iota3A_1168, %xor3A_1184 : vector<16xi32>
    %broadcast_in_dim3A_1186 = vector.shape_cast %xor3A_1185 : vector<16xi32> to vector<16x1xi32>
    %gather3A_1187 = vector.shape_cast %broadcast_in_dim3A_1186 : vector<16x1xi32> to vector<16xi32>
    %gather3A_1188 = tpu.dynamic_gather %add3A_1182[%gather3A_1187] in [0] : vector<16xi32>, vector<16xi32> -> vector<16xi32>
    %add3A_1189 = arith.addi %add3A_1182, %gather3A_1188 : vector<16xi32>
    %xor3A_1190 = arith.constant 8 : i32
    %xor3A_1191 = vector.broadcast %xor3A_1190 : i32 to vector<16xi32>
    %xor3A_1192 = arith.xori %iota3A_1168, %xor3A_1191 : vector<16xi32>
    %broadcast_in_dim3A_1193 = vector.shape_cast %xor3A_1192 : vector<16xi32> to vector<16x1xi32>
    %gather3A_1194 = vector.shape_cast %broadcast_in_dim3A_1193 : vector<16x1xi32> to vector<16xi32>
    %gather3A_1195 = tpu.dynamic_gather %add3A_1189[%gather3A_1194] in [0] : vector<16xi32>, vector<16xi32> -> vector<16xi32>
    %add3A_1196 = arith.addi %add3A_1189, %gather3A_1195 : vector<16xi32>
    %ge3A_1197 = arith.cmpi sge, %add3A_1196, %get3A_2 : vector<16xi32>
    %select_n3A_1198 = arith.select %ge3A_1197, %or3A_1161, %select_n3A_1158 : vector<16xi1>, vector<16xi32>
    %broadcast_in_dim3A_1199 = arith.constant 1 : i32
    %broadcast_in_dim3A_1200 = vector.broadcast %broadcast_in_dim3A_1199 : i32 to vector<16xi32>
    %or3A_1201 = arith.ori %select_n3A_1198, %broadcast_in_dim3A_1200 : vector<16xi32>
    %scan3A_1202 = arith.constant 0 : i32
    %scan3A_1203 = arith.constant 546 : i32
    %scan3A_1204 = arith.addi %scan3A_1202, %scan3A_1203 : i32
    %scan3A_1205 = arith.constant 1 : i32
    %scan3A_1206 = scf.for %scan3A_1285 = %scan3A_1202 to %scan3A_1204 step %scan3A_1205 iter_args(%scan3A_1286 = %broadcast_in_dim3A_3) -> (vector<16xi32>)  : i32 {
      %mul3A_1287 = arith.constant 16 : i32
      %mul3A_1288 = arith.muli %scan3A_1285, %mul3A_1287 : i32
      %get3A_1289 = arith.index_cast %mul3A_1288 : i32 to index
      %get3A_1290 = tpu.vector_load %arg7[%get3A_1289] {strides = array<i32>} : memref<8736xf32, #tpu.memory_space<vmem>>, vector<16xf32>,
      %get3A_1291 = vector.shape_cast %get3A_1290 : vector<16xf32> to vector<16xf32>
      %bitcast_convert_type3A = tpu.bitcast %get3A_1291 : vector<16xf32> -> vector<16xi32>
      %ge3A_1292 = arith.cmpi sge, %bitcast_convert_type3A, %or3A_1201 : vector<16xi32>
      %select_n3A_1293 = arith.select %ge3A_1292, %broadcast_in_dim3A_5, %broadcast_in_dim3A_3 : vector<16xi1>, vector<16xi32>
      %add3A_1294 = arith.addi %scan3A_1286, %select_n3A_1293 : vector<16xi32>
      scf.yield %add3A_1294 : vector<16xi32>
    }
    %scan3A_1207 = arith.constant 546 : i32
    %iota3A_1208 = tpu.iota {dimensions = array<i32: 0>} : vector<16xi32>
    %xor3A_1209 = arith.constant 1 : i32
    %xor3A_1210 = vector.broadcast %xor3A_1209 : i32 to vector<16xi32>
    %xor3A_1211 = arith.xori %iota3A_1208, %xor3A_1210 : vector<16xi32>
    %broadcast_in_dim3A_1212 = vector.shape_cast %xor3A_1211 : vector<16xi32> to vector<16x1xi32>
    %gather3A_1213 = vector.shape_cast %broadcast_in_dim3A_1212 : vector<16x1xi32> to vector<16xi32>
    %gather3A_1214 = tpu.dynamic_gather %scan3A_1206[%gather3A_1213] in [0] : vector<16xi32>, vector<16xi32> -> vector<16xi32>
    %add3A_1215 = arith.addi %scan3A_1206, %gather3A_1214 : vector<16xi32>
    %xor3A_1216 = arith.constant 2 : i32
    %xor3A_1217 = vector.broadcast %xor3A_1216 : i32 to vector<16xi32>
    %xor3A_1218 = arith.xori %iota3A_1208, %xor3A_1217 : vector<16xi32>
    %broadcast_in_dim3A_1219 = vector.shape_cast %xor3A_1218 : vector<16xi32> to vector<16x1xi32>
    %gather3A_1220 = vector.shape_cast %broadcast_in_dim3A_1219 : vector<16x1xi32> to vector<16xi32>
    %gather3A_1221 = tpu.dynamic_gather %add3A_1215[%gather3A_1220] in [0] : vector<16xi32>, vector<16xi32> -> vector<16xi32>
    %add3A_1222 = arith.addi %add3A_1215, %gather3A_1221 : vector<16xi32>
    %xor3A_1223 = arith.constant 4 : i32
    %xor3A_1224 = vector.broadcast %xor3A_1223 : i32 to vector<16xi32>
    %xor3A_1225 = arith.xori %iota3A_1208, %xor3A_1224 : vector<16xi32>
    %broadcast_in_dim3A_1226 = vector.shape_cast %xor3A_1225 : vector<16xi32> to vector<16x1xi32>
    %gather3A_1227 = vector.shape_cast %broadcast_in_dim3A_1226 : vector<16x1xi32> to vector<16xi32>
    %gather3A_1228 = tpu.dynamic_gather %add3A_1222[%gather3A_1227] in [0] : vector<16xi32>, vector<16xi32> -> vector<16xi32>
    %add3A_1229 = arith.addi %add3A_1222, %gather3A_1228 : vector<16xi32>
    %xor3A_1230 = arith.constant 8 : i32
    %xor3A_1231 = vector.broadcast %xor3A_1230 : i32 to vector<16xi32>
    %xor3A_1232 = arith.xori %iota3A_1208, %xor3A_1231 : vector<16xi32>
    %broadcast_in_dim3A_1233 = vector.shape_cast %xor3A_1232 : vector<16xi32> to vector<16x1xi32>
    %gather3A_1234 = vector.shape_cast %broadcast_in_dim3A_1233 : vector<16x1xi32> to vector<16xi32>
    %gather3A_1235 = tpu.dynamic_gather %add3A_1229[%gather3A_1234] in [0] : vector<16xi32>, vector<16xi32> -> vector<16xi32>
    %add3A_1236 = arith.addi %add3A_1229, %gather3A_1235 : vector<16xi32>
    %ge3A_1237 = arith.cmpi sge, %add3A_1236, %get3A_2 : vector<16xi32>
    %select_n3A_1238 = arith.select %ge3A_1237, %or3A_1201, %select_n3A_1198 : vector<16xi1>, vector<16xi32>
    %scan3A_1239 = arith.constant 0 : i32
    %scan3A_1240 = arith.constant 546 : i32
    %scan3A_1241 = arith.addi %scan3A_1239, %scan3A_1240 : i32
    %scan3A_1242 = arith.constant 1 : i32
    %scan3A_1243 = scf.for %scan3A_1285 = %scan3A_1239 to %scan3A_1241 step %scan3A_1242 iter_args(%scan3A_1286 = %broadcast_in_dim3A_3) -> (vector<16xi32>)  : i32 {
      %mul3A_1287 = arith.constant 16 : i32
      %mul3A_1288 = arith.muli %scan3A_1285, %mul3A_1287 : i32
      %get3A_1289 = arith.index_cast %mul3A_1288 : i32 to index
      %get3A_1290 = tpu.vector_load %arg7[%get3A_1289] {strides = array<i32>} : memref<8736xf32, #tpu.memory_space<vmem>>, vector<16xf32>,
      %get3A_1291 = vector.shape_cast %get3A_1290 : vector<16xf32> to vector<16xf32>
      %bitcast_convert_type3A = tpu.bitcast %get3A_1291 : vector<16xf32> -> vector<16xi32>
      %gt3A = arith.cmpi sgt, %bitcast_convert_type3A, %select_n3A_1238 : vector<16xi32>
      %select_n3A_1292 = arith.select %gt3A, %broadcast_in_dim3A_5, %broadcast_in_dim3A_3 : vector<16xi1>, vector<16xi32>
      %add3A_1293 = arith.addi %scan3A_1286, %select_n3A_1292 : vector<16xi32>
      scf.yield %add3A_1293 : vector<16xi32>
    }
    %scan3A_1244 = arith.constant 546 : i32
    %iota3A_1245 = tpu.iota {dimensions = array<i32: 0>} : vector<16xi32>
    %xor3A_1246 = arith.constant 1 : i32
    %xor3A_1247 = vector.broadcast %xor3A_1246 : i32 to vector<16xi32>
    %xor3A_1248 = arith.xori %iota3A_1245, %xor3A_1247 : vector<16xi32>
    %broadcast_in_dim3A_1249 = vector.shape_cast %xor3A_1248 : vector<16xi32> to vector<16x1xi32>
    %gather3A_1250 = vector.shape_cast %broadcast_in_dim3A_1249 : vector<16x1xi32> to vector<16xi32>
    %gather3A_1251 = tpu.dynamic_gather %scan3A_1243[%gather3A_1250] in [0] : vector<16xi32>, vector<16xi32> -> vector<16xi32>
    %add3A_1252 = arith.addi %scan3A_1243, %gather3A_1251 : vector<16xi32>
    %xor3A_1253 = arith.constant 2 : i32
    %xor3A_1254 = vector.broadcast %xor3A_1253 : i32 to vector<16xi32>
    %xor3A_1255 = arith.xori %iota3A_1245, %xor3A_1254 : vector<16xi32>
    %broadcast_in_dim3A_1256 = vector.shape_cast %xor3A_1255 : vector<16xi32> to vector<16x1xi32>
    %gather3A_1257 = vector.shape_cast %broadcast_in_dim3A_1256 : vector<16x1xi32> to vector<16xi32>
    %gather3A_1258 = tpu.dynamic_gather %add3A_1252[%gather3A_1257] in [0] : vector<16xi32>, vector<16xi32> -> vector<16xi32>
    %add3A_1259 = arith.addi %add3A_1252, %gather3A_1258 : vector<16xi32>
    %xor3A_1260 = arith.constant 4 : i32
    %xor3A_1261 = vector.broadcast %xor3A_1260 : i32 to vector<16xi32>
    %xor3A_1262 = arith.xori %iota3A_1245, %xor3A_1261 : vector<16xi32>
    %broadcast_in_dim3A_1263 = vector.shape_cast %xor3A_1262 : vector<16xi32> to vector<16x1xi32>
    %gather3A_1264 = vector.shape_cast %broadcast_in_dim3A_1263 : vector<16x1xi32> to vector<16xi32>
    %gather3A_1265 = tpu.dynamic_gather %add3A_1259[%gather3A_1264] in [0] : vector<16xi32>, vector<16xi32> -> vector<16xi32>
    %add3A_1266 = arith.addi %add3A_1259, %gather3A_1265 : vector<16xi32>
    %xor3A_1267 = arith.constant 8 : i32
    %xor3A_1268 = vector.broadcast %xor3A_1267 : i32 to vector<16xi32>
    %xor3A_1269 = arith.xori %iota3A_1245, %xor3A_1268 : vector<16xi32>
    %broadcast_in_dim3A_1270 = vector.shape_cast %xor3A_1269 : vector<16xi32> to vector<16x1xi32>
    %gather3A_1271 = vector.shape_cast %broadcast_in_dim3A_1270 : vector<16x1xi32> to vector<16xi32>
    %gather3A_1272 = tpu.dynamic_gather %add3A_1266[%gather3A_1271] in [0] : vector<16xi32>, vector<16xi32> -> vector<16xi32>
    %add3A_1273 = arith.addi %add3A_1266, %gather3A_1272 : vector<16xi32>
    %sub3A = arith.subi %get3A_2, %add3A_1273 : vector<16xi32>
    %broadcast_in_dim3A_1274 = arith.constant 0.000000e+00 : f32
    %broadcast_in_dim3A_1275 = vector.broadcast %broadcast_in_dim3A_1274 : f32 to vector<16xf32>
    %scan3A_1276 = arith.constant 0 : i32
    %scan3A_1277 = arith.constant 546 : i32
    %scan3A_1278 = arith.addi %scan3A_1276, %scan3A_1277 : i32
    %scan3A_1279 = arith.constant 1 : i32
    %scan3A_1280:2 = scf.for %scan3A_1285 = %scan3A_1276 to %scan3A_1278 step %scan3A_1279 iter_args(%scan3A_1286 = %broadcast_in_dim3A_3, %scan3A_1287 = %broadcast_in_dim3A_1275) -> (vector<16xi32>, vector<16xf32>)  : i32 {
      %mul3A_1288 = arith.constant 16 : i32
      %mul3A_1289 = arith.muli %scan3A_1285, %mul3A_1288 : i32
      %get3A_1290 = arith.index_cast %mul3A_1289 : i32 to index
      %get3A_1291 = tpu.vector_load %arg7[%get3A_1290] {strides = array<i32>} : memref<8736xf32, #tpu.memory_space<vmem>>, vector<16xf32>,
      %get3A_1292 = vector.shape_cast %get3A_1291 : vector<16xf32> to vector<16xf32>
      %bitcast_convert_type3A = tpu.bitcast %get3A_1292 : vector<16xf32> -> vector<16xi32>
      %mul3A_1293 = arith.constant 16 : i32
      %mul3A_1294 = arith.muli %scan3A_1285, %mul3A_1293 : i32
      %get3A_1295 = arith.index_cast %mul3A_1294 : i32 to index
      %get3A_1296 = tpu.vector_load %arg6[%get3A_1295] {strides = array<i32>} : memref<8736xf32, #tpu.memory_space<vmem>>, vector<16xf32>,
      %get3A_1297 = vector.shape_cast %get3A_1296 : vector<16xf32> to vector<16xf32>
      %eq3A = arith.cmpi eq, %bitcast_convert_type3A, %select_n3A_1238 : vector<16xi32>
      %select_n3A_1298 = arith.select %eq3A, %broadcast_in_dim3A_5, %broadcast_in_dim3A_3 : vector<16xi1>, vector<16xi32>
      %iota3A_1299 = tpu.iota {dimensions = array<i32: 0>} : vector<16xi32>
      %broadcast_in_dim3A_1300 = arith.constant 0 : i32
      %broadcast_in_dim3A_1301 = vector.broadcast %broadcast_in_dim3A_1300 : i32 to vector<16xi32>
      %sub3A_1302 = arith.constant 1 : i32
      %sub3A_1303 = vector.broadcast %sub3A_1302 : i32 to vector<16xi32>
      %sub3A_1304 = arith.subi %iota3A_1299, %sub3A_1303 : vector<16xi32>
      %max3A = arith.constant 0 : i32
      %max3A_1305 = vector.broadcast %max3A : i32 to vector<16xi32>
      %max3A_1306 = arith.maxsi %sub3A_1304, %max3A_1305 : vector<16xi32>
      %broadcast_in_dim3A_1307 = vector.shape_cast %max3A_1306 : vector<16xi32> to vector<16x1xi32>
      %gather3A_1308 = vector.shape_cast %broadcast_in_dim3A_1307 : vector<16x1xi32> to vector<16xi32>
      %gather3A_1309 = tpu.dynamic_gather %select_n3A_1298[%gather3A_1308] in [0] : vector<16xi32>, vector<16xi32> -> vector<16xi32>
      %ge3A_1310 = arith.constant 1 : i32
      %ge3A_1311 = vector.broadcast %ge3A_1310 : i32 to vector<16xi32>
      %ge3A_1312 = arith.cmpi sge, %iota3A_1299, %ge3A_1311 : vector<16xi32>
      %select_n3A_1313 = arith.select %ge3A_1312, %gather3A_1309, %broadcast_in_dim3A_1301 : vector<16xi1>, vector<16xi32>
      %add3A_1314 = arith.addi %select_n3A_1298, %select_n3A_1313 : vector<16xi32>
      %sub3A_1315 = arith.constant 2 : i32
      %sub3A_1316 = vector.broadcast %sub3A_1315 : i32 to vector<16xi32>
      %sub3A_1317 = arith.subi %iota3A_1299, %sub3A_1316 : vector<16xi32>
      %max3A_1318 = arith.constant 0 : i32
      %max3A_1319 = vector.broadcast %max3A_1318 : i32 to vector<16xi32>
      %max3A_1320 = arith.maxsi %sub3A_1317, %max3A_1319 : vector<16xi32>
      %broadcast_in_dim3A_1321 = vector.shape_cast %max3A_1320 : vector<16xi32> to vector<16x1xi32>
      %gather3A_1322 = vector.shape_cast %broadcast_in_dim3A_1321 : vector<16x1xi32> to vector<16xi32>
      %gather3A_1323 = tpu.dynamic_gather %add3A_1314[%gather3A_1322] in [0] : vector<16xi32>, vector<16xi32> -> vector<16xi32>
      %ge3A_1324 = arith.constant 2 : i32
      %ge3A_1325 = vector.broadcast %ge3A_1324 : i32 to vector<16xi32>
      %ge3A_1326 = arith.cmpi sge, %iota3A_1299, %ge3A_1325 : vector<16xi32>
      %select_n3A_1327 = arith.select %ge3A_1326, %gather3A_1323, %broadcast_in_dim3A_1301 : vector<16xi1>, vector<16xi32>
      %add3A_1328 = arith.addi %add3A_1314, %select_n3A_1327 : vector<16xi32>
      %sub3A_1329 = arith.constant 4 : i32
      %sub3A_1330 = vector.broadcast %sub3A_1329 : i32 to vector<16xi32>
      %sub3A_1331 = arith.subi %iota3A_1299, %sub3A_1330 : vector<16xi32>
      %max3A_1332 = arith.constant 0 : i32
      %max3A_1333 = vector.broadcast %max3A_1332 : i32 to vector<16xi32>
      %max3A_1334 = arith.maxsi %sub3A_1331, %max3A_1333 : vector<16xi32>
      %broadcast_in_dim3A_1335 = vector.shape_cast %max3A_1334 : vector<16xi32> to vector<16x1xi32>
      %gather3A_1336 = vector.shape_cast %broadcast_in_dim3A_1335 : vector<16x1xi32> to vector<16xi32>
      %gather3A_1337 = tpu.dynamic_gather %add3A_1328[%gather3A_1336] in [0] : vector<16xi32>, vector<16xi32> -> vector<16xi32>
      %ge3A_1338 = arith.constant 4 : i32
      %ge3A_1339 = vector.broadcast %ge3A_1338 : i32 to vector<16xi32>
      %ge3A_1340 = arith.cmpi sge, %iota3A_1299, %ge3A_1339 : vector<16xi32>
      %select_n3A_1341 = arith.select %ge3A_1340, %gather3A_1337, %broadcast_in_dim3A_1301 : vector<16xi1>, vector<16xi32>
      %add3A_1342 = arith.addi %add3A_1328, %select_n3A_1341 : vector<16xi32>
      %sub3A_1343 = arith.constant 8 : i32
      %sub3A_1344 = vector.broadcast %sub3A_1343 : i32 to vector<16xi32>
      %sub3A_1345 = arith.subi %iota3A_1299, %sub3A_1344 : vector<16xi32>
      %max3A_1346 = arith.constant 0 : i32
      %max3A_1347 = vector.broadcast %max3A_1346 : i32 to vector<16xi32>
      %max3A_1348 = arith.maxsi %sub3A_1345, %max3A_1347 : vector<16xi32>
      %broadcast_in_dim3A_1349 = vector.shape_cast %max3A_1348 : vector<16xi32> to vector<16x1xi32>
      %gather3A_1350 = vector.shape_cast %broadcast_in_dim3A_1349 : vector<16x1xi32> to vector<16xi32>
      %gather3A_1351 = tpu.dynamic_gather %add3A_1342[%gather3A_1350] in [0] : vector<16xi32>, vector<16xi32> -> vector<16xi32>
      %ge3A_1352 = arith.constant 8 : i32
      %ge3A_1353 = vector.broadcast %ge3A_1352 : i32 to vector<16xi32>
      %ge3A_1354 = arith.cmpi sge, %iota3A_1299, %ge3A_1353 : vector<16xi32>
      %select_n3A_1355 = arith.select %ge3A_1354, %gather3A_1351, %broadcast_in_dim3A_1301 : vector<16xi1>, vector<16xi32>
      %add3A_1356 = arith.addi %add3A_1342, %select_n3A_1355 : vector<16xi32>
      %sub3A_1357 = arith.subi %add3A_1356, %select_n3A_1298 : vector<16xi32>
      %add3A_1358 = arith.addi %sub3A_1357, %scan3A_1286 : vector<16xi32>
      %gt3A = arith.cmpi sgt, %bitcast_convert_type3A, %select_n3A_1238 : vector<16xi32>
      %lt3A = arith.cmpi slt, %add3A_1358, %sub3A : vector<16xi32>
      %and3A = arith.andi %eq3A, %lt3A : vector<16xi1>
      %or3A_1359 = arith.ori %gt3A, %and3A : vector<16xi1>
      %iota3A_1360 = tpu.iota {dimensions = array<i32: 0>} : vector<16xi32>
      %xor3A_1361 = arith.constant 1 : i32
      %xor3A_1362 = vector.broadcast %xor3A_1361 : i32 to vector<16xi32>
      %xor3A_1363 = arith.xori %iota3A_1360, %xor3A_1362 : vector<16xi32>
      %broadcast_in_dim3A_1364 = vector.shape_cast %xor3A_1363 : vector<16xi32> to vector<16x1xi32>
      %gather3A_1365 = vector.shape_cast %broadcast_in_dim3A_1364 : vector<16x1xi32> to vector<16xi32>
      %gather3A_1366 = tpu.dynamic_gather %select_n3A_1298[%gather3A_1365] in [0] : vector<16xi32>, vector<16xi32> -> vector<16xi32>
      %add3A_1367 = arith.addi %select_n3A_1298, %gather3A_1366 : vector<16xi32>
      %xor3A_1368 = arith.constant 2 : i32
      %xor3A_1369 = vector.broadcast %xor3A_1368 : i32 to vector<16xi32>
      %xor3A_1370 = arith.xori %iota3A_1360, %xor3A_1369 : vector<16xi32>
      %broadcast_in_dim3A_1371 = vector.shape_cast %xor3A_1370 : vector<16xi32> to vector<16x1xi32>
      %gather3A_1372 = vector.shape_cast %broadcast_in_dim3A_1371 : vector<16x1xi32> to vector<16xi32>
      %gather3A_1373 = tpu.dynamic_gather %add3A_1367[%gather3A_1372] in [0] : vector<16xi32>, vector<16xi32> -> vector<16xi32>
      %add3A_1374 = arith.addi %add3A_1367, %gather3A_1373 : vector<16xi32>
      %xor3A_1375 = arith.constant 4 : i32
      %xor3A_1376 = vector.broadcast %xor3A_1375 : i32 to vector<16xi32>
      %xor3A_1377 = arith.xori %iota3A_1360, %xor3A_1376 : vector<16xi32>
      %broadcast_in_dim3A_1378 = vector.shape_cast %xor3A_1377 : vector<16xi32> to vector<16x1xi32>
      %gather3A_1379 = vector.shape_cast %broadcast_in_dim3A_1378 : vector<16x1xi32> to vector<16xi32>
      %gather3A_1380 = tpu.dynamic_gather %add3A_1374[%gather3A_1379] in [0] : vector<16xi32>, vector<16xi32> -> vector<16xi32>
      %add3A_1381 = arith.addi %add3A_1374, %gather3A_1380 : vector<16xi32>
      %xor3A_1382 = arith.constant 8 : i32
      %xor3A_1383 = vector.broadcast %xor3A_1382 : i32 to vector<16xi32>
      %xor3A_1384 = arith.xori %iota3A_1360, %xor3A_1383 : vector<16xi32>
      %broadcast_in_dim3A_1385 = vector.shape_cast %xor3A_1384 : vector<16xi32> to vector<16x1xi32>
      %gather3A_1386 = vector.shape_cast %broadcast_in_dim3A_1385 : vector<16x1xi32> to vector<16xi32>
      %gather3A_1387 = tpu.dynamic_gather %add3A_1381[%gather3A_1386] in [0] : vector<16xi32>, vector<16xi32> -> vector<16xi32>
      %add3A_1388 = arith.addi %add3A_1381, %gather3A_1387 : vector<16xi32>
      %add3A_1389 = arith.addi %scan3A_1286, %add3A_1388 : vector<16xi32>
      %jit3A = arith.constant 0.000000e+00 : f32
      %broadcast_in_dim3A_1390 = vector.broadcast %jit3A : f32 to vector<16xf32>
      %select_n3A_1391 = arith.select %or3A_1359, %get3A_1297, %broadcast_in_dim3A_1390 : vector<16xi1>, vector<16xf32>
      %add3A_1392 = arith.addf %scan3A_1287, %select_n3A_1391 : vector<16xf32>
      scf.yield %add3A_1389, %add3A_1392 : vector<16xi32>, vector<16xf32>
    }
    %scan3A_1281 = arith.constant 546 : i32
    %swap3A = arith.constant 0 : index
    %swap3A_1282 = tpu.vector_load %arg9[%swap3A] {strides = array<i32>} : memref<16xf32, #tpu.memory_space<vmem>>, vector<16xf32>,
    %swap3A_1283 = vector.shape_cast %swap3A_1282 : vector<16xf32> to vector<16xf32>
    %swap3A_1284 = vector.shape_cast %scan3A_1280#1 : vector<16xf32> to vector<16xf32>
    tpu.vector_store %arg9[%swap3A], %swap3A_1284 {strides = array<i32>} : memref<16xf32, #tpu.memory_space<vmem>>, vector<16xf32>,
    "tpu.region"() ({
      %run_scoped3A = tpu.sem_alloc : memref<!tpu.dma_semaphore, #tpu.memory_space<semaphore_mem>>
      %dma_start3A = arith.constant 0 : i32
      %dma_start3A_1285 = tpu.memref_slice %arg5[%add3A, %dma_start3A] : memref<32x16xf32, #tpu.memory_space<hbm>> -> memref<1x16xf32, #tpu.memory_space<hbm>>
      %dma_start3A_1286 = tpu.memref_squeeze %dma_start3A_1285 : memref<1x16xf32, #tpu.memory_space<hbm>> -> memref<16xf32, #tpu.memory_space<hbm>>
      %dma_start3A_1287 = arith.constant 0 : i32
      %dma_start3A_1288 = tpu.memref_slice %arg5[%add3A, %dma_start3A_1287] : memref<32x16xf32, #tpu.memory_space<hbm>> -> memref<1x16xf32, #tpu.memory_space<hbm>>
      %dma_start3A_1289 = tpu.memref_squeeze %dma_start3A_1288 : memref<1x16xf32, #tpu.memory_space<hbm>> -> memref<16xf32, #tpu.memory_space<hbm>>
      tpu.enqueue_dma source(%arg9 : memref<16xf32, #tpu.memory_space<vmem>>) target(%dma_start3A_1289 : memref<16xf32, #tpu.memory_space<hbm>>) target_semaphore(%run_scoped3A : memref<!tpu.dma_semaphore, #tpu.memory_space<semaphore_mem>>)
      %dma_wait3A = arith.constant 0 : i32
      %dma_wait3A_1290 = tpu.memref_slice %arg5[%add3A, %dma_wait3A] : memref<32x16xf32, #tpu.memory_space<hbm>> -> memref<1x16xf32, #tpu.memory_space<hbm>>
      %dma_wait3A_1291 = tpu.memref_squeeze %dma_wait3A_1290 : memref<1x16xf32, #tpu.memory_space<hbm>> -> memref<16xf32, #tpu.memory_space<hbm>>
      %dma_wait3A_1292 = arith.constant 0 : i32
      %dma_wait3A_1293 = tpu.memref_slice %arg5[%add3A, %dma_wait3A_1292] : memref<32x16xf32, #tpu.memory_space<hbm>> -> memref<1x16xf32, #tpu.memory_space<hbm>>
      %dma_wait3A_1294 = tpu.memref_squeeze %dma_wait3A_1293 : memref<1x16xf32, #tpu.memory_space<hbm>> -> memref<16xf32, #tpu.memory_space<hbm>>
      tpu.wait_dma2 semaphore(%run_scoped3A : memref<!tpu.dma_semaphore, #tpu.memory_space<semaphore_mem>>) src(%arg9 : memref<16xf32, #tpu.memory_space<vmem>>) dst(%dma_wait3A_1294 : memref<16xf32, #tpu.memory_space<hbm>>)
      tpu.yield
    }) : () -> ()
    return
  }
}

module attributes {stable_mosaic.version = 14 : i64} {
  func.func @_tc_kernel(%arg0: i32, %arg1: memref<1x81x8732xf32, #tpu.memory_space<vmem>>, %arg2: memref<1x81x8732xf32, #tpu.memory_space<vmem>>, %arg3: memref<1x81x8732xf32, #tpu.memory_space<vmem>>, %arg4: memref<1x81x8732xf32, #tpu.memory_space<vmem>>, %arg5: memref<32x8732xi32, #tpu.memory_space<vmem>>, %arg6: memref<32x4x8732xf32, #tpu.memory_space<vmem>>, %arg7: memref<32x4x8732xf32, #tpu.memory_space<vmem>>, %arg8: memref<1x4x8732xf32, #tpu.memory_space<vmem>>, %arg9: memref<32x8736xf32, #tpu.memory_space<vmem>>, %arg10: memref<32x8736xf32, #tpu.memory_space<vmem>>, %arg11: memref<32x16xi32, #tpu.memory_space<vmem>>, %arg12: memref<32x16xf32, #tpu.memory_space<vmem>>) attributes {dimension_semantics = [#tpu.dimension_semantics<arbitrary>], iteration_bounds = array<i64: 8>, scalar_prefetch = 0 : i64, scratch_operands = 0 : i64, tpu.core_type = #tpu.core_type<tc>, window_params = [{transform_indices = @transform_0, window_bounds = array<i64: 1, 81, 8732>}, {transform_indices = @transform_1, window_bounds = array<i64: 1, 81, 8732>}, {transform_indices = @transform_2, window_bounds = array<i64: 1, 81, 8732>}, {transform_indices = @transform_3, window_bounds = array<i64: 1, 81, 8732>}, {pipeline_mode = #tpu.pipeline_mode<synchronous>, transform_indices = @transform_4, window_bounds = array<i64: 32, 8732>}, {pipeline_mode = #tpu.pipeline_mode<synchronous>, transform_indices = @transform_5, window_bounds = array<i64: 32, 4, 8732>}, {pipeline_mode = #tpu.pipeline_mode<synchronous>, transform_indices = @transform_6, window_bounds = array<i64: 32, 4, 8732>}, {pipeline_mode = #tpu.pipeline_mode<synchronous>, transform_indices = @transform_7, window_bounds = array<i64: 1, 4, 8732>}, {pipeline_mode = #tpu.pipeline_mode<synchronous>, transform_indices = @transform_8, window_bounds = array<i64: 32, 8736>}, {pipeline_mode = #tpu.pipeline_mode<synchronous>, transform_indices = @transform_9, window_bounds = array<i64: 32, 8736>}, {pipeline_mode = #tpu.pipeline_mode<synchronous>, transform_indices = @transform_10, window_bounds = array<i64: 32, 16>}, {pipeline_mode = #tpu.pipeline_mode<synchronous>, transform_indices = @transform_11, window_bounds = array<i64: 32, 16>}]} {
    %iota3A = tpu.iota {dimensions = array<i32: 0>} : vector<81x8732xi32>
    %get3A = arith.constant 0 : index
    %get3A_0 = arith.constant 0 : index
    %get3A_1 = arith.constant 0 : index
    %get3A_2 = vector.load %arg8[%get3A, %get3A_0, %get3A_1] : memref<1x4x8732xf32, #tpu.memory_space<vmem>>, vector<1x2x8732xf32>
    %get3A_3 = vector.shape_cast %get3A_2 : vector<1x2x8732xf32> to vector<2x8732xf32>
    %get3A_4 = arith.constant 0 : index
    %get3A_5 = arith.constant 2 : index
    %get3A_6 = arith.constant 0 : index
    %get3A_7 = vector.load %arg8[%get3A_4, %get3A_5, %get3A_6] : memref<1x4x8732xf32, #tpu.memory_space<vmem>>, vector<1x2x8732xf32>
    %get3A_8 = vector.shape_cast %get3A_7 : vector<1x2x8732xf32> to vector<2x8732xf32>
    %broadcast_in_dim3A = arith.constant 0.000000e+00 : f32
    %broadcast_in_dim3A_9 = vector.broadcast %broadcast_in_dim3A : f32 to vector<1x4xf32>
    %mul3A = arith.constant 4 : i32
    %mul3A_10 = arith.muli %arg0, %mul3A : i32
    %add3A = arith.constant 0 : i32
    %add3A_11 = arith.addi %mul3A_10, %add3A : i32
    %get3A_12 = arith.constant 0 : index
    %get3A_13 = arith.constant 0 : index
    %get3A_14 = arith.constant 0 : index
    %get3A_15 = vector.load %arg1[%get3A_12, %get3A_13, %get3A_14] : memref<1x81x8732xf32, #tpu.memory_space<vmem>>, vector<1x81x8732xf32>
    %get3A_16 = vector.shape_cast %get3A_15 : vector<1x81x8732xf32> to vector<81x8732xf32>
    %reduce_max3A = arith.constant dense<0xFF800000> : vector<8732xf32>
    %reduce_max3A_17 = vector.multi_reduction <maximumf>, %get3A_16, %reduce_max3A [0] : vector<81x8732xf32> to vector<8732xf32>
    %broadcast_in_dim3A_18 = vector.shape_cast %reduce_max3A_17 : vector<8732xf32> to vector<1x8732xf32>
    %sub3A = vector.broadcast %broadcast_in_dim3A_18 : vector<1x8732xf32> to vector<81x8732xf32>
    %sub3A_19 = arith.subf %get3A_16, %sub3A : vector<81x8732xf32>
    %exp3A = math.exp %sub3A_19 : vector<81x8732xf32>
    %reduce_sum3A = arith.constant dense<0.000000e+00> : vector<8732xf32>
    %reduce_sum3A_20 = vector.multi_reduction <add>, %exp3A, %reduce_sum3A [0] : vector<81x8732xf32> to vector<8732xf32>
    %broadcast_in_dim3A_21 = vector.shape_cast %reduce_sum3A_20 : vector<8732xf32> to vector<1x8732xf32>
    %log3A = math.log %broadcast_in_dim3A_21 : vector<1x8732xf32>
    %add3A_22 = arith.addf %broadcast_in_dim3A_18, %log3A : vector<1x8732xf32>
    %get3A_23 = arith.index_cast %add3A_11 : i32 to index
    %get3A_24 = arith.constant 0 : index
    %get3A_25 = vector.load %arg5[%get3A_23, %get3A_24] : memref<32x8732xi32, #tpu.memory_space<vmem>>, vector<1x8732xi32>
    %eq3A = vector.broadcast %get3A_25 : vector<1x8732xi32> to vector<81x8732xi32>
    %eq3A_26 = arith.cmpi eq, %iota3A, %eq3A : vector<81x8732xi32>
    %jit3A = arith.constant 0.000000e+00 : f32
    %broadcast_in_dim3A_27 = vector.broadcast %jit3A : f32 to vector<81x8732xf32>
    %select_n3A = arith.select %eq3A_26, %get3A_16, %broadcast_in_dim3A_27 : vector<81x8732xi1>, vector<81x8732xf32>
    %reduce_sum3A_28 = arith.constant dense<0.000000e+00> : vector<8732xf32>
    %reduce_sum3A_29 = vector.multi_reduction <add>, %select_n3A, %reduce_sum3A_28 [0] : vector<81x8732xf32> to vector<8732xf32>
    %broadcast_in_dim3A_30 = vector.shape_cast %reduce_sum3A_29 : vector<8732xf32> to vector<1x8732xf32>
    %sub3A_31 = arith.subf %add3A_22, %broadcast_in_dim3A_30 : vector<1x8732xf32>
    %gt3A = arith.constant 0 : i32
    %gt3A_32 = vector.broadcast %gt3A : i32 to vector<1x8732xi32>
    %gt3A_33 = arith.cmpi sgt, %get3A_25, %gt3A_32 : vector<1x8732xi32>
    %convert_element_type3A = arith.extui %gt3A_33 : vector<1x8732xi1> to vector<1x8732xi32>
    %convert_element_type3A_34 = arith.sitofp %convert_element_type3A : vector<1x8732xi32> to vector<1x8732xf32>
    %get3A_35 = arith.index_cast %add3A_11 : i32 to index
    %get3A_36 = arith.constant 0 : index
    %get3A_37 = arith.constant 0 : index
    %get3A_38 = vector.load %arg6[%get3A_35, %get3A_36, %get3A_37] : memref<32x4x8732xf32, #tpu.memory_space<vmem>>, vector<1x4x8732xf32>
    %get3A_39 = vector.shape_cast %get3A_38 : vector<1x4x8732xf32> to vector<4x8732xf32>
    %get3A_40 = arith.index_cast %add3A_11 : i32 to index
    %get3A_41 = arith.constant 0 : index
    %get3A_42 = arith.constant 0 : index
    %get3A_43 = vector.load %arg7[%get3A_40, %get3A_41, %get3A_42] : memref<32x4x8732xf32, #tpu.memory_space<vmem>>, vector<1x4x8732xf32>
    %get3A_44 = vector.shape_cast %get3A_43 : vector<1x4x8732xf32> to vector<4x8732xf32>
    %slice3A = vector.extract_strided_slice %get3A_44 {offsets = [0, 0], sizes = [2, 8732], strides = [1, 1]} : vector<4x8732xf32> to vector<2x8732xf32>
    %sub3A_45 = arith.subf %slice3A, %get3A_3 : vector<2x8732xf32>
    %mul3A_46 = arith.constant 1.000000e+01 : f32
    %mul3A_47 = vector.broadcast %mul3A_46 : f32 to vector<2x8732xf32>
    %mul3A_48 = arith.mulf %mul3A_47, %sub3A_45 : vector<2x8732xf32>
    %div3A = arith.divf %mul3A_48, %get3A_8 : vector<2x8732xf32>
    %slice3A_49 = vector.extract_strided_slice %get3A_44 {offsets = [2, 0], sizes = [2, 8732], strides = [1, 1]} : vector<4x8732xf32> to vector<2x8732xf32>
    %div3A_50 = arith.divf %slice3A_49, %get3A_8 : vector<2x8732xf32>
    %log3A_51 = math.log %div3A_50 : vector<2x8732xf32>
    %mul3A_52 = arith.constant 5.000000e+00 : f32
    %mul3A_53 = vector.broadcast %mul3A_52 : f32 to vector<2x8732xf32>
    %mul3A_54 = arith.mulf %mul3A_53, %log3A_51 : vector<2x8732xf32>
    %slice3A_55 = vector.extract_strided_slice %get3A_39 {offsets = [0, 0], sizes = [2, 8732], strides = [1, 1]} : vector<4x8732xf32> to vector<2x8732xf32>
    %sub3A_56 = arith.subf %slice3A_55, %div3A : vector<2x8732xf32>
    %abs3A = math.absf %sub3A_56 : vector<2x8732xf32>
    %lt3A = arith.constant 1.000000e+00 : f32
    %lt3A_57 = vector.broadcast %lt3A : f32 to vector<2x8732xf32>
    %lt3A_58 = arith.cmpf olt, %abs3A, %lt3A_57 : vector<2x8732xf32>
    %mul3A_59 = arith.constant 5.000000e-01 : f32
    %mul3A_60 = vector.broadcast %mul3A_59 : f32 to vector<2x8732xf32>
    %mul3A_61 = arith.mulf %mul3A_60, %sub3A_56 : vector<2x8732xf32>
    %mul3A_62 = arith.mulf %mul3A_61, %sub3A_56 : vector<2x8732xf32>
    %sub3A_63 = arith.constant 5.000000e-01 : f32
    %sub3A_64 = vector.broadcast %sub3A_63 : f32 to vector<2x8732xf32>
    %sub3A_65 = arith.subf %abs3A, %sub3A_64 : vector<2x8732xf32>
    %select_n3A_66 = arith.select %lt3A_58, %mul3A_62, %sub3A_65 : vector<2x8732xi1>, vector<2x8732xf32>
    %reduce_sum3A_67 = arith.constant dense<0.000000e+00> : vector<8732xf32>
    %reduce_sum3A_68 = vector.multi_reduction <add>, %select_n3A_66, %reduce_sum3A_67 [0] : vector<2x8732xf32> to vector<8732xf32>
    %broadcast_in_dim3A_69 = vector.shape_cast %reduce_sum3A_68 : vector<8732xf32> to vector<1x8732xf32>
    %slice3A_70 = vector.extract_strided_slice %get3A_39 {offsets = [2, 0], sizes = [2, 8732], strides = [1, 1]} : vector<4x8732xf32> to vector<2x8732xf32>
    %sub3A_71 = arith.subf %slice3A_70, %mul3A_54 : vector<2x8732xf32>
    %abs3A_72 = math.absf %sub3A_71 : vector<2x8732xf32>
    %lt3A_73 = arith.constant 1.000000e+00 : f32
    %lt3A_74 = vector.broadcast %lt3A_73 : f32 to vector<2x8732xf32>
    %lt3A_75 = arith.cmpf olt, %abs3A_72, %lt3A_74 : vector<2x8732xf32>
    %mul3A_76 = arith.constant 5.000000e-01 : f32
    %mul3A_77 = vector.broadcast %mul3A_76 : f32 to vector<2x8732xf32>
    %mul3A_78 = arith.mulf %mul3A_77, %sub3A_71 : vector<2x8732xf32>
    %mul3A_79 = arith.mulf %mul3A_78, %sub3A_71 : vector<2x8732xf32>
    %sub3A_80 = arith.constant 5.000000e-01 : f32
    %sub3A_81 = vector.broadcast %sub3A_80 : f32 to vector<2x8732xf32>
    %sub3A_82 = arith.subf %abs3A_72, %sub3A_81 : vector<2x8732xf32>
    %select_n3A_83 = arith.select %lt3A_75, %mul3A_79, %sub3A_82 : vector<2x8732xi1>, vector<2x8732xf32>
    %reduce_sum3A_84 = arith.constant dense<0.000000e+00> : vector<8732xf32>
    %reduce_sum3A_85 = vector.multi_reduction <add>, %select_n3A_83, %reduce_sum3A_84 [0] : vector<2x8732xf32> to vector<8732xf32>
    %broadcast_in_dim3A_86 = vector.shape_cast %reduce_sum3A_85 : vector<8732xf32> to vector<1x8732xf32>
    %add3A_87 = arith.addf %broadcast_in_dim3A_69, %broadcast_in_dim3A_86 : vector<1x8732xf32>
    %gt3A_88 = arith.constant 0 : i32
    %gt3A_89 = vector.broadcast %gt3A_88 : i32 to vector<1x8732xi32>
    %gt3A_90 = arith.cmpi sgt, %get3A_25, %gt3A_89 : vector<1x8732xi32>
    %convert_element_type3A_91 = arith.extui %gt3A_90 : vector<1x8732xi1> to vector<1x8732xi32>
    %reduce_sum3A_92 = vector.shape_cast %convert_element_type3A_91 : vector<1x8732xi32> to vector<1x1x8732xi32>
    %reduce_sum3A_93 = arith.constant dense<0> : vector<1xi32>
    %reduce_sum3A_94 = vector.multi_reduction <add>, %reduce_sum3A_92, %reduce_sum3A_93 [1, 2] : vector<1x1x8732xi32> to vector<1xi32>
    %reduce_sum3A_95 = vector.shape_cast %reduce_sum3A_94 : vector<1xi32> to vector<1x1x1xi32>
    %reduce_sum3A_96 = vector.extract %reduce_sum3A_95[0, 0, 0] : i32 from vector<1x1x1xi32>
    %add3A_97 = arith.addf %add3A_87, %sub3A_31 : vector<1x8732xf32>
    %mul3A_98 = arith.mulf %convert_element_type3A_34, %add3A_97 : vector<1x8732xf32>
    %reduce_sum3A_99 = vector.shape_cast %mul3A_98 : vector<1x8732xf32> to vector<1x1x8732xf32>
    %reduce_sum3A_100 = arith.constant dense<0.000000e+00> : vector<1xf32>
    %reduce_sum3A_101 = vector.multi_reduction <add>, %reduce_sum3A_99, %reduce_sum3A_100 [1, 2] : vector<1x1x8732xf32> to vector<1xf32>
    %reduce_sum3A_102 = vector.shape_cast %reduce_sum3A_101 : vector<1xf32> to vector<1x1x1xf32>
    %reduce_sum3A_103 = vector.extract %reduce_sum3A_102[0, 0, 0] : f32 from vector<1x1x1xf32>
    %mul3A_104 = arith.constant 3 : i32
    %mul3A_105 = arith.muli %mul3A_104, %reduce_sum3A_96 : i32
    %min3A = arith.constant 8732 : i32
    %min3A_106 = arith.minsi %mul3A_105, %min3A : i32
    %max3A = arith.constant 1 : i32
    %max3A_107 = arith.maxsi %min3A_106, %max3A : i32
    %concatenate3A = tpu.concatenate %sub3A_31, %broadcast_in_dim3A_9 in 1 : vector<1x8732xf32>, vector<1x4xf32> -> vector<1x8736xf32>
    %swap3A = arith.index_cast %add3A_11 : i32 to index
    %swap3A_108 = arith.constant 0 : index
    %swap3A_109 = vector.load %arg9[%swap3A, %swap3A_108] : memref<32x8736xf32, #tpu.memory_space<vmem>>, vector<1x8736xf32>
    tpu.vector_store %arg9[%swap3A, %swap3A_108], %concatenate3A {strides = array<i32>} : memref<32x8736xf32, #tpu.memory_space<vmem>>, vector<1x8736xf32>,
    %sub3A_110 = arith.constant 1.000000e+00 : f32
    %sub3A_111 = vector.broadcast %sub3A_110 : f32 to vector<1x8732xf32>
    %sub3A_112 = arith.subf %sub3A_111, %convert_element_type3A_34 : vector<1x8732xf32>
    %mul3A_113 = arith.mulf %sub3A_31, %sub3A_112 : vector<1x8732xf32>
    %concatenate3A_114 = tpu.concatenate %mul3A_113, %broadcast_in_dim3A_9 in 1 : vector<1x8732xf32>, vector<1x4xf32> -> vector<1x8736xf32>
    %swap3A_115 = arith.index_cast %add3A_11 : i32 to index
    %swap3A_116 = arith.constant 0 : index
    %swap3A_117 = vector.load %arg10[%swap3A_115, %swap3A_116] : memref<32x8736xf32, #tpu.memory_space<vmem>>, vector<1x8736xf32>
    tpu.vector_store %arg10[%swap3A_115, %swap3A_116], %concatenate3A_114 {strides = array<i32>} : memref<32x8736xf32, #tpu.memory_space<vmem>>, vector<1x8736xf32>,
    %broadcast_in_dim3A_118 = vector.broadcast %max3A_107 : i32 to vector<1x16xi32>
    %swap3A_119 = arith.index_cast %add3A_11 : i32 to index
    %swap3A_120 = arith.constant 0 : index
    %swap3A_121 = vector.load %arg11[%swap3A_119, %swap3A_120] : memref<32x16xi32, #tpu.memory_space<vmem>>, vector<1x16xi32>
    tpu.vector_store %arg11[%swap3A_119, %swap3A_120], %broadcast_in_dim3A_118 {strides = array<i32>} : memref<32x16xi32, #tpu.memory_space<vmem>>, vector<1x16xi32>,
    %iota3A_122 = tpu.iota {dimensions = array<i32: 1>} : vector<1x16xi32>
    %eq3A_123 = arith.constant 0 : i32
    %eq3A_124 = vector.broadcast %eq3A_123 : i32 to vector<1x16xi32>
    %eq3A_125 = arith.cmpi eq, %iota3A_122, %eq3A_124 : vector<1x16xi32>
    %eq3A_126 = arith.constant 1 : i32
    %eq3A_127 = vector.broadcast %eq3A_126 : i32 to vector<1x16xi32>
    %eq3A_128 = arith.cmpi eq, %iota3A_122, %eq3A_127 : vector<1x16xi32>
    %convert_element_type3A_129 = arith.sitofp %reduce_sum3A_96 : i32 to f32
    %max3A_130 = arith.constant 9.99999997E-7 : f32
    %max3A_131 = arith.maximumf %convert_element_type3A_129, %max3A_130 : f32
    %eq3A_132 = arith.constant 2 : i32
    %eq3A_133 = vector.broadcast %eq3A_132 : i32 to vector<1x16xi32>
    %eq3A_134 = arith.cmpi eq, %iota3A_122, %eq3A_133 : vector<1x16xi32>
    %gt3A_135 = arith.constant 0 : i32
    %gt3A_136 = arith.cmpi sgt, %reduce_sum3A_96, %gt3A_135 : i32
    %convert_element_type3A_137 = arith.extui %gt3A_136 : i1 to i32
    %convert_element_type3A_138 = arith.sitofp %convert_element_type3A_137 : i32 to f32
    %jit3A_139 = arith.constant 0.000000e+00 : f32
    %broadcast_in_dim3A_140 = vector.broadcast %convert_element_type3A_138 : f32 to vector<1x16xf32>
    %broadcast_in_dim3A_141 = vector.broadcast %jit3A_139 : f32 to vector<1x16xf32>
    %select_n3A_142 = arith.select %eq3A_134, %broadcast_in_dim3A_140, %broadcast_in_dim3A_141 : vector<1x16xi1>, vector<1x16xf32>
    %broadcast_in_dim3A_143 = vector.broadcast %max3A_131 : f32 to vector<1x16xf32>
    %select_n3A_144 = arith.select %eq3A_128, %broadcast_in_dim3A_143, %select_n3A_142 : vector<1x16xi1>, vector<1x16xf32>
    %broadcast_in_dim3A_145 = vector.broadcast %reduce_sum3A_103 : f32 to vector<1x16xf32>
    %select_n3A_146 = arith.select %eq3A_125, %broadcast_in_dim3A_145, %select_n3A_144 : vector<1x16xi1>, vector<1x16xf32>
    %swap3A_147 = arith.index_cast %add3A_11 : i32 to index
    %swap3A_148 = arith.constant 0 : index
    %swap3A_149 = vector.load %arg12[%swap3A_147, %swap3A_148] : memref<32x16xf32, #tpu.memory_space<vmem>>, vector<1x16xf32>
    tpu.vector_store %arg12[%swap3A_147, %swap3A_148], %select_n3A_146 {strides = array<i32>} : memref<32x16xf32, #tpu.memory_space<vmem>>, vector<1x16xf32>,
    %mul3A_150 = arith.constant 4 : i32
    %mul3A_151 = arith.muli %arg0, %mul3A_150 : i32
    %add3A_152 = arith.constant 1 : i32
    %add3A_153 = arith.addi %mul3A_151, %add3A_152 : i32
    %get3A_154 = arith.constant 0 : index
    %get3A_155 = arith.constant 0 : index
    %get3A_156 = arith.constant 0 : index
    %get3A_157 = vector.load %arg2[%get3A_154, %get3A_155, %get3A_156] : memref<1x81x8732xf32, #tpu.memory_space<vmem>>, vector<1x81x8732xf32>
    %get3A_158 = vector.shape_cast %get3A_157 : vector<1x81x8732xf32> to vector<81x8732xf32>
    %reduce_max3A_159 = arith.constant dense<0xFF800000> : vector<8732xf32>
    %reduce_max3A_160 = vector.multi_reduction <maximumf>, %get3A_158, %reduce_max3A_159 [0] : vector<81x8732xf32> to vector<8732xf32>
    %broadcast_in_dim3A_161 = vector.shape_cast %reduce_max3A_160 : vector<8732xf32> to vector<1x8732xf32>
    %sub3A_162 = vector.broadcast %broadcast_in_dim3A_161 : vector<1x8732xf32> to vector<81x8732xf32>
    %sub3A_163 = arith.subf %get3A_158, %sub3A_162 : vector<81x8732xf32>
    %exp3A_164 = math.exp %sub3A_163 : vector<81x8732xf32>
    %reduce_sum3A_165 = arith.constant dense<0.000000e+00> : vector<8732xf32>
    %reduce_sum3A_166 = vector.multi_reduction <add>, %exp3A_164, %reduce_sum3A_165 [0] : vector<81x8732xf32> to vector<8732xf32>
    %broadcast_in_dim3A_167 = vector.shape_cast %reduce_sum3A_166 : vector<8732xf32> to vector<1x8732xf32>
    %log3A_168 = math.log %broadcast_in_dim3A_167 : vector<1x8732xf32>
    %add3A_169 = arith.addf %broadcast_in_dim3A_161, %log3A_168 : vector<1x8732xf32>
    %get3A_170 = arith.index_cast %add3A_153 : i32 to index
    %get3A_171 = arith.constant 0 : index
    %get3A_172 = vector.load %arg5[%get3A_170, %get3A_171] : memref<32x8732xi32, #tpu.memory_space<vmem>>, vector<1x8732xi32>
    %eq3A_173 = vector.broadcast %get3A_172 : vector<1x8732xi32> to vector<81x8732xi32>
    %eq3A_174 = arith.cmpi eq, %iota3A, %eq3A_173 : vector<81x8732xi32>
    %jit3A_175 = arith.constant 0.000000e+00 : f32
    %broadcast_in_dim3A_176 = vector.broadcast %jit3A_175 : f32 to vector<81x8732xf32>
    %select_n3A_177 = arith.select %eq3A_174, %get3A_158, %broadcast_in_dim3A_176 : vector<81x8732xi1>, vector<81x8732xf32>
    %reduce_sum3A_178 = arith.constant dense<0.000000e+00> : vector<8732xf32>
    %reduce_sum3A_179 = vector.multi_reduction <add>, %select_n3A_177, %reduce_sum3A_178 [0] : vector<81x8732xf32> to vector<8732xf32>
    %broadcast_in_dim3A_180 = vector.shape_cast %reduce_sum3A_179 : vector<8732xf32> to vector<1x8732xf32>
    %sub3A_181 = arith.subf %add3A_169, %broadcast_in_dim3A_180 : vector<1x8732xf32>
    %gt3A_182 = arith.constant 0 : i32
    %gt3A_183 = vector.broadcast %gt3A_182 : i32 to vector<1x8732xi32>
    %gt3A_184 = arith.cmpi sgt, %get3A_172, %gt3A_183 : vector<1x8732xi32>
    %convert_element_type3A_185 = arith.extui %gt3A_184 : vector<1x8732xi1> to vector<1x8732xi32>
    %convert_element_type3A_186 = arith.sitofp %convert_element_type3A_185 : vector<1x8732xi32> to vector<1x8732xf32>
    %get3A_187 = arith.index_cast %add3A_153 : i32 to index
    %get3A_188 = arith.constant 0 : index
    %get3A_189 = arith.constant 0 : index
    %get3A_190 = vector.load %arg6[%get3A_187, %get3A_188, %get3A_189] : memref<32x4x8732xf32, #tpu.memory_space<vmem>>, vector<1x4x8732xf32>
    %get3A_191 = vector.shape_cast %get3A_190 : vector<1x4x8732xf32> to vector<4x8732xf32>
    %get3A_192 = arith.index_cast %add3A_153 : i32 to index
    %get3A_193 = arith.constant 0 : index
    %get3A_194 = arith.constant 0 : index
    %get3A_195 = vector.load %arg7[%get3A_192, %get3A_193, %get3A_194] : memref<32x4x8732xf32, #tpu.memory_space<vmem>>, vector<1x4x8732xf32>
    %get3A_196 = vector.shape_cast %get3A_195 : vector<1x4x8732xf32> to vector<4x8732xf32>
    %slice3A_197 = vector.extract_strided_slice %get3A_196 {offsets = [0, 0], sizes = [2, 8732], strides = [1, 1]} : vector<4x8732xf32> to vector<2x8732xf32>
    %sub3A_198 = arith.subf %slice3A_197, %get3A_3 : vector<2x8732xf32>
    %mul3A_199 = arith.constant 1.000000e+01 : f32
    %mul3A_200 = vector.broadcast %mul3A_199 : f32 to vector<2x8732xf32>
    %mul3A_201 = arith.mulf %mul3A_200, %sub3A_198 : vector<2x8732xf32>
    %div3A_202 = arith.divf %mul3A_201, %get3A_8 : vector<2x8732xf32>
    %slice3A_203 = vector.extract_strided_slice %get3A_196 {offsets = [2, 0], sizes = [2, 8732], strides = [1, 1]} : vector<4x8732xf32> to vector<2x8732xf32>
    %div3A_204 = arith.divf %slice3A_203, %get3A_8 : vector<2x8732xf32>
    %log3A_205 = math.log %div3A_204 : vector<2x8732xf32>
    %mul3A_206 = arith.constant 5.000000e+00 : f32
    %mul3A_207 = vector.broadcast %mul3A_206 : f32 to vector<2x8732xf32>
    %mul3A_208 = arith.mulf %mul3A_207, %log3A_205 : vector<2x8732xf32>
    %slice3A_209 = vector.extract_strided_slice %get3A_191 {offsets = [0, 0], sizes = [2, 8732], strides = [1, 1]} : vector<4x8732xf32> to vector<2x8732xf32>
    %sub3A_210 = arith.subf %slice3A_209, %div3A_202 : vector<2x8732xf32>
    %abs3A_211 = math.absf %sub3A_210 : vector<2x8732xf32>
    %lt3A_212 = arith.constant 1.000000e+00 : f32
    %lt3A_213 = vector.broadcast %lt3A_212 : f32 to vector<2x8732xf32>
    %lt3A_214 = arith.cmpf olt, %abs3A_211, %lt3A_213 : vector<2x8732xf32>
    %mul3A_215 = arith.constant 5.000000e-01 : f32
    %mul3A_216 = vector.broadcast %mul3A_215 : f32 to vector<2x8732xf32>
    %mul3A_217 = arith.mulf %mul3A_216, %sub3A_210 : vector<2x8732xf32>
    %mul3A_218 = arith.mulf %mul3A_217, %sub3A_210 : vector<2x8732xf32>
    %sub3A_219 = arith.constant 5.000000e-01 : f32
    %sub3A_220 = vector.broadcast %sub3A_219 : f32 to vector<2x8732xf32>
    %sub3A_221 = arith.subf %abs3A_211, %sub3A_220 : vector<2x8732xf32>
    %select_n3A_222 = arith.select %lt3A_214, %mul3A_218, %sub3A_221 : vector<2x8732xi1>, vector<2x8732xf32>
    %reduce_sum3A_223 = arith.constant dense<0.000000e+00> : vector<8732xf32>
    %reduce_sum3A_224 = vector.multi_reduction <add>, %select_n3A_222, %reduce_sum3A_223 [0] : vector<2x8732xf32> to vector<8732xf32>
    %broadcast_in_dim3A_225 = vector.shape_cast %reduce_sum3A_224 : vector<8732xf32> to vector<1x8732xf32>
    %slice3A_226 = vector.extract_strided_slice %get3A_191 {offsets = [2, 0], sizes = [2, 8732], strides = [1, 1]} : vector<4x8732xf32> to vector<2x8732xf32>
    %sub3A_227 = arith.subf %slice3A_226, %mul3A_208 : vector<2x8732xf32>
    %abs3A_228 = math.absf %sub3A_227 : vector<2x8732xf32>
    %lt3A_229 = arith.constant 1.000000e+00 : f32
    %lt3A_230 = vector.broadcast %lt3A_229 : f32 to vector<2x8732xf32>
    %lt3A_231 = arith.cmpf olt, %abs3A_228, %lt3A_230 : vector<2x8732xf32>
    %mul3A_232 = arith.constant 5.000000e-01 : f32
    %mul3A_233 = vector.broadcast %mul3A_232 : f32 to vector<2x8732xf32>
    %mul3A_234 = arith.mulf %mul3A_233, %sub3A_227 : vector<2x8732xf32>
    %mul3A_235 = arith.mulf %mul3A_234, %sub3A_227 : vector<2x8732xf32>
    %sub3A_236 = arith.constant 5.000000e-01 : f32
    %sub3A_237 = vector.broadcast %sub3A_236 : f32 to vector<2x8732xf32>
    %sub3A_238 = arith.subf %abs3A_228, %sub3A_237 : vector<2x8732xf32>
    %select_n3A_239 = arith.select %lt3A_231, %mul3A_235, %sub3A_238 : vector<2x8732xi1>, vector<2x8732xf32>
    %reduce_sum3A_240 = arith.constant dense<0.000000e+00> : vector<8732xf32>
    %reduce_sum3A_241 = vector.multi_reduction <add>, %select_n3A_239, %reduce_sum3A_240 [0] : vector<2x8732xf32> to vector<8732xf32>
    %broadcast_in_dim3A_242 = vector.shape_cast %reduce_sum3A_241 : vector<8732xf32> to vector<1x8732xf32>
    %add3A_243 = arith.addf %broadcast_in_dim3A_225, %broadcast_in_dim3A_242 : vector<1x8732xf32>
    %gt3A_244 = arith.constant 0 : i32
    %gt3A_245 = vector.broadcast %gt3A_244 : i32 to vector<1x8732xi32>
    %gt3A_246 = arith.cmpi sgt, %get3A_172, %gt3A_245 : vector<1x8732xi32>
    %convert_element_type3A_247 = arith.extui %gt3A_246 : vector<1x8732xi1> to vector<1x8732xi32>
    %reduce_sum3A_248 = vector.shape_cast %convert_element_type3A_247 : vector<1x8732xi32> to vector<1x1x8732xi32>
    %reduce_sum3A_249 = arith.constant dense<0> : vector<1xi32>
    %reduce_sum3A_250 = vector.multi_reduction <add>, %reduce_sum3A_248, %reduce_sum3A_249 [1, 2] : vector<1x1x8732xi32> to vector<1xi32>
    %reduce_sum3A_251 = vector.shape_cast %reduce_sum3A_250 : vector<1xi32> to vector<1x1x1xi32>
    %reduce_sum3A_252 = vector.extract %reduce_sum3A_251[0, 0, 0] : i32 from vector<1x1x1xi32>
    %add3A_253 = arith.addf %add3A_243, %sub3A_181 : vector<1x8732xf32>
    %mul3A_254 = arith.mulf %convert_element_type3A_186, %add3A_253 : vector<1x8732xf32>
    %reduce_sum3A_255 = vector.shape_cast %mul3A_254 : vector<1x8732xf32> to vector<1x1x8732xf32>
    %reduce_sum3A_256 = arith.constant dense<0.000000e+00> : vector<1xf32>
    %reduce_sum3A_257 = vector.multi_reduction <add>, %reduce_sum3A_255, %reduce_sum3A_256 [1, 2] : vector<1x1x8732xf32> to vector<1xf32>
    %reduce_sum3A_258 = vector.shape_cast %reduce_sum3A_257 : vector<1xf32> to vector<1x1x1xf32>
    %reduce_sum3A_259 = vector.extract %reduce_sum3A_258[0, 0, 0] : f32 from vector<1x1x1xf32>
    %mul3A_260 = arith.constant 3 : i32
    %mul3A_261 = arith.muli %mul3A_260, %reduce_sum3A_252 : i32
    %min3A_262 = arith.constant 8732 : i32
    %min3A_263 = arith.minsi %mul3A_261, %min3A_262 : i32
    %max3A_264 = arith.constant 1 : i32
    %max3A_265 = arith.maxsi %min3A_263, %max3A_264 : i32
    %concatenate3A_266 = tpu.concatenate %sub3A_181, %broadcast_in_dim3A_9 in 1 : vector<1x8732xf32>, vector<1x4xf32> -> vector<1x8736xf32>
    %swap3A_267 = arith.index_cast %add3A_153 : i32 to index
    %swap3A_268 = arith.constant 0 : index
    %swap3A_269 = vector.load %arg9[%swap3A_267, %swap3A_268] : memref<32x8736xf32, #tpu.memory_space<vmem>>, vector<1x8736xf32>
    tpu.vector_store %arg9[%swap3A_267, %swap3A_268], %concatenate3A_266 {strides = array<i32>} : memref<32x8736xf32, #tpu.memory_space<vmem>>, vector<1x8736xf32>,
    %sub3A_270 = arith.constant 1.000000e+00 : f32
    %sub3A_271 = vector.broadcast %sub3A_270 : f32 to vector<1x8732xf32>
    %sub3A_272 = arith.subf %sub3A_271, %convert_element_type3A_186 : vector<1x8732xf32>
    %mul3A_273 = arith.mulf %sub3A_181, %sub3A_272 : vector<1x8732xf32>
    %concatenate3A_274 = tpu.concatenate %mul3A_273, %broadcast_in_dim3A_9 in 1 : vector<1x8732xf32>, vector<1x4xf32> -> vector<1x8736xf32>
    %swap3A_275 = arith.index_cast %add3A_153 : i32 to index
    %swap3A_276 = arith.constant 0 : index
    %swap3A_277 = vector.load %arg10[%swap3A_275, %swap3A_276] : memref<32x8736xf32, #tpu.memory_space<vmem>>, vector<1x8736xf32>
    tpu.vector_store %arg10[%swap3A_275, %swap3A_276], %concatenate3A_274 {strides = array<i32>} : memref<32x8736xf32, #tpu.memory_space<vmem>>, vector<1x8736xf32>,
    %broadcast_in_dim3A_278 = vector.broadcast %max3A_265 : i32 to vector<1x16xi32>
    %swap3A_279 = arith.index_cast %add3A_153 : i32 to index
    %swap3A_280 = arith.constant 0 : index
    %swap3A_281 = vector.load %arg11[%swap3A_279, %swap3A_280] : memref<32x16xi32, #tpu.memory_space<vmem>>, vector<1x16xi32>
    tpu.vector_store %arg11[%swap3A_279, %swap3A_280], %broadcast_in_dim3A_278 {strides = array<i32>} : memref<32x16xi32, #tpu.memory_space<vmem>>, vector<1x16xi32>,
    %iota3A_282 = tpu.iota {dimensions = array<i32: 1>} : vector<1x16xi32>
    %eq3A_283 = arith.constant 0 : i32
    %eq3A_284 = vector.broadcast %eq3A_283 : i32 to vector<1x16xi32>
    %eq3A_285 = arith.cmpi eq, %iota3A_282, %eq3A_284 : vector<1x16xi32>
    %eq3A_286 = arith.constant 1 : i32
    %eq3A_287 = vector.broadcast %eq3A_286 : i32 to vector<1x16xi32>
    %eq3A_288 = arith.cmpi eq, %iota3A_282, %eq3A_287 : vector<1x16xi32>
    %convert_element_type3A_289 = arith.sitofp %reduce_sum3A_252 : i32 to f32
    %max3A_290 = arith.constant 9.99999997E-7 : f32
    %max3A_291 = arith.maximumf %convert_element_type3A_289, %max3A_290 : f32
    %eq3A_292 = arith.constant 2 : i32
    %eq3A_293 = vector.broadcast %eq3A_292 : i32 to vector<1x16xi32>
    %eq3A_294 = arith.cmpi eq, %iota3A_282, %eq3A_293 : vector<1x16xi32>
    %gt3A_295 = arith.constant 0 : i32
    %gt3A_296 = arith.cmpi sgt, %reduce_sum3A_252, %gt3A_295 : i32
    %convert_element_type3A_297 = arith.extui %gt3A_296 : i1 to i32
    %convert_element_type3A_298 = arith.sitofp %convert_element_type3A_297 : i32 to f32
    %jit3A_299 = arith.constant 0.000000e+00 : f32
    %broadcast_in_dim3A_300 = vector.broadcast %convert_element_type3A_298 : f32 to vector<1x16xf32>
    %broadcast_in_dim3A_301 = vector.broadcast %jit3A_299 : f32 to vector<1x16xf32>
    %select_n3A_302 = arith.select %eq3A_294, %broadcast_in_dim3A_300, %broadcast_in_dim3A_301 : vector<1x16xi1>, vector<1x16xf32>
    %broadcast_in_dim3A_303 = vector.broadcast %max3A_291 : f32 to vector<1x16xf32>
    %select_n3A_304 = arith.select %eq3A_288, %broadcast_in_dim3A_303, %select_n3A_302 : vector<1x16xi1>, vector<1x16xf32>
    %broadcast_in_dim3A_305 = vector.broadcast %reduce_sum3A_259 : f32 to vector<1x16xf32>
    %select_n3A_306 = arith.select %eq3A_285, %broadcast_in_dim3A_305, %select_n3A_304 : vector<1x16xi1>, vector<1x16xf32>
    %swap3A_307 = arith.index_cast %add3A_153 : i32 to index
    %swap3A_308 = arith.constant 0 : index
    %swap3A_309 = vector.load %arg12[%swap3A_307, %swap3A_308] : memref<32x16xf32, #tpu.memory_space<vmem>>, vector<1x16xf32>
    tpu.vector_store %arg12[%swap3A_307, %swap3A_308], %select_n3A_306 {strides = array<i32>} : memref<32x16xf32, #tpu.memory_space<vmem>>, vector<1x16xf32>,
    %mul3A_310 = arith.constant 4 : i32
    %mul3A_311 = arith.muli %arg0, %mul3A_310 : i32
    %add3A_312 = arith.constant 2 : i32
    %add3A_313 = arith.addi %mul3A_311, %add3A_312 : i32
    %get3A_314 = arith.constant 0 : index
    %get3A_315 = arith.constant 0 : index
    %get3A_316 = arith.constant 0 : index
    %get3A_317 = vector.load %arg3[%get3A_314, %get3A_315, %get3A_316] : memref<1x81x8732xf32, #tpu.memory_space<vmem>>, vector<1x81x8732xf32>
    %get3A_318 = vector.shape_cast %get3A_317 : vector<1x81x8732xf32> to vector<81x8732xf32>
    %reduce_max3A_319 = arith.constant dense<0xFF800000> : vector<8732xf32>
    %reduce_max3A_320 = vector.multi_reduction <maximumf>, %get3A_318, %reduce_max3A_319 [0] : vector<81x8732xf32> to vector<8732xf32>
    %broadcast_in_dim3A_321 = vector.shape_cast %reduce_max3A_320 : vector<8732xf32> to vector<1x8732xf32>
    %sub3A_322 = vector.broadcast %broadcast_in_dim3A_321 : vector<1x8732xf32> to vector<81x8732xf32>
    %sub3A_323 = arith.subf %get3A_318, %sub3A_322 : vector<81x8732xf32>
    %exp3A_324 = math.exp %sub3A_323 : vector<81x8732xf32>
    %reduce_sum3A_325 = arith.constant dense<0.000000e+00> : vector<8732xf32>
    %reduce_sum3A_326 = vector.multi_reduction <add>, %exp3A_324, %reduce_sum3A_325 [0] : vector<81x8732xf32> to vector<8732xf32>
    %broadcast_in_dim3A_327 = vector.shape_cast %reduce_sum3A_326 : vector<8732xf32> to vector<1x8732xf32>
    %log3A_328 = math.log %broadcast_in_dim3A_327 : vector<1x8732xf32>
    %add3A_329 = arith.addf %broadcast_in_dim3A_321, %log3A_328 : vector<1x8732xf32>
    %get3A_330 = arith.index_cast %add3A_313 : i32 to index
    %get3A_331 = arith.constant 0 : index
    %get3A_332 = vector.load %arg5[%get3A_330, %get3A_331] : memref<32x8732xi32, #tpu.memory_space<vmem>>, vector<1x8732xi32>
    %eq3A_333 = vector.broadcast %get3A_332 : vector<1x8732xi32> to vector<81x8732xi32>
    %eq3A_334 = arith.cmpi eq, %iota3A, %eq3A_333 : vector<81x8732xi32>
    %jit3A_335 = arith.constant 0.000000e+00 : f32
    %broadcast_in_dim3A_336 = vector.broadcast %jit3A_335 : f32 to vector<81x8732xf32>
    %select_n3A_337 = arith.select %eq3A_334, %get3A_318, %broadcast_in_dim3A_336 : vector<81x8732xi1>, vector<81x8732xf32>
    %reduce_sum3A_338 = arith.constant dense<0.000000e+00> : vector<8732xf32>
    %reduce_sum3A_339 = vector.multi_reduction <add>, %select_n3A_337, %reduce_sum3A_338 [0] : vector<81x8732xf32> to vector<8732xf32>
    %broadcast_in_dim3A_340 = vector.shape_cast %reduce_sum3A_339 : vector<8732xf32> to vector<1x8732xf32>
    %sub3A_341 = arith.subf %add3A_329, %broadcast_in_dim3A_340 : vector<1x8732xf32>
    %gt3A_342 = arith.constant 0 : i32
    %gt3A_343 = vector.broadcast %gt3A_342 : i32 to vector<1x8732xi32>
    %gt3A_344 = arith.cmpi sgt, %get3A_332, %gt3A_343 : vector<1x8732xi32>
    %convert_element_type3A_345 = arith.extui %gt3A_344 : vector<1x8732xi1> to vector<1x8732xi32>
    %convert_element_type3A_346 = arith.sitofp %convert_element_type3A_345 : vector<1x8732xi32> to vector<1x8732xf32>
    %get3A_347 = arith.index_cast %add3A_313 : i32 to index
    %get3A_348 = arith.constant 0 : index
    %get3A_349 = arith.constant 0 : index
    %get3A_350 = vector.load %arg6[%get3A_347, %get3A_348, %get3A_349] : memref<32x4x8732xf32, #tpu.memory_space<vmem>>, vector<1x4x8732xf32>
    %get3A_351 = vector.shape_cast %get3A_350 : vector<1x4x8732xf32> to vector<4x8732xf32>
    %get3A_352 = arith.index_cast %add3A_313 : i32 to index
    %get3A_353 = arith.constant 0 : index
    %get3A_354 = arith.constant 0 : index
    %get3A_355 = vector.load %arg7[%get3A_352, %get3A_353, %get3A_354] : memref<32x4x8732xf32, #tpu.memory_space<vmem>>, vector<1x4x8732xf32>
    %get3A_356 = vector.shape_cast %get3A_355 : vector<1x4x8732xf32> to vector<4x8732xf32>
    %slice3A_357 = vector.extract_strided_slice %get3A_356 {offsets = [0, 0], sizes = [2, 8732], strides = [1, 1]} : vector<4x8732xf32> to vector<2x8732xf32>
    %sub3A_358 = arith.subf %slice3A_357, %get3A_3 : vector<2x8732xf32>
    %mul3A_359 = arith.constant 1.000000e+01 : f32
    %mul3A_360 = vector.broadcast %mul3A_359 : f32 to vector<2x8732xf32>
    %mul3A_361 = arith.mulf %mul3A_360, %sub3A_358 : vector<2x8732xf32>
    %div3A_362 = arith.divf %mul3A_361, %get3A_8 : vector<2x8732xf32>
    %slice3A_363 = vector.extract_strided_slice %get3A_356 {offsets = [2, 0], sizes = [2, 8732], strides = [1, 1]} : vector<4x8732xf32> to vector<2x8732xf32>
    %div3A_364 = arith.divf %slice3A_363, %get3A_8 : vector<2x8732xf32>
    %log3A_365 = math.log %div3A_364 : vector<2x8732xf32>
    %mul3A_366 = arith.constant 5.000000e+00 : f32
    %mul3A_367 = vector.broadcast %mul3A_366 : f32 to vector<2x8732xf32>
    %mul3A_368 = arith.mulf %mul3A_367, %log3A_365 : vector<2x8732xf32>
    %slice3A_369 = vector.extract_strided_slice %get3A_351 {offsets = [0, 0], sizes = [2, 8732], strides = [1, 1]} : vector<4x8732xf32> to vector<2x8732xf32>
    %sub3A_370 = arith.subf %slice3A_369, %div3A_362 : vector<2x8732xf32>
    %abs3A_371 = math.absf %sub3A_370 : vector<2x8732xf32>
    %lt3A_372 = arith.constant 1.000000e+00 : f32
    %lt3A_373 = vector.broadcast %lt3A_372 : f32 to vector<2x8732xf32>
    %lt3A_374 = arith.cmpf olt, %abs3A_371, %lt3A_373 : vector<2x8732xf32>
    %mul3A_375 = arith.constant 5.000000e-01 : f32
    %mul3A_376 = vector.broadcast %mul3A_375 : f32 to vector<2x8732xf32>
    %mul3A_377 = arith.mulf %mul3A_376, %sub3A_370 : vector<2x8732xf32>
    %mul3A_378 = arith.mulf %mul3A_377, %sub3A_370 : vector<2x8732xf32>
    %sub3A_379 = arith.constant 5.000000e-01 : f32
    %sub3A_380 = vector.broadcast %sub3A_379 : f32 to vector<2x8732xf32>
    %sub3A_381 = arith.subf %abs3A_371, %sub3A_380 : vector<2x8732xf32>
    %select_n3A_382 = arith.select %lt3A_374, %mul3A_378, %sub3A_381 : vector<2x8732xi1>, vector<2x8732xf32>
    %reduce_sum3A_383 = arith.constant dense<0.000000e+00> : vector<8732xf32>
    %reduce_sum3A_384 = vector.multi_reduction <add>, %select_n3A_382, %reduce_sum3A_383 [0] : vector<2x8732xf32> to vector<8732xf32>
    %broadcast_in_dim3A_385 = vector.shape_cast %reduce_sum3A_384 : vector<8732xf32> to vector<1x8732xf32>
    %slice3A_386 = vector.extract_strided_slice %get3A_351 {offsets = [2, 0], sizes = [2, 8732], strides = [1, 1]} : vector<4x8732xf32> to vector<2x8732xf32>
    %sub3A_387 = arith.subf %slice3A_386, %mul3A_368 : vector<2x8732xf32>
    %abs3A_388 = math.absf %sub3A_387 : vector<2x8732xf32>
    %lt3A_389 = arith.constant 1.000000e+00 : f32
    %lt3A_390 = vector.broadcast %lt3A_389 : f32 to vector<2x8732xf32>
    %lt3A_391 = arith.cmpf olt, %abs3A_388, %lt3A_390 : vector<2x8732xf32>
    %mul3A_392 = arith.constant 5.000000e-01 : f32
    %mul3A_393 = vector.broadcast %mul3A_392 : f32 to vector<2x8732xf32>
    %mul3A_394 = arith.mulf %mul3A_393, %sub3A_387 : vector<2x8732xf32>
    %mul3A_395 = arith.mulf %mul3A_394, %sub3A_387 : vector<2x8732xf32>
    %sub3A_396 = arith.constant 5.000000e-01 : f32
    %sub3A_397 = vector.broadcast %sub3A_396 : f32 to vector<2x8732xf32>
    %sub3A_398 = arith.subf %abs3A_388, %sub3A_397 : vector<2x8732xf32>
    %select_n3A_399 = arith.select %lt3A_391, %mul3A_395, %sub3A_398 : vector<2x8732xi1>, vector<2x8732xf32>
    %reduce_sum3A_400 = arith.constant dense<0.000000e+00> : vector<8732xf32>
    %reduce_sum3A_401 = vector.multi_reduction <add>, %select_n3A_399, %reduce_sum3A_400 [0] : vector<2x8732xf32> to vector<8732xf32>
    %broadcast_in_dim3A_402 = vector.shape_cast %reduce_sum3A_401 : vector<8732xf32> to vector<1x8732xf32>
    %add3A_403 = arith.addf %broadcast_in_dim3A_385, %broadcast_in_dim3A_402 : vector<1x8732xf32>
    %gt3A_404 = arith.constant 0 : i32
    %gt3A_405 = vector.broadcast %gt3A_404 : i32 to vector<1x8732xi32>
    %gt3A_406 = arith.cmpi sgt, %get3A_332, %gt3A_405 : vector<1x8732xi32>
    %convert_element_type3A_407 = arith.extui %gt3A_406 : vector<1x8732xi1> to vector<1x8732xi32>
    %reduce_sum3A_408 = vector.shape_cast %convert_element_type3A_407 : vector<1x8732xi32> to vector<1x1x8732xi32>
    %reduce_sum3A_409 = arith.constant dense<0> : vector<1xi32>
    %reduce_sum3A_410 = vector.multi_reduction <add>, %reduce_sum3A_408, %reduce_sum3A_409 [1, 2] : vector<1x1x8732xi32> to vector<1xi32>
    %reduce_sum3A_411 = vector.shape_cast %reduce_sum3A_410 : vector<1xi32> to vector<1x1x1xi32>
    %reduce_sum3A_412 = vector.extract %reduce_sum3A_411[0, 0, 0] : i32 from vector<1x1x1xi32>
    %add3A_413 = arith.addf %add3A_403, %sub3A_341 : vector<1x8732xf32>
    %mul3A_414 = arith.mulf %convert_element_type3A_346, %add3A_413 : vector<1x8732xf32>
    %reduce_sum3A_415 = vector.shape_cast %mul3A_414 : vector<1x8732xf32> to vector<1x1x8732xf32>
    %reduce_sum3A_416 = arith.constant dense<0.000000e+00> : vector<1xf32>
    %reduce_sum3A_417 = vector.multi_reduction <add>, %reduce_sum3A_415, %reduce_sum3A_416 [1, 2] : vector<1x1x8732xf32> to vector<1xf32>
    %reduce_sum3A_418 = vector.shape_cast %reduce_sum3A_417 : vector<1xf32> to vector<1x1x1xf32>
    %reduce_sum3A_419 = vector.extract %reduce_sum3A_418[0, 0, 0] : f32 from vector<1x1x1xf32>
    %mul3A_420 = arith.constant 3 : i32
    %mul3A_421 = arith.muli %mul3A_420, %reduce_sum3A_412 : i32
    %min3A_422 = arith.constant 8732 : i32
    %min3A_423 = arith.minsi %mul3A_421, %min3A_422 : i32
    %max3A_424 = arith.constant 1 : i32
    %max3A_425 = arith.maxsi %min3A_423, %max3A_424 : i32
    %concatenate3A_426 = tpu.concatenate %sub3A_341, %broadcast_in_dim3A_9 in 1 : vector<1x8732xf32>, vector<1x4xf32> -> vector<1x8736xf32>
    %swap3A_427 = arith.index_cast %add3A_313 : i32 to index
    %swap3A_428 = arith.constant 0 : index
    %swap3A_429 = vector.load %arg9[%swap3A_427, %swap3A_428] : memref<32x8736xf32, #tpu.memory_space<vmem>>, vector<1x8736xf32>
    tpu.vector_store %arg9[%swap3A_427, %swap3A_428], %concatenate3A_426 {strides = array<i32>} : memref<32x8736xf32, #tpu.memory_space<vmem>>, vector<1x8736xf32>,
    %sub3A_430 = arith.constant 1.000000e+00 : f32
    %sub3A_431 = vector.broadcast %sub3A_430 : f32 to vector<1x8732xf32>
    %sub3A_432 = arith.subf %sub3A_431, %convert_element_type3A_346 : vector<1x8732xf32>
    %mul3A_433 = arith.mulf %sub3A_341, %sub3A_432 : vector<1x8732xf32>
    %concatenate3A_434 = tpu.concatenate %mul3A_433, %broadcast_in_dim3A_9 in 1 : vector<1x8732xf32>, vector<1x4xf32> -> vector<1x8736xf32>
    %swap3A_435 = arith.index_cast %add3A_313 : i32 to index
    %swap3A_436 = arith.constant 0 : index
    %swap3A_437 = vector.load %arg10[%swap3A_435, %swap3A_436] : memref<32x8736xf32, #tpu.memory_space<vmem>>, vector<1x8736xf32>
    tpu.vector_store %arg10[%swap3A_435, %swap3A_436], %concatenate3A_434 {strides = array<i32>} : memref<32x8736xf32, #tpu.memory_space<vmem>>, vector<1x8736xf32>,
    %broadcast_in_dim3A_438 = vector.broadcast %max3A_425 : i32 to vector<1x16xi32>
    %swap3A_439 = arith.index_cast %add3A_313 : i32 to index
    %swap3A_440 = arith.constant 0 : index
    %swap3A_441 = vector.load %arg11[%swap3A_439, %swap3A_440] : memref<32x16xi32, #tpu.memory_space<vmem>>, vector<1x16xi32>
    tpu.vector_store %arg11[%swap3A_439, %swap3A_440], %broadcast_in_dim3A_438 {strides = array<i32>} : memref<32x16xi32, #tpu.memory_space<vmem>>, vector<1x16xi32>,
    %iota3A_442 = tpu.iota {dimensions = array<i32: 1>} : vector<1x16xi32>
    %eq3A_443 = arith.constant 0 : i32
    %eq3A_444 = vector.broadcast %eq3A_443 : i32 to vector<1x16xi32>
    %eq3A_445 = arith.cmpi eq, %iota3A_442, %eq3A_444 : vector<1x16xi32>
    %eq3A_446 = arith.constant 1 : i32
    %eq3A_447 = vector.broadcast %eq3A_446 : i32 to vector<1x16xi32>
    %eq3A_448 = arith.cmpi eq, %iota3A_442, %eq3A_447 : vector<1x16xi32>
    %convert_element_type3A_449 = arith.sitofp %reduce_sum3A_412 : i32 to f32
    %max3A_450 = arith.constant 9.99999997E-7 : f32
    %max3A_451 = arith.maximumf %convert_element_type3A_449, %max3A_450 : f32
    %eq3A_452 = arith.constant 2 : i32
    %eq3A_453 = vector.broadcast %eq3A_452 : i32 to vector<1x16xi32>
    %eq3A_454 = arith.cmpi eq, %iota3A_442, %eq3A_453 : vector<1x16xi32>
    %gt3A_455 = arith.constant 0 : i32
    %gt3A_456 = arith.cmpi sgt, %reduce_sum3A_412, %gt3A_455 : i32
    %convert_element_type3A_457 = arith.extui %gt3A_456 : i1 to i32
    %convert_element_type3A_458 = arith.sitofp %convert_element_type3A_457 : i32 to f32
    %jit3A_459 = arith.constant 0.000000e+00 : f32
    %broadcast_in_dim3A_460 = vector.broadcast %convert_element_type3A_458 : f32 to vector<1x16xf32>
    %broadcast_in_dim3A_461 = vector.broadcast %jit3A_459 : f32 to vector<1x16xf32>
    %select_n3A_462 = arith.select %eq3A_454, %broadcast_in_dim3A_460, %broadcast_in_dim3A_461 : vector<1x16xi1>, vector<1x16xf32>
    %broadcast_in_dim3A_463 = vector.broadcast %max3A_451 : f32 to vector<1x16xf32>
    %select_n3A_464 = arith.select %eq3A_448, %broadcast_in_dim3A_463, %select_n3A_462 : vector<1x16xi1>, vector<1x16xf32>
    %broadcast_in_dim3A_465 = vector.broadcast %reduce_sum3A_419 : f32 to vector<1x16xf32>
    %select_n3A_466 = arith.select %eq3A_445, %broadcast_in_dim3A_465, %select_n3A_464 : vector<1x16xi1>, vector<1x16xf32>
    %swap3A_467 = arith.index_cast %add3A_313 : i32 to index
    %swap3A_468 = arith.constant 0 : index
    %swap3A_469 = vector.load %arg12[%swap3A_467, %swap3A_468] : memref<32x16xf32, #tpu.memory_space<vmem>>, vector<1x16xf32>
    tpu.vector_store %arg12[%swap3A_467, %swap3A_468], %select_n3A_466 {strides = array<i32>} : memref<32x16xf32, #tpu.memory_space<vmem>>, vector<1x16xf32>,
    %mul3A_470 = arith.constant 4 : i32
    %mul3A_471 = arith.muli %arg0, %mul3A_470 : i32
    %add3A_472 = arith.constant 3 : i32
    %add3A_473 = arith.addi %mul3A_471, %add3A_472 : i32
    %get3A_474 = arith.constant 0 : index
    %get3A_475 = arith.constant 0 : index
    %get3A_476 = arith.constant 0 : index
    %get3A_477 = vector.load %arg4[%get3A_474, %get3A_475, %get3A_476] : memref<1x81x8732xf32, #tpu.memory_space<vmem>>, vector<1x81x8732xf32>
    %get3A_478 = vector.shape_cast %get3A_477 : vector<1x81x8732xf32> to vector<81x8732xf32>
    %reduce_max3A_479 = arith.constant dense<0xFF800000> : vector<8732xf32>
    %reduce_max3A_480 = vector.multi_reduction <maximumf>, %get3A_478, %reduce_max3A_479 [0] : vector<81x8732xf32> to vector<8732xf32>
    %broadcast_in_dim3A_481 = vector.shape_cast %reduce_max3A_480 : vector<8732xf32> to vector<1x8732xf32>
    %sub3A_482 = vector.broadcast %broadcast_in_dim3A_481 : vector<1x8732xf32> to vector<81x8732xf32>
    %sub3A_483 = arith.subf %get3A_478, %sub3A_482 : vector<81x8732xf32>
    %exp3A_484 = math.exp %sub3A_483 : vector<81x8732xf32>
    %reduce_sum3A_485 = arith.constant dense<0.000000e+00> : vector<8732xf32>
    %reduce_sum3A_486 = vector.multi_reduction <add>, %exp3A_484, %reduce_sum3A_485 [0] : vector<81x8732xf32> to vector<8732xf32>
    %broadcast_in_dim3A_487 = vector.shape_cast %reduce_sum3A_486 : vector<8732xf32> to vector<1x8732xf32>
    %log3A_488 = math.log %broadcast_in_dim3A_487 : vector<1x8732xf32>
    %add3A_489 = arith.addf %broadcast_in_dim3A_481, %log3A_488 : vector<1x8732xf32>
    %get3A_490 = arith.index_cast %add3A_473 : i32 to index
    %get3A_491 = arith.constant 0 : index
    %get3A_492 = vector.load %arg5[%get3A_490, %get3A_491] : memref<32x8732xi32, #tpu.memory_space<vmem>>, vector<1x8732xi32>
    %eq3A_493 = vector.broadcast %get3A_492 : vector<1x8732xi32> to vector<81x8732xi32>
    %eq3A_494 = arith.cmpi eq, %iota3A, %eq3A_493 : vector<81x8732xi32>
    %jit3A_495 = arith.constant 0.000000e+00 : f32
    %broadcast_in_dim3A_496 = vector.broadcast %jit3A_495 : f32 to vector<81x8732xf32>
    %select_n3A_497 = arith.select %eq3A_494, %get3A_478, %broadcast_in_dim3A_496 : vector<81x8732xi1>, vector<81x8732xf32>
    %reduce_sum3A_498 = arith.constant dense<0.000000e+00> : vector<8732xf32>
    %reduce_sum3A_499 = vector.multi_reduction <add>, %select_n3A_497, %reduce_sum3A_498 [0] : vector<81x8732xf32> to vector<8732xf32>
    %broadcast_in_dim3A_500 = vector.shape_cast %reduce_sum3A_499 : vector<8732xf32> to vector<1x8732xf32>
    %sub3A_501 = arith.subf %add3A_489, %broadcast_in_dim3A_500 : vector<1x8732xf32>
    %gt3A_502 = arith.constant 0 : i32
    %gt3A_503 = vector.broadcast %gt3A_502 : i32 to vector<1x8732xi32>
    %gt3A_504 = arith.cmpi sgt, %get3A_492, %gt3A_503 : vector<1x8732xi32>
    %convert_element_type3A_505 = arith.extui %gt3A_504 : vector<1x8732xi1> to vector<1x8732xi32>
    %convert_element_type3A_506 = arith.sitofp %convert_element_type3A_505 : vector<1x8732xi32> to vector<1x8732xf32>
    %get3A_507 = arith.index_cast %add3A_473 : i32 to index
    %get3A_508 = arith.constant 0 : index
    %get3A_509 = arith.constant 0 : index
    %get3A_510 = vector.load %arg6[%get3A_507, %get3A_508, %get3A_509] : memref<32x4x8732xf32, #tpu.memory_space<vmem>>, vector<1x4x8732xf32>
    %get3A_511 = vector.shape_cast %get3A_510 : vector<1x4x8732xf32> to vector<4x8732xf32>
    %get3A_512 = arith.index_cast %add3A_473 : i32 to index
    %get3A_513 = arith.constant 0 : index
    %get3A_514 = arith.constant 0 : index
    %get3A_515 = vector.load %arg7[%get3A_512, %get3A_513, %get3A_514] : memref<32x4x8732xf32, #tpu.memory_space<vmem>>, vector<1x4x8732xf32>
    %get3A_516 = vector.shape_cast %get3A_515 : vector<1x4x8732xf32> to vector<4x8732xf32>
    %slice3A_517 = vector.extract_strided_slice %get3A_516 {offsets = [0, 0], sizes = [2, 8732], strides = [1, 1]} : vector<4x8732xf32> to vector<2x8732xf32>
    %sub3A_518 = arith.subf %slice3A_517, %get3A_3 : vector<2x8732xf32>
    %mul3A_519 = arith.constant 1.000000e+01 : f32
    %mul3A_520 = vector.broadcast %mul3A_519 : f32 to vector<2x8732xf32>
    %mul3A_521 = arith.mulf %mul3A_520, %sub3A_518 : vector<2x8732xf32>
    %div3A_522 = arith.divf %mul3A_521, %get3A_8 : vector<2x8732xf32>
    %slice3A_523 = vector.extract_strided_slice %get3A_516 {offsets = [2, 0], sizes = [2, 8732], strides = [1, 1]} : vector<4x8732xf32> to vector<2x8732xf32>
    %div3A_524 = arith.divf %slice3A_523, %get3A_8 : vector<2x8732xf32>
    %log3A_525 = math.log %div3A_524 : vector<2x8732xf32>
    %mul3A_526 = arith.constant 5.000000e+00 : f32
    %mul3A_527 = vector.broadcast %mul3A_526 : f32 to vector<2x8732xf32>
    %mul3A_528 = arith.mulf %mul3A_527, %log3A_525 : vector<2x8732xf32>
    %slice3A_529 = vector.extract_strided_slice %get3A_511 {offsets = [0, 0], sizes = [2, 8732], strides = [1, 1]} : vector<4x8732xf32> to vector<2x8732xf32>
    %sub3A_530 = arith.subf %slice3A_529, %div3A_522 : vector<2x8732xf32>
    %abs3A_531 = math.absf %sub3A_530 : vector<2x8732xf32>
    %lt3A_532 = arith.constant 1.000000e+00 : f32
    %lt3A_533 = vector.broadcast %lt3A_532 : f32 to vector<2x8732xf32>
    %lt3A_534 = arith.cmpf olt, %abs3A_531, %lt3A_533 : vector<2x8732xf32>
    %mul3A_535 = arith.constant 5.000000e-01 : f32
    %mul3A_536 = vector.broadcast %mul3A_535 : f32 to vector<2x8732xf32>
    %mul3A_537 = arith.mulf %mul3A_536, %sub3A_530 : vector<2x8732xf32>
    %mul3A_538 = arith.mulf %mul3A_537, %sub3A_530 : vector<2x8732xf32>
    %sub3A_539 = arith.constant 5.000000e-01 : f32
    %sub3A_540 = vector.broadcast %sub3A_539 : f32 to vector<2x8732xf32>
    %sub3A_541 = arith.subf %abs3A_531, %sub3A_540 : vector<2x8732xf32>
    %select_n3A_542 = arith.select %lt3A_534, %mul3A_538, %sub3A_541 : vector<2x8732xi1>, vector<2x8732xf32>
    %reduce_sum3A_543 = arith.constant dense<0.000000e+00> : vector<8732xf32>
    %reduce_sum3A_544 = vector.multi_reduction <add>, %select_n3A_542, %reduce_sum3A_543 [0] : vector<2x8732xf32> to vector<8732xf32>
    %broadcast_in_dim3A_545 = vector.shape_cast %reduce_sum3A_544 : vector<8732xf32> to vector<1x8732xf32>
    %slice3A_546 = vector.extract_strided_slice %get3A_511 {offsets = [2, 0], sizes = [2, 8732], strides = [1, 1]} : vector<4x8732xf32> to vector<2x8732xf32>
    %sub3A_547 = arith.subf %slice3A_546, %mul3A_528 : vector<2x8732xf32>
    %abs3A_548 = math.absf %sub3A_547 : vector<2x8732xf32>
    %lt3A_549 = arith.constant 1.000000e+00 : f32
    %lt3A_550 = vector.broadcast %lt3A_549 : f32 to vector<2x8732xf32>
    %lt3A_551 = arith.cmpf olt, %abs3A_548, %lt3A_550 : vector<2x8732xf32>
    %mul3A_552 = arith.constant 5.000000e-01 : f32
    %mul3A_553 = vector.broadcast %mul3A_552 : f32 to vector<2x8732xf32>
    %mul3A_554 = arith.mulf %mul3A_553, %sub3A_547 : vector<2x8732xf32>
    %mul3A_555 = arith.mulf %mul3A_554, %sub3A_547 : vector<2x8732xf32>
    %sub3A_556 = arith.constant 5.000000e-01 : f32
    %sub3A_557 = vector.broadcast %sub3A_556 : f32 to vector<2x8732xf32>
    %sub3A_558 = arith.subf %abs3A_548, %sub3A_557 : vector<2x8732xf32>
    %select_n3A_559 = arith.select %lt3A_551, %mul3A_555, %sub3A_558 : vector<2x8732xi1>, vector<2x8732xf32>
    %reduce_sum3A_560 = arith.constant dense<0.000000e+00> : vector<8732xf32>
    %reduce_sum3A_561 = vector.multi_reduction <add>, %select_n3A_559, %reduce_sum3A_560 [0] : vector<2x8732xf32> to vector<8732xf32>
    %broadcast_in_dim3A_562 = vector.shape_cast %reduce_sum3A_561 : vector<8732xf32> to vector<1x8732xf32>
    %add3A_563 = arith.addf %broadcast_in_dim3A_545, %broadcast_in_dim3A_562 : vector<1x8732xf32>
    %gt3A_564 = arith.constant 0 : i32
    %gt3A_565 = vector.broadcast %gt3A_564 : i32 to vector<1x8732xi32>
    %gt3A_566 = arith.cmpi sgt, %get3A_492, %gt3A_565 : vector<1x8732xi32>
    %convert_element_type3A_567 = arith.extui %gt3A_566 : vector<1x8732xi1> to vector<1x8732xi32>
    %reduce_sum3A_568 = vector.shape_cast %convert_element_type3A_567 : vector<1x8732xi32> to vector<1x1x8732xi32>
    %reduce_sum3A_569 = arith.constant dense<0> : vector<1xi32>
    %reduce_sum3A_570 = vector.multi_reduction <add>, %reduce_sum3A_568, %reduce_sum3A_569 [1, 2] : vector<1x1x8732xi32> to vector<1xi32>
    %reduce_sum3A_571 = vector.shape_cast %reduce_sum3A_570 : vector<1xi32> to vector<1x1x1xi32>
    %reduce_sum3A_572 = vector.extract %reduce_sum3A_571[0, 0, 0] : i32 from vector<1x1x1xi32>
    %add3A_573 = arith.addf %add3A_563, %sub3A_501 : vector<1x8732xf32>
    %mul3A_574 = arith.mulf %convert_element_type3A_506, %add3A_573 : vector<1x8732xf32>
    %reduce_sum3A_575 = vector.shape_cast %mul3A_574 : vector<1x8732xf32> to vector<1x1x8732xf32>
    %reduce_sum3A_576 = arith.constant dense<0.000000e+00> : vector<1xf32>
    %reduce_sum3A_577 = vector.multi_reduction <add>, %reduce_sum3A_575, %reduce_sum3A_576 [1, 2] : vector<1x1x8732xf32> to vector<1xf32>
    %reduce_sum3A_578 = vector.shape_cast %reduce_sum3A_577 : vector<1xf32> to vector<1x1x1xf32>
    %reduce_sum3A_579 = vector.extract %reduce_sum3A_578[0, 0, 0] : f32 from vector<1x1x1xf32>
    %mul3A_580 = arith.constant 3 : i32
    %mul3A_581 = arith.muli %mul3A_580, %reduce_sum3A_572 : i32
    %min3A_582 = arith.constant 8732 : i32
    %min3A_583 = arith.minsi %mul3A_581, %min3A_582 : i32
    %max3A_584 = arith.constant 1 : i32
    %max3A_585 = arith.maxsi %min3A_583, %max3A_584 : i32
    %concatenate3A_586 = tpu.concatenate %sub3A_501, %broadcast_in_dim3A_9 in 1 : vector<1x8732xf32>, vector<1x4xf32> -> vector<1x8736xf32>
    %swap3A_587 = arith.index_cast %add3A_473 : i32 to index
    %swap3A_588 = arith.constant 0 : index
    %swap3A_589 = vector.load %arg9[%swap3A_587, %swap3A_588] : memref<32x8736xf32, #tpu.memory_space<vmem>>, vector<1x8736xf32>
    tpu.vector_store %arg9[%swap3A_587, %swap3A_588], %concatenate3A_586 {strides = array<i32>} : memref<32x8736xf32, #tpu.memory_space<vmem>>, vector<1x8736xf32>,
    %sub3A_590 = arith.constant 1.000000e+00 : f32
    %sub3A_591 = vector.broadcast %sub3A_590 : f32 to vector<1x8732xf32>
    %sub3A_592 = arith.subf %sub3A_591, %convert_element_type3A_506 : vector<1x8732xf32>
    %mul3A_593 = arith.mulf %sub3A_501, %sub3A_592 : vector<1x8732xf32>
    %concatenate3A_594 = tpu.concatenate %mul3A_593, %broadcast_in_dim3A_9 in 1 : vector<1x8732xf32>, vector<1x4xf32> -> vector<1x8736xf32>
    %swap3A_595 = arith.index_cast %add3A_473 : i32 to index
    %swap3A_596 = arith.constant 0 : index
    %swap3A_597 = vector.load %arg10[%swap3A_595, %swap3A_596] : memref<32x8736xf32, #tpu.memory_space<vmem>>, vector<1x8736xf32>
    tpu.vector_store %arg10[%swap3A_595, %swap3A_596], %concatenate3A_594 {strides = array<i32>} : memref<32x8736xf32, #tpu.memory_space<vmem>>, vector<1x8736xf32>,
    %broadcast_in_dim3A_598 = vector.broadcast %max3A_585 : i32 to vector<1x16xi32>
    %swap3A_599 = arith.index_cast %add3A_473 : i32 to index
    %swap3A_600 = arith.constant 0 : index
    %swap3A_601 = vector.load %arg11[%swap3A_599, %swap3A_600] : memref<32x16xi32, #tpu.memory_space<vmem>>, vector<1x16xi32>
    tpu.vector_store %arg11[%swap3A_599, %swap3A_600], %broadcast_in_dim3A_598 {strides = array<i32>} : memref<32x16xi32, #tpu.memory_space<vmem>>, vector<1x16xi32>,
    %iota3A_602 = tpu.iota {dimensions = array<i32: 1>} : vector<1x16xi32>
    %eq3A_603 = arith.constant 0 : i32
    %eq3A_604 = vector.broadcast %eq3A_603 : i32 to vector<1x16xi32>
    %eq3A_605 = arith.cmpi eq, %iota3A_602, %eq3A_604 : vector<1x16xi32>
    %eq3A_606 = arith.constant 1 : i32
    %eq3A_607 = vector.broadcast %eq3A_606 : i32 to vector<1x16xi32>
    %eq3A_608 = arith.cmpi eq, %iota3A_602, %eq3A_607 : vector<1x16xi32>
    %convert_element_type3A_609 = arith.sitofp %reduce_sum3A_572 : i32 to f32
    %max3A_610 = arith.constant 9.99999997E-7 : f32
    %max3A_611 = arith.maximumf %convert_element_type3A_609, %max3A_610 : f32
    %eq3A_612 = arith.constant 2 : i32
    %eq3A_613 = vector.broadcast %eq3A_612 : i32 to vector<1x16xi32>
    %eq3A_614 = arith.cmpi eq, %iota3A_602, %eq3A_613 : vector<1x16xi32>
    %gt3A_615 = arith.constant 0 : i32
    %gt3A_616 = arith.cmpi sgt, %reduce_sum3A_572, %gt3A_615 : i32
    %convert_element_type3A_617 = arith.extui %gt3A_616 : i1 to i32
    %convert_element_type3A_618 = arith.sitofp %convert_element_type3A_617 : i32 to f32
    %jit3A_619 = arith.constant 0.000000e+00 : f32
    %broadcast_in_dim3A_620 = vector.broadcast %convert_element_type3A_618 : f32 to vector<1x16xf32>
    %broadcast_in_dim3A_621 = vector.broadcast %jit3A_619 : f32 to vector<1x16xf32>
    %select_n3A_622 = arith.select %eq3A_614, %broadcast_in_dim3A_620, %broadcast_in_dim3A_621 : vector<1x16xi1>, vector<1x16xf32>
    %broadcast_in_dim3A_623 = vector.broadcast %max3A_611 : f32 to vector<1x16xf32>
    %select_n3A_624 = arith.select %eq3A_608, %broadcast_in_dim3A_623, %select_n3A_622 : vector<1x16xi1>, vector<1x16xf32>
    %broadcast_in_dim3A_625 = vector.broadcast %reduce_sum3A_579 : f32 to vector<1x16xf32>
    %select_n3A_626 = arith.select %eq3A_605, %broadcast_in_dim3A_625, %select_n3A_624 : vector<1x16xi1>, vector<1x16xf32>
    %swap3A_627 = arith.index_cast %add3A_473 : i32 to index
    %swap3A_628 = arith.constant 0 : index
    %swap3A_629 = vector.load %arg12[%swap3A_627, %swap3A_628] : memref<32x16xf32, #tpu.memory_space<vmem>>, vector<1x16xf32>
    tpu.vector_store %arg12[%swap3A_627, %swap3A_628], %select_n3A_626 {strides = array<i32>} : memref<32x16xf32, #tpu.memory_space<vmem>>, vector<1x16xf32>,
    return
  }
  func.func @transform_0(%arg0: i32) -> (i32, i32, i32) {
    %mul3A = arith.constant 4 : i32
    %mul3A_0 = arith.muli %mul3A, %arg0 : i32
    %add3A = arith.constant 0 : i32
    %add3A_1 = arith.addi %mul3A_0, %add3A : i32
    %c0_i32 = arith.constant 0 : i32
    %c0_i32_2 = arith.constant 0 : i32
    %c0_i32_3 = arith.constant 0 : i32
    return %add3A_1, %c0_i32, %c0_i32_2 : i32, i32, i32
  }
  func.func @transform_1(%arg0: i32) -> (i32, i32, i32) {
    %mul3A = arith.constant 4 : i32
    %mul3A_0 = arith.muli %mul3A, %arg0 : i32
    %add3A = arith.constant 1 : i32
    %add3A_1 = arith.addi %mul3A_0, %add3A : i32
    %c0_i32 = arith.constant 0 : i32
    %c0_i32_2 = arith.constant 0 : i32
    %c0_i32_3 = arith.constant 0 : i32
    return %add3A_1, %c0_i32, %c0_i32_2 : i32, i32, i32
  }
  func.func @transform_2(%arg0: i32) -> (i32, i32, i32) {
    %mul3A = arith.constant 4 : i32
    %mul3A_0 = arith.muli %mul3A, %arg0 : i32
    %add3A = arith.constant 2 : i32
    %add3A_1 = arith.addi %mul3A_0, %add3A : i32
    %c0_i32 = arith.constant 0 : i32
    %c0_i32_2 = arith.constant 0 : i32
    %c0_i32_3 = arith.constant 0 : i32
    return %add3A_1, %c0_i32, %c0_i32_2 : i32, i32, i32
  }
  func.func @transform_3(%arg0: i32) -> (i32, i32, i32) {
    %mul3A = arith.constant 4 : i32
    %mul3A_0 = arith.muli %mul3A, %arg0 : i32
    %add3A = arith.constant 3 : i32
    %add3A_1 = arith.addi %mul3A_0, %add3A : i32
    %c0_i32 = arith.constant 0 : i32
    %c0_i32_2 = arith.constant 0 : i32
    %c0_i32_3 = arith.constant 0 : i32
    return %add3A_1, %c0_i32, %c0_i32_2 : i32, i32, i32
  }
  func.func @transform_4(%arg0: i32) -> (i32, i32) {
    %c0_i32 = arith.constant 0 : i32
    %c0_i32_0 = arith.constant 0 : i32
    %c0_i32_1 = arith.constant 0 : i32
    return %c0_i32, %c0_i32_0 : i32, i32
  }
  func.func @transform_5(%arg0: i32) -> (i32, i32, i32) {
    %c0_i32 = arith.constant 0 : i32
    %c0_i32_0 = arith.constant 0 : i32
    %c0_i32_1 = arith.constant 0 : i32
    %c0_i32_2 = arith.constant 0 : i32
    return %c0_i32, %c0_i32_0, %c0_i32_1 : i32, i32, i32
  }
  func.func @transform_6(%arg0: i32) -> (i32, i32, i32) {
    %c0_i32 = arith.constant 0 : i32
    %c0_i32_0 = arith.constant 0 : i32
    %c0_i32_1 = arith.constant 0 : i32
    %c0_i32_2 = arith.constant 0 : i32
    return %c0_i32, %c0_i32_0, %c0_i32_1 : i32, i32, i32
  }
  func.func @transform_7(%arg0: i32) -> (i32, i32, i32) {
    %c0_i32 = arith.constant 0 : i32
    %c0_i32_0 = arith.constant 0 : i32
    %c0_i32_1 = arith.constant 0 : i32
    %c0_i32_2 = arith.constant 0 : i32
    return %c0_i32, %c0_i32_0, %c0_i32_1 : i32, i32, i32
  }
  func.func @transform_8(%arg0: i32) -> (i32, i32) {
    %c0_i32 = arith.constant 0 : i32
    %c0_i32_0 = arith.constant 0 : i32
    %c0_i32_1 = arith.constant 0 : i32
    return %c0_i32, %c0_i32_0 : i32, i32
  }
  func.func @transform_9(%arg0: i32) -> (i32, i32) {
    %c0_i32 = arith.constant 0 : i32
    %c0_i32_0 = arith.constant 0 : i32
    %c0_i32_1 = arith.constant 0 : i32
    return %c0_i32, %c0_i32_0 : i32, i32
  }
  func.func @transform_10(%arg0: i32) -> (i32, i32) {
    %c0_i32 = arith.constant 0 : i32
    %c0_i32_0 = arith.constant 0 : i32
    %c0_i32_1 = arith.constant 0 : i32
    return %c0_i32, %c0_i32_0 : i32, i32
  }
  func.func @transform_11(%arg0: i32) -> (i32, i32) {
    %c0_i32 = arith.constant 0 : i32
    %c0_i32_0 = arith.constant 0 : i32
    %c0_i32_1 = arith.constant 0 : i32
    return %c0_i32, %c0_i32_0 : i32, i32
  }
}

</mosaic_0001>

<sc_bundles>
// kernel: kernel.4.cloned.1.call-start
scs
__scs_entry_jumppad:
0x0: {  	(pc) =	sbr.rel $0x88, $3  }
0x1: {  	(tag) =	ssettag $0x0;
	lr =	simm.s32 $0x1  }
0x2: {  	[smem:$0x3F9C] =	sst lr;
	_ =	strace $0xD0000000  }
0x3: {  	_ = 	snop  }
0x4: {  	_ = 	snop  }
0x5: {  	_ = 	snop  }
0x6: {  	_ = 	snop  }
0x7: {  	_ = 	snop  }
__scs_overlays_trampoline_lowered:
0x8: {  	[smem:$0x3FAB] =	sst s0  }
0x9: {  	[smem:$0x3FAC] =	sst s1  }
0xa: {  	[smem:$0x3FAD] =	sst s2  }
0xb: {  	[smem:$0x3FAE] =	sst s3  }
0xc: {  	[smem:$0x3FAF] =	sst s4  }
0xd: {  	[smem:$0x3FB0] =	sst s5  }
0xe: {  	[smem:$0x3FB1] =	sst s6  }
0xf: {  	[smem:$0x3FB2] =	sst s7  }
0x10: {  	[smem:$0x3FB3] =	sst s8  }
0x11: {  	[smem:$0x3FB4] =	sst s9;
	s0 =	simm.s32 @!p0 $0x0  }
0x12: {  	s1 =	sld [smem:$0x3F9A];
	s0 =	simm.s32 @p0 $0x1  }
0x13: {  	[smem:$0x3FB5] =	sst s0;
	s0 =	simm.s32 @!p1 $0x0  }
0x14: {  	s2 =	sld [smem:$0x3F99];
	s0 =	simm.s32 @p1 $0x1  }
0x15: {  	[smem:$0x3FB6] =	sst s0;
	s0 =	simm.s32 @!p2 $0x0  }
0x16: {  	s3 =	sld [smem:$0x3FDB];
	s0 =	simm.s32 @p2 $0x1  }
0x17: {  	s4 =	simm.s32 $0x1BF5;
	[smem:$0x3FB8] =	sst s0  }
0x18: {  	s0 =	sld [smem:$0x3F9B];
	_ =	swait.ge [sflag:s4], $0x0  }
0x19: {  	s7 =	sld [smem:$0x3F9C]  }
0x1a: {  	s8 =	sadd.s32 $0xFFFFE003, lr  }
0x1b: {  	s9 =	sadd.s32 $0xFFFFFEF7, lr;
	s5 =	simm.s32 $0xFFFFFFFF;
	p2 =	slt.u32 s8, $0xFFFFF086  }
0x1c: {  	p1 =	slt.u32 s9, $0xF7A;
	s5 =	simm.s32 @!p2 $0x0  }
0x1d: {  	s5 =	simm.s32 @p1 $0x1;
	p0 =	seq.s32 s7, s2  }
0x1e: {  	s7 =	smul.u32 @!p0 $0xF7A, s2;
	p2 =	seq.s32 @!p0 s5, $0x0  }
0x1f: {  	s9 =	smul.u32 $0xF7A, s1;
	s8 =	simm.s32 @!p0 $0x1BF5;
	p2 =	por !p2, p0  }
0x20: {  	[sflag:s8] =	ssyncset.s32 @!p0 $0xFFFFF086;
	s6 =	sadd.s32 @!p0 s3, s7;
	s7 =	simm.s32 @!p0 $0x108  }
0x21: {  	s3 =	sadd.s32 s3, s9;
	s6 =	sadd.s32 @!p0 $0x88, s6;
	s7 =	simm.s32 @p2 $0x1082  }
0x22: {  	[simem:s7], [sflag:s8] =	dma.local @!p0 [hbm:s6], $0xF7A  }
0x23: {  	s9 =	sor.u32 $0xD0000000, s2;
	s6 =	simm.s32 $0x108;
	_ =	swait.ge @!p0 [sflag:s8], $0x0  }
0x24: {  	s3 =	sadd.s32 $0x88, s3;
	s6 =	simm.s32 @!p1 $0x1082;
	[sflag:s4] =	ssyncset.s32 $0xFFFFF086  }
0x25: {  	[simem:s6], [sflag:s4] =	dma.local [hbm:s3], $0xF7A  }
0x26: {  	[smem:$0x3F9C] =	sst s1;
	(tag) =	ssettag s2;
	_ =	strace s9  }
0x27: {  	s1 =	sld [smem:$0x3FAC]  }
0x28: {  	s2 =	sld [smem:$0x3FAD]  }
0x29: {  	s4 =	sld [smem:$0x3FAF]  }
0x2a: {  	p0 =	seq.s32 s5, $0x0;
	s5 =	sld [smem:$0x3FB0]  }
0x2b: {  	s6 =	sld [smem:$0x3FB1]  }
0x2c: {  	s7 =	sld [smem:$0x3FB2]  }
0x2d: {  	s3 =	simm.s32 $0x108;
	s8 =	sld [smem:$0x3FB3]  }
0x2e: {  	s3 =	simm.s32 @!p0 $0x1082;
	s9 =	sld [smem:$0x3FB4]  }
0x2f: {  	lr =	sadd.s32 s0, s3;
	s0 =	sld [smem:$0x3FAB]  }
0x30: {  	s3 =	sld [smem:$0x3FAE]  }
0x31: {  	[smem:$0x3FB7] =	sst s10  }
0x32: {  	s10 =	sld [smem:$0x3FB5];
	_ =	sdelay $0x3  }
0x33: {  	p0 =	seq.s32 s10, $0x1;
	s10 =	sld [smem:$0x3FB7];
	_ =	sdelay $0x3  }
0x34: {  	[smem:$0x3FB7] =	sst s10  }
0x35: {  	s10 =	sld [smem:$0x3FB6];
	_ =	sdelay $0x3  }
0x36: {  	p1 =	seq.s32 s10, $0x1;
	s10 =	sld [smem:$0x3FB7];
	_ =	sdelay $0x3  }
0x37: {  	[smem:$0x3FB7] =	sst s10  }
0x38: {  	s10 =	sld [smem:$0x3FB8]  }
0x39: {  	_ = 	snop;
	(pc) =	sbr.ind lr, $3  }
0x3a: {  	_ = 	snop  }
0x3b: {  	_ = 	snop  }
0x3c: {  	p2 =	seq.s32 s10, $0x1;
	s10 =	sld [smem:$0x3FB7]  }
0x3d: {  	_ =	shalt  }
0x3e: {  	_ =	shalt  }
0x3f: {  	_ =	shalt  }
0x40: {  	_ =	shalt  }
0x41: {  	_ =	shalt  }
0x42: {  	_ =	shalt  }
0x43: {  	_ =	shalt  }
0x44: {  	_ =	shalt  }
0x45: {  	_ =	shalt  }
0x46: {  	_ =	shalt  }
0x47: {  	_ =	shalt  }
0x48: {  	_ =	shalt  }
0x49: {  	_ =	shalt  }
0x4a: {  	_ =	shalt  }
0x4b: {  	_ =	shalt  }
0x4c: {  	_ =	shalt  }
0x4d: {  	_ =	shalt  }
0x4e: {  	_ =	shalt  }
0x4f: {  	_ =	shalt  }
0x50: {  	_ =	shalt  }
0x51: {  	_ =	shalt  }
0x52: {  	_ =	shalt  }
0x53: {  	_ =	shalt  }
0x54: {  	_ =	shalt  }
0x55: {  	_ =	shalt  }
0x56: {  	_ =	shalt  }
0x57: {  	_ =	shalt  }
0x58: {  	_ =	shalt  }
0x59: {  	_ =	shalt  }
0x5a: {  	_ =	shalt  }
0x5b: {  	_ =	shalt  }
0x5c: {  	_ =	shalt  }
0x5d: {  	_ =	shalt  }
0x5e: {  	_ =	shalt  }
0x5f: {  	_ =	shalt  }
0x60: {  	_ =	shalt  }
0x61: {  	_ =	shalt  }
0x62: {  	_ =	shalt  }
0x63: {  	_ =	shalt  }
0x64: {  	_ =	shalt  }
0x65: {  	_ =	shalt  }
0x66: {  	_ =	shalt  }
0x67: {  	_ =	shalt  }
0x68: {  	_ =	shalt  }
0x69: {  	_ =	shalt  }
0x6a: {  	_ =	shalt  }
0x6b: {  	_ =	shalt  }
0x6c: {  	_ =	shalt  }
0x6d: {  	_ =	shalt  }
0x6e: {  	_ =	shalt  }
0x6f: {  	_ =	shalt  }
0x70: {  	_ =	shalt  }
0x71: {  	_ =	shalt  }
0x72: {  	_ =	shalt  }
0x73: {  	_ =	shalt  }
0x74: {  	_ =	shalt  }
0x75: {  	_ =	shalt  }
0x76: {  	_ =	shalt  }
0x77: {  	_ =	shalt  }
0x78: {  	_ =	shalt  }
0x79: {  	_ =	shalt  }
0x7a: {  	_ =	shalt  }
0x7b: {  	_ =	shalt  }
0x7c: {  	_ =	shalt  }
0x7d: {  	_ =	shalt  }
0x7e: {  	_ =	shalt  }
0x7f: {  	_ =	shalt  }
0x80: {  	_ =	shalt  }
0x81: {  	_ =	shalt  }
0x82: {  	_ =	shalt  }
0x83: {  	_ =	shalt  }
0x84: {  	_ =	shalt  }
0x85: {  	_ =	shalt  }
0x86: {  	_ =	shalt  }
0x87: {  	_ =	shalt  }
.Lfunc_end0:
.L_simem_size_0:
called_computation_lowered:
.L_overlay_start_0:
0x88: {  	s2 =	sld [smem:$0x3FD9]  }
0x89: {  	s3 =	sld [smem:$0x3FFE];
	_ =	sdelay $0x1  }
0x8a: {  	s1 =	srdreg.scid  }
0x8b: {  	s0 =	sand.u32 $0x1, s1  }
0x8c: {  	s16 =	sshll.u32 s0, $0xA;
	s2 =	sadd.s32 s3, s2  }
0x8d: {  	s2 =	sadd.s32 s2, s16  }
0x8e: {  	[smem:$0x3FC3] =	sst s2  }
0x8f: {  	_ = 	snop  }
0x90: {  	(tm) =	ssettm $0x1  }
0x91: {  	s17 =	sld [smem:$0x3FFB];
	_ =	sdelay $0x3  }
0x92: {  	_ =	strace s17  }
0x93: {  	s2 =	sld [smem:$0x3FFC];
	_ =	sdelay $0x3  }
0x94: {  	_ =	strace s2  }
0x95: {  	s2 =	sld [smem:$0x3FFD];
	_ =	sdelay $0x3  }
0x96: {  	_ =	strace s2  }
0x97: {  	_ =	strace $0x8FFFFFFF  }
0x98: {  	s18 =	sld [smem:$0x3FDB];
	_ =	sdelay $0x1  }
0x99: {  	s19 =	simm.s32 $_scs_section_size  }
0x9a: {  	s4 =	simm.s32 $_size__tile_overlayer_lowered;
	s5 =	simm.s32 $_tile_overlayer_lowered  }
0x9b: {  	s22 =	simm.s32 $0x1BFF;
	s21 =	sshll.u32 s5, $0x1;
	s2 =	sadd.s32 s19, s18  }
0x9c: {  	s6 =	simm.s32 $0x0;
	s20 =	sshll.u32 s4, $0x1;
	s4 =	sadd.s32 s21, s2  }
0x9d: {  	[timem:s6], [sflag:s22] =	dma.local [hbm:s4], s20  }
0x9e: {  	_ =	swait.ge [sflag:s22], s20  }
0x9f: {  	s3 =	ssub.s32 $0x0, s20;
	[sflag:s22] =	ssyncset.done $0x0  }
0xa0: {  	[sflag:s22] =	ssyncadd.s32 s3;
	_ =	sdelay $0x1  }
0xa1: {  	s23 =	simm.s32 $0x1B8B  }
0xa2: {  	_ =	swait.ge [sflag:s23], $0x1  }
0xa3: {  	[sflag:s23] =	ssyncset.done $0x0  }
0xa4: {  	s25 =	simm.s32 $0x1B8E;
	s24 =	sld [smem:$0x3FFE];
	[sflag:s23] =	ssyncadd.s32 $0xFFFFFFFF  }
0xa5: {  	s26 =	simm.s32 $execute0_lowered;
	[smem:$0x3FD2] =	sst s25  }
0xa6: {  	s4 =	sshll.u32 s26, $0x1;
	_ =	strace $0x80000046;
	[dreg:$0x1] =	wrdreg $0xFFFFFFFF  }
0xa7: {  	s28 =	simm.s32 $_size_execute0_lowered;
	s2 =	sadd.s32 s2, s4;
	[dreg:$0x0] =	wrdreg $0x0  }
0xa8: {  	s4 =	sshll.u32 s28, $0x1;
	[dreg:$0x2] =	wrdreg s2  }
0xa9: {  	[dreg:$0x3] =	wrdreg s4  }
0xaa: {  	[dreg:$0x4] =	wrdreg $0xC0  }
0xab: {  	_ =	task [dreg:s6], $0x5FFFF  }
0xac: {  	[dreg:$0x1] =	wrdreg $0xFFFFFFFF  }
0xad: {  	[dreg:$0x0] =	wrdreg $0x60  }
0xae: {  	[dreg:$0x2] =	wrdreg s24  }
0xaf: {  	[dreg:$0x3] =	wrdreg $0x9  }
0xb0: {  	_ =	task.clear_ibuf [dreg:s6], $0x4FFFF;
	_ =	strace $0x90000046  }
0xb1: {  	s29 =	simm.s32 $0x9;
	_ =	strace $0x80000048  }
0xb2: {  	_ =	swait.ge [sflag:s29], $0x1  }
0xb3: {  	[sflag:s29] =	ssyncadd.s32 $0xFFFFFFFF  }
0xb4: {  	_ =	strace $0x90000048  }
0xb5: {  	_ =	sfence  }
0xb6: {  	s30 =	sld [smem:$0x0];
	_ =	sdelay $0x2  }
0xb7: {  	s31 =	sshll.u32 s1, $0xD;
	s1 =	sshrl.u32 s1, $0x2  }
0xb8: {  	s3 =	sand.u32 $0x4000, s31;
	s1 =	sadd.s32 s1, s30  }
0xb9: {  	s0 =	sor.u32 s3, s0;
	s1 =	sshll.u32 s1, $0x11  }
0xba: {  	s0 =	sor.u32 s1, s0  }
0xbb: {  	s0 =	sadd.s32 $0x8F2B, s0  }
0xbc: {  	[sflag:s0] =	ssyncadd.remote.s32 $0x1  }
0xbd: {  	_ =	sfence.sel $0xFFFF  }
0xbe: {  	[dreg:$0x0] =	wrdreg $0xFFFFFFFF;
	(pc) =	sbr.abs _section_cstart, $3  }
0xbf: {  	[dreg:$0x1] =	wrdreg $0xFFFFFFFF  }
0xc0: {  	_ =	task.clear_ibuf [dreg:s6], $0x2FFFF;
	_ =	strace $0x9FFFFFFF  }
0xc1: {  	(tm) =	ssettm $0x7FFFFFFF  }
tec
execute0_lowered:
.L_overlay_start_1:
0x0: {  	(tag) =	ssettag $0x1  }
0x1: {  	v0 =	vimm.s32 $0xEFCDAB89  }
0x2: {  	v2 =	vimm.s32 $0xDCFE98BA;
	v4 =	vimm.s32 $0x54761032;
	v5 =	vimm.s32 $0xBA98FEDC  }
0x3: {  	v6 =	vimm.s32 $0x32107654;
	v7 =	vimm.s32 $0xFEDCBA98;
	v8 =	vimm.s32 $0x76543210  }
0x4: {  	v9 =	vimm.s32 $0xE40000;
	v10 =	vimm.s32 $0xBA987654;
	v1 =	vunpack.c.l.s4.s8 v0  }
0x5: {  	v0 =	vimm.s32 $0x67452301;
	v2 =	vunpack.c.l.s4.s8 v2;
	v4 =	vunpack.c.l.s4.s8 v4  }
0x6: {  	v5 =	vunpack.c.l.s4.s8 v5;
	v6 =	vunpack.c.l.s4.s8 v6;
	v3 =	vunpack.c.l.s4.s8 v0  }
0x7: {  	v7 =	vunpack.c.l.s4.s8 v7;
	v2 =	vunpack.c.0.s8.s32 v2;
	v4 =	vunpack.c.0.s8.s32 v4  }
0x8: {  	v8 =	vunpack.c.l.s4.s8 v8;
	v1 =	vunpack.c.0.s8.s32 v1;
	v3 =	vunpack.c.0.s8.s32 v3  }
0x9: {  	v5 =	vunpack.c.0.s8.s32 v5;
	v6 =	vunpack.c.0.s8.s32 v6;
	v2 =	vcombine.low v4, v2  }
0xa: {  	v4 =	vunpack.c.0.s8.s32 v7;
	v7 =	vimm.s32 $0xDCBA9876;
	v1 =	vcombine.low v3, v1  }
0xb: {  	s3 =	rddreg [dreg:$0x0];
	v3 =	vcombine.low v6, v5;
	v5 =	vunpack.c.0.s8.s32 v8;
	v6 =	vimm.s32 $0xEDCBA987  }
0xc: {  	s0 =	rddreg [dreg:$0x1];
	v7 =	vunpack.c.l.s4.s8 v7;
	v8 =	vimm.s32 $0x54321000;
	v4 =	vand.u32 $0xF, v4  }
0xd: {  	s2 =	simm.s32 $0x0;
	s4 =	srdreg.scid;
	s1 =	stileid.u32;
	v6 =	vunpack.c.l.s4.s8 v6;
	v4 =	vcombine.low v4, v5;
	v5 =	vimm.s32 $0x65432100  }
0xe: {  	v11 =	vimm.s32 $0x32100000;
	s9 =	simm.s32 $0x400;
	s10 =	simm.s32 $0x1;
	s11 =	simm.s32 $0x2280;
	v8 =	vunpack.c.l.s4.s8 v8;
	v5 =	vunpack.c.l.s4.s8 v5  }
0xf: {  	s12 =	simm.s32 $0x4500;
	s13 =	simm.s32 $0x4580;
	s14 =	simm.s32 $0x0;
	v9 =	vunpack.c.l.s2.s4 v9;
	v7 =	vunpack.c.0.s8.s32 v7;
	v6 =	vunpack.c.0.s8.s32 v6  }
0x10: {  	s4 =	sand.u32 $0x1, s4;
	s5 =	sshrl.u32 s1, $0x2;
	s6 =	sshll.u32 s1, $0x8;
	v10 =	vunpack.c.l.s4.s8 v10;
	v8 =	vunpack.c.0.s8.s32 v8;
	v5 =	vunpack.c.0.s8.s32 v5  }
0x11: {  	[smem:$0x7FF] =	sst s2;
	s7 =	sshll.u32 s4, $0x7;
	s6 =	sand.u32 $0x300, s6;
	v9 =	vunpack.c.l.s4.s8 v9;
	v7 =	vand.u32 $0xF, v7;
	v6 =	vand.u32 $0xF, v6  }
0x12: {  	s8 =	smul.u32 $0x11400, s5;
	s5 =	sshll.u32 s5, $0xA;
	s4 =	ssub.s32 $0x2, s4;
	v5 =	vcombine.low v5, v6;
	v6 =	vcombine.low v8, v7;
	v8 =	vunpack.c.l.s4.s8 v11  }
0x13: {  	_ =	strace $0x80000047;
	s6 =	sor.u32 s7, s6;
	s30 =	sshrl.u32 s4, $0x1;
	v10 =	vunpack.c.0.s8.s32 v10  }
0x14: {  	s5 =	sor.u32 s5, s6;
	s6 =	sor.u32 s8, s6;
	s31 =	ssub.s32 s4, s30;
	v9 =	vunpack.c.0.s8.s32 v9;
	v11 =	vimm.s32 $0x7060504;
	v8 =	vunpack.c.0.s8.s32 v8  }
0x15: {  	vm0 =	vcmask $0x3F30;
	s8 =	simm.s32 $0x80;
	s5 =	sshrl.u32 s5, $0x3;
	s6 =	sshrl.u32 s6, $0x3;
	v10 =	vand.u32 $0xF, v10;
	v11 =	vunpack.c.0.s8.s32 v11  }
0x16: {  	v0 =	vimm.s32 $0x0;
	s7 =	smax.u32 s31, $0x1;
	s29 =	sadd.s32 s5, s3;
	s3 =	sadd.s32 s3, s6;
	v12 =	vand.u32 $0x3, v9;
	v8 =	vcombine.low v8, v10  }
0x17: {  	s4 =	sadd.s32 $0x8A00, s3;
	s5 =	sadd.s32 $0x11400, s29;
	s6 =	sadd.s32 $0x11600, s29;
	v9 =	vlaneseq.u32;
	v7 =	vimm.s32 $0x40000000;
	v10 =	vsel vm0, v11, v12  }
.LBB2_1:
0x18: {  	[tilespmem:s2], [sflag:$0x1] =	stream.strided.gather [hbm4b:s3+s8], $0x2280, s9, s8, $0x38;
	[tilespmem:$0x4600] =	vst v63  }
0x19: {  	_ =	swait.ge [sflag:s10], $0x2280  }
0x1a: {  	[sflag:s10] =	ssyncset.done $0x0  }
0x1b: {  	[sflag:s10] =	ssyncadd.s32 $0xFFFFDD80  }
0x1c: {  	[tilespmem:s11], [sflag:$0x1] =	stream.strided.gather [hbm4b:s4+s8], $0x2280, s9, s8, $0x38;
	[tilespmem:$0x4600] =	vst v63  }
0x1d: {  	_ =	swait.ge [sflag:s10], $0x2280  }
0x1e: {  	[sflag:s10] =	ssyncset.done $0x0  }
0x1f: {  	[sflag:s10] =	ssyncadd.s32 $0xFFFFDD80  }
0x20: {  	[tilespmem:s12], [sflag:$0x1] =	stream.linear.gather [hbm4b:s5+s2], $0x80, $0x38;
	[tilespmem:$0x4600] =	vst v63  }
0x21: {  	_ =	swait.ge [sflag:s10], $0x80  }
0x22: {  	[sflag:s10] =	ssyncset.done $0x0  }
0x23: {  	s16 =	simm.s32 $0x0;
	[sflag:s10] =	ssyncadd.s32 $0xFFFFFF80  }
0x24: {  	v13 =	vld [tilespmem:s16+$0x2280]  }
0x25: {  	s15 =	simm.s32 $0x40;
	v12 =	vimm.s32 $0x0;
	v11 =	vld [tilespmem:$0x4500]  }
.LBB2_2:
0x26: {  	p0 =	sne.s32 s15, $0x8840  }
.Ltmp0:
0x27: {  	_ = 	snop;
	(pc) =	sbr.rel @p0 .LBB2_2-.Ltmp0, $4  }
0x28: {  	_ = 	snop  }
0x29: {  	s16 =	sshra.s32 s15, $0x2;
	s15 =	sadd.s32 $0x40, s15;
	vm0 =	vgt.s32 v13, $0x3FFFFFFF  }
0x2a: {  	v13 =	vld [tilespmem:s16+$0x2280];
	v14 =	vsel vm0, $0x1, v0  }
0x2b: {  	v12 =	vadd.s32 v14, v12  }
0x2c: {  	_ =	sdelay $0x2  }
0x2d: {  	vm0 =	vgt.s32 v13, $0x3FFFFFFF  }
0x2e: {  	v13 =	vsel vm0, $0x1, v0  }
0x2f: {  	v12 =	vadd.s32 v13, v12  }
0x30: {  	v13 =	vperm.xlane v12, v1;
	_ =	sdelay $0x1  }
0x31: {  	v12 =	vadd.s32 v12, v13  }
0x32: {  	v13 =	vperm.xlane v12, v2;
	_ =	sdelay $0x1  }
0x33: {  	v12 =	vadd.s32 v13, v12  }
0x34: {  	v13 =	vperm.xlane v12, v3;
	_ =	sdelay $0x1  }
0x35: {  	v12 =	vadd.s32 v13, v12  }
0x36: {  	v13 =	vperm.xlane v12, v4;
	_ =	sdelay $0x1  }
0x37: {  	v12 =	vadd.s32 v13, v12  }
0x38: {  	s16 =	simm.s32 $0x0;
	vm15 =	vlt.s32 v12, v11  }
0x39: {  	v15 =	vld [tilespmem:s16+$0x2280];
	v12 =	vsel vm15, $0x0, v7  }
0x3a: {  	v14 =	vimm.s32 $0x0;
	s15 =	simm.s32 $0x40;
	v13 =	vor.u32 $0x20000000, v12  }
.LBB2_4:
0x3b: {  	p0 =	sne.s32 s15, $0x8840  }
.Ltmp1:
0x3c: {  	_ = 	snop;
	(pc) =	sbr.rel @p0 .LBB2_4-.Ltmp1, $4  }
0x3d: {  	_ = 	snop  }
0x3e: {  	s16 =	sshra.s32 s15, $0x2;
	s15 =	sadd.s32 $0x40, s15;
	vm0 =	vge.s32 v15, v13  }
0x3f: {  	v15 =	vld [tilespmem:s16+$0x2280];
	v16 =	vsel vm0, $0x1, v0  }
0x40: {  	v14 =	vadd.s32 v16, v14  }
0x41: {  	_ =	sdelay $0x2  }
0x42: {  	vm0 =	vge.s32 v15, v13  }
0x43: {  	v15 =	vsel vm0, $0x1, v0  }
0x44: {  	v14 =	vadd.s32 v15, v14  }
0x45: {  	v15 =	vperm.xlane v14, v1;
	_ =	sdelay $0x1  }
0x46: {  	v14 =	vadd.s32 v14, v15  }
0x47: {  	v15 =	vperm.xlane v14, v2;
	_ =	sdelay $0x1  }
0x48: {  	v14 =	vadd.s32 v15, v14  }
0x49: {  	v15 =	vperm.xlane v14, v3;
	_ =	sdelay $0x1  }
0x4a: {  	v14 =	vadd.s32 v15, v14  }
0x4b: {  	v15 =	vperm.xlane v14, v4;
	_ =	sdelay $0x1  }
0x4c: {  	v14 =	vadd.s32 v15, v14  }
0x4d: {  	s16 =	simm.s32 $0x0;
	vm15 =	vlt.s32 v14, v11  }
0x4e: {  	v15 =	vld [tilespmem:s16+$0x2280];
	v12 =	vsel vm15, v12, v13  }
0x4f: {  	s15 =	simm.s32 $0x40;
	v14 =	vimm.s32 $0x0;
	v13 =	vor.u32 $0x10000000, v12  }
.LBB2_6:
0x50: {  	p0 =	sne.s32 s15, $0x8840  }
.Ltmp2:
0x51: {  	_ = 	snop;
	(pc) =	sbr.rel @p0 .LBB2_6-.Ltmp2, $4  }
0x52: {  	_ = 	snop  }
0x53: {  	s16 =	sshra.s32 s15, $0x2;
	s15 =	sadd.s32 $0x40, s15;
	vm0 =	vge.s32 v15, v13  }
0x54: {  	v15 =	vld [tilespmem:s16+$0x2280];
	v16 =	vsel vm0, $0x1, v0  }
0x55: {  	v14 =	vadd.s32 v16, v14  }
0x56: {  	_ =	sdelay $0x2  }
0x57: {  	vm0 =	vge.s32 v15, v13  }
0x58: {  	v15 =	vsel vm0, $0x1, v0  }
0x59: {  	v14 =	vadd.s32 v15, v14  }
0x5a: {  	v15 =	vperm.xlane v14, v1;
	_ =	sdelay $0x1  }
0x5b: {  	v14 =	vadd.s32 v14, v15  }
0x5c: {  	v15 =	vperm.xlane v14, v2;
	_ =	sdelay $0x1  }
0x5d: {  	v14 =	vadd.s32 v15, v14  }
0x5e: {  	v15 =	vperm.xlane v14, v3;
	_ =	sdelay $0x1  }
0x5f: {  	v14 =	vadd.s32 v15, v14  }
0x60: {  	v15 =	vperm.xlane v14, v4;
	_ =	sdelay $0x1  }
0x61: {  	v14 =	vadd.s32 v15, v14  }
0x62: {  	s16 =	simm.s32 $0x0;
	vm15 =	vlt.s32 v14, v11  }
0x63: {  	v15 =	vld [tilespmem:s16+$0x2280];
	v12 =	vsel vm15, v12, v13  }
0x64: {  	s15 =	simm.s32 $0x40;
	v14 =	vimm.s32 $0x0;
	v13 =	vor.u32 $0x8000000, v12  }
.LBB2_8:
0x65: {  	p0 =	sne.s32 s15, $0x8840  }
.Ltmp3:
0x66: {  	_ = 	snop;
	(pc) =	sbr.rel @p0 .LBB2_8-.Ltmp3, $4  }
0x67: {  	_ = 	snop  }
0x68: {  	s16 =	sshra.s32 s15, $0x2;
	s15 =	sadd.s32 $0x40, s15;
	vm0 =	vge.s32 v15, v13  }
0x69: {  	v15 =	vld [tilespmem:s16+$0x2280];
	v16 =	vsel vm0, $0x1, v0  }
0x6a: {  	v14 =	vadd.s32 v16, v14  }
0x6b: {  	_ =	sdelay $0x2  }
0x6c: {  	vm0 =	vge.s32 v15, v13  }
0x6d: {  	v15 =	vsel vm0, $0x1, v0  }
0x6e: {  	v14 =	vadd.s32 v15, v14  }
0x6f: {  	v15 =	vperm.xlane v14, v1;
	_ =	sdelay $0x1  }
0x70: {  	v14 =	vadd.s32 v14, v15  }
0x71: {  	v15 =	vperm.xlane v14, v2;
	_ =	sdelay $0x1  }
0x72: {  	v14 =	vadd.s32 v15, v14  }
0x73: {  	v15 =	vperm.xlane v14, v3;
	_ =	sdelay $0x1  }
0x74: {  	v14 =	vadd.s32 v15, v14  }
0x75: {  	v15 =	vperm.xlane v14, v4;
	_ =	sdelay $0x1  }
0x76: {  	v14 =	vadd.s32 v15, v14  }
0x77: {  	s16 =	simm.s32 $0x0;
	vm15 =	vlt.s32 v14, v11  }
0x78: {  	v15 =	vld [tilespmem:s16+$0x2280];
	v12 =	vsel vm15, v12, v13  }
0x79: {  	s15 =	simm.s32 $0x40;
	v14 =	vimm.s32 $0x0;
	v13 =	vor.u32 $0x4000000, v12  }
.LBB2_10:
0x7a: {  	p0 =	sne.s32 s15, $0x8840  }
.Ltmp4:
0x7b: {  	_ = 	snop;
	(pc) =	sbr.rel @p0 .LBB2_10-.Ltmp4, $4  }
0x7c: {  	_ = 	snop  }
0x7d: {  	s16 =	sshra.s32 s15, $0x2;
	s15 =	sadd.s32 $0x40, s15;
	vm0 =	vge.s32 v15, v13  }
0x7e: {  	v15 =	vld [tilespmem:s16+$0x2280];
	v16 =	vsel vm0, $0x1, v0  }
0x7f: {  	v14 =	vadd.s32 v16, v14  }
0x80: {  	_ =	sdelay $0x2  }
0x81: {  	vm0 =	vge.s32 v15, v13  }
0x82: {  	v15 =	vsel vm0, $0x1, v0  }
0x83: {  	v14 =	vadd.s32 v15, v14  }
0x84: {  	v15 =	vperm.xlane v14, v1;
	_ =	sdelay $0x1  }
0x85: {  	v14 =	vadd.s32 v14, v15  }
0x86: {  	v15 =	vperm.xlane v14, v2;
	_ =	sdelay $0x1  }
0x87: {  	v14 =	vadd.s32 v15, v14  }
0x88: {  	v15 =	vperm.xlane v14, v3;
	_ =	sdelay $0x1  }
0x89: {  	v14 =	vadd.s32 v15, v14  }
0x8a: {  	v15 =	vperm.xlane v14, v4;
	_ =	sdelay $0x1  }
0x8b: {  	v14 =	vadd.s32 v15, v14  }
0x8c: {  	s16 =	simm.s32 $0x0;
	vm15 =	vlt.s32 v14, v11  }
0x8d: {  	v15 =	vld [tilespmem:s16+$0x2280];
	v12 =	vsel vm15, v12, v13  }
0x8e: {  	s15 =	simm.s32 $0x40;
	v14 =	vimm.s32 $0x0;
	v13 =	vor.u32 $0x2000000, v12  }
.LBB2_12:
0x8f: {  	p0 =	sne.s32 s15, $0x8840  }
.Ltmp5:
0x90: {  	_ = 	snop;
	(pc) =	sbr.rel @p0 .LBB2_12-.Ltmp5, $4  }
0x91: {  	_ = 	snop  }
0x92: {  	s16 =	sshra.s32 s15, $0x2;
	s15 =	sadd.s32 $0x40, s15;
	vm0 =	vge.s32 v15, v13  }
0x93: {  	v15 =	vld [tilespmem:s16+$0x2280];
	v16 =	vsel vm0, $0x1, v0  }
0x94: {  	v14 =	vadd.s32 v16, v14  }
0x95: {  	_ =	sdelay $0x2  }
0x96: {  	vm0 =	vge.s32 v15, v13  }
0x97: {  	v15 =	vsel vm0, $0x1, v0  }
0x98: {  	v14 =	vadd.s32 v15, v14  }
0x99: {  	v15 =	vperm.xlane v14, v1;
	_ =	sdelay $0x1  }
0x9a: {  	v14 =	vadd.s32 v14, v15  }
0x9b: {  	v15 =	vperm.xlane v14, v2;
	_ =	sdelay $0x1  }
0x9c: {  	v14 =	vadd.s32 v15, v14  }
0x9d: {  	v15 =	vperm.xlane v14, v3;
	_ =	sdelay $0x1  }
0x9e: {  	v14 =	vadd.s32 v15, v14  }
0x9f: {  	v15 =	vperm.xlane v14, v4;
	_ =	sdelay $0x1  }
0xa0: {  	v14 =	vadd.s32 v15, v14  }
0xa1: {  	s16 =	simm.s32 $0x0;
	vm15 =	vlt.s32 v14, v11  }
0xa2: {  	v15 =	vld [tilespmem:s16+$0x2280];
	v12 =	vsel vm15, v12, v13  }
0xa3: {  	s15 =	simm.s32 $0x40;
	v14 =	vimm.s32 $0x0;
	v13 =	vor.u32 $0x1000000, v12  }
.LBB2_14:
0xa4: {  	p0 =	sne.s32 s15, $0x8840  }
.Ltmp6:
0xa5: {  	_ = 	snop;
	(pc) =	sbr.rel @p0 .LBB2_14-.Ltmp6, $4  }
0xa6: {  	_ = 	snop  }
0xa7: {  	s16 =	sshra.s32 s15, $0x2;
	s15 =	sadd.s32 $0x40, s15;
	vm0 =	vge.s32 v15, v13  }
0xa8: {  	v15 =	vld [tilespmem:s16+$0x2280];
	v16 =	vsel vm0, $0x1, v0  }
0xa9: {  	v14 =	vadd.s32 v16, v14  }
0xaa: {  	_ =	sdelay $0x2  }
0xab: {  	vm0 =	vge.s32 v15, v13  }
0xac: {  	v15 =	vsel vm0, $0x1, v0  }
0xad: {  	v14 =	vadd.s32 v15, v14  }
0xae: {  	v15 =	vperm.xlane v14, v1;
	_ =	sdelay $0x1  }
0xaf: {  	v14 =	vadd.s32 v14, v15  }
0xb0: {  	v15 =	vperm.xlane v14, v2;
	_ =	sdelay $0x1  }
0xb1: {  	v14 =	vadd.s32 v15, v14  }
0xb2: {  	v15 =	vperm.xlane v14, v3;
	_ =	sdelay $0x1  }
0xb3: {  	v14 =	vadd.s32 v15, v14  }
0xb4: {  	v15 =	vperm.xlane v14, v4;
	_ =	sdelay $0x1  }
0xb5: {  	v14 =	vadd.s32 v15, v14  }
0xb6: {  	s16 =	simm.s32 $0x0;
	vm15 =	vlt.s32 v14, v11  }
0xb7: {  	v15 =	vld [tilespmem:s16+$0x2280];
	v12 =	vsel vm15, v12, v13  }
0xb8: {  	s15 =	simm.s32 $0x40;
	v14 =	vimm.s32 $0x0;
	v13 =	vor.u32 $0x800000, v12  }
.LBB2_16:
0xb9: {  	p0 =	sne.s32 s15, $0x8840  }
.Ltmp7:
0xba: {  	_ = 	snop;
	(pc) =	sbr.rel @p0 .LBB2_16-.Ltmp7, $4  }
0xbb: {  	_ = 	snop  }
0xbc: {  	s16 =	sshra.s32 s15, $0x2;
	s15 =	sadd.s32 $0x40, s15;
	vm0 =	vge.s32 v15, v13  }
0xbd: {  	v15 =	vld [tilespmem:s16+$0x2280];
	v16 =	vsel vm0, $0x1, v0  }
0xbe: {  	v14 =	vadd.s32 v16, v14  }
0xbf: {  	_ =	sdelay $0x2  }
0xc0: {  	vm0 =	vge.s32 v15, v13  }
0xc1: {  	v15 =	vsel vm0, $0x1, v0  }
0xc2: {  	v14 =	vadd.s32 v15, v14  }
0xc3: {  	v15 =	vperm.xlane v14, v1;
	_ =	sdelay $0x1  }
0xc4: {  	v14 =	vadd.s32 v14, v15  }
0xc5: {  	v15 =	vperm.xlane v14, v2;
	_ =	sdelay $0x1  }
0xc6: {  	v14 =	vadd.s32 v15, v14  }
0xc7: {  	v15 =	vperm.xlane v14, v3;
	_ =	sdelay $0x1  }
0xc8: {  	v14 =	vadd.s32 v15, v14  }
0xc9: {  	v15 =	vperm.xlane v14, v4;
	_ =	sdelay $0x1  }
0xca: {  	v14 =	vadd.s32 v15, v14  }
0xcb: {  	s16 =	simm.s32 $0x0;
	vm15 =	vlt.s32 v14, v11  }
0xcc: {  	v15 =	vld [tilespmem:s16+$0x2280];
	v12 =	vsel vm15, v12, v13  }
0xcd: {  	s15 =	simm.s32 $0x40;
	v14 =	vimm.s32 $0x0;
	v13 =	vor.u32 $0x400000, v12  }
.LBB2_18:
0xce: {  	p0 =	sne.s32 s15, $0x8840  }
.Ltmp8:
0xcf: {  	_ = 	snop;
	(pc) =	sbr.rel @p0 .LBB2_18-.Ltmp8, $4  }
0xd0: {  	_ = 	snop  }
0xd1: {  	s16 =	sshra.s32 s15, $0x2;
	s15 =	sadd.s32 $0x40, s15;
	vm0 =	vge.s32 v15, v13  }
0xd2: {  	v15 =	vld [tilespmem:s16+$0x2280];
	v16 =	vsel vm0, $0x1, v0  }
0xd3: {  	v14 =	vadd.s32 v16, v14  }
0xd4: {  	_ =	sdelay $0x2  }
0xd5: {  	vm0 =	vge.s32 v15, v13  }
0xd6: {  	v15 =	vsel vm0, $0x1, v0  }
0xd7: {  	v14 =	vadd.s32 v15, v14  }
0xd8: {  	v15 =	vperm.xlane v14, v1;
	_ =	sdelay $0x1  }
0xd9: {  	v14 =	vadd.s32 v14, v15  }
0xda: {  	v15 =	vperm.xlane v14, v2;
	_ =	sdelay $0x1  }
0xdb: {  	v14 =	vadd.s32 v15, v14  }
0xdc: {  	v15 =	vperm.xlane v14, v3;
	_ =	sdelay $0x1  }
0xdd: {  	v14 =	vadd.s32 v15, v14  }
0xde: {  	v15 =	vperm.xlane v14, v4;
	_ =	sdelay $0x1  }
0xdf: {  	v14 =	vadd.s32 v15, v14  }
0xe0: {  	s16 =	simm.s32 $0x0;
	vm15 =	vlt.s32 v14, v11  }
0xe1: {  	v15 =	vld [tilespmem:s16+$0x2280];
	v12 =	vsel vm15, v12, v13  }
0xe2: {  	s15 =	simm.s32 $0x40;
	v14 =	vimm.s32 $0x0;
	v13 =	vor.u32 $0x200000, v12  }
.LBB2_20:
0xe3: {  	p0 =	sne.s32 s15, $0x8840  }
.Ltmp9:
0xe4: {  	_ = 	snop;
	(pc) =	sbr.rel @p0 .LBB2_20-.Ltmp9, $4  }
0xe5: {  	_ = 	snop  }
0xe6: {  	s16 =	sshra.s32 s15, $0x2;
	s15 =	sadd.s32 $0x40, s15;
	vm0 =	vge.s32 v15, v13  }
0xe7: {  	v15 =	vld [tilespmem:s16+$0x2280];
	v16 =	vsel vm0, $0x1, v0  }
0xe8: {  	v14 =	vadd.s32 v16, v14  }
0xe9: {  	_ =	sdelay $0x2  }
0xea: {  	vm0 =	vge.s32 v15, v13  }
0xeb: {  	v15 =	vsel vm0, $0x1, v0  }
0xec: {  	v14 =	vadd.s32 v15, v14  }
0xed: {  	v15 =	vperm.xlane v14, v1;
	_ =	sdelay $0x1  }
0xee: {  	v14 =	vadd.s32 v14, v15  }
0xef: {  	v15 =	vperm.xlane v14, v2;
	_ =	sdelay $0x1  }
0xf0: {  	v14 =	vadd.s32 v15, v14  }
0xf1: {  	v15 =	vperm.xlane v14, v3;
	_ =	sdelay $0x1  }
0xf2: {  	v14 =	vadd.s32 v15, v14  }
0xf3: {  	v15 =	vperm.xlane v14, v4;
	_ =	sdelay $0x1  }
0xf4: {  	v14 =	vadd.s32 v15, v14  }
0xf5: {  	s16 =	simm.s32 $0x0;
	vm15 =	vlt.s32 v14, v11  }
0xf6: {  	v15 =	vld [tilespmem:s16+$0x2280];
	v12 =	vsel vm15, v12, v13  }
0xf7: {  	s15 =	simm.s32 $0x40;
	v14 =	vimm.s32 $0x0;
	v13 =	vor.u32 $0x100000, v12  }
.LBB2_22:
0xf8: {  	p0 =	sne.s32 s15, $0x8840  }
.Ltmp10:
0xf9: {  	_ = 	snop;
	(pc) =	sbr.rel @p0 .LBB2_22-.Ltmp10, $4  }
0xfa: {  	_ = 	snop  }
0xfb: {  	s16 =	sshra.s32 s15, $0x2;
	s15 =	sadd.s32 $0x40, s15;
	vm0 =	vge.s32 v15, v13  }
0xfc: {  	v15 =	vld [tilespmem:s16+$0x2280];
	v16 =	vsel vm0, $0x1, v0  }
0xfd: {  	v14 =	vadd.s32 v16, v14  }
0xfe: {  	_ =	sdelay $0x2  }
0xff: {  	vm0 =	vge.s32 v15, v13  }
0x100: {  	v15 =	vsel vm0, $0x1, v0  }
0x101: {  	v14 =	vadd.s32 v15, v14  }
0x102: {  	v15 =	vperm.xlane v14, v1;
	_ =	sdelay $0x1  }
0x103: {  	v14 =	vadd.s32 v14, v15  }
0x104: {  	v15 =	vperm.xlane v14, v2;
	_ =	sdelay $0x1  }
0x105: {  	v14 =	vadd.s32 v15, v14  }
0x106: {  	v15 =	vperm.xlane v14, v3;
	_ =	sdelay $0x1  }
0x107: {  	v14 =	vadd.s32 v15, v14  }
0x108: {  	v15 =	vperm.xlane v14, v4;
	_ =	sdelay $0x1  }
0x109: {  	v14 =	vadd.s32 v15, v14  }
0x10a: {  	s16 =	simm.s32 $0x0;
	vm15 =	vlt.s32 v14, v11  }
0x10b: {  	v15 =	vld [tilespmem:s16+$0x2280];
	v12 =	vsel vm15, v12, v13  }
0x10c: {  	s15 =	simm.s32 $0x40;
	v14 =	vimm.s32 $0x0;
	v13 =	vor.u32 $0x80000, v12  }
.LBB2_24:
0x10d: {  	p0 =	sne.s32 s15, $0x8840  }
.Ltmp11:
0x10e: {  	_ = 	snop;
	(pc) =	sbr.rel @p0 .LBB2_24-.Ltmp11, $4  }
0x10f: {  	_ = 	snop  }
0x110: {  	s16 =	sshra.s32 s15, $0x2;
	s15 =	sadd.s32 $0x40, s15;
	vm0 =	vge.s32 v15, v13  }
0x111: {  	v15 =	vld [tilespmem:s16+$0x2280];
	v16 =	vsel vm0, $0x1, v0  }
0x112: {  	v14 =	vadd.s32 v16, v14  }
0x113: {  	_ =	sdelay $0x2  }
0x114: {  	vm0 =	vge.s32 v15, v13  }
0x115: {  	v15 =	vsel vm0, $0x1, v0  }
0x116: {  	v14 =	vadd.s32 v15, v14  }
0x117: {  	v15 =	vperm.xlane v14, v1;
	_ =	sdelay $0x1  }
0x118: {  	v14 =	vadd.s32 v14, v15  }
0x119: {  	v15 =	vperm.xlane v14, v2;
	_ =	sdelay $0x1  }
0x11a: {  	v14 =	vadd.s32 v15, v14  }
0x11b: {  	v15 =	vperm.xlane v14, v3;
	_ =	sdelay $0x1  }
0x11c: {  	v14 =	vadd.s32 v15, v14  }
0x11d: {  	v15 =	vperm.xlane v14, v4;
	_ =	sdelay $0x1  }
0x11e: {  	v14 =	vadd.s32 v15, v14  }
0x11f: {  	s16 =	simm.s32 $0x0;
	vm15 =	vlt.s32 v14, v11  }
0x120: {  	v15 =	vld [tilespmem:s16+$0x2280];
	v12 =	vsel vm15, v12, v13  }
0x121: {  	s15 =	simm.s32 $0x40;
	v14 =	vimm.s32 $0x0;
	v13 =	vor.u32 $0x40000, v12  }
.LBB2_26:
0x122: {  	p0 =	sne.s32 s15, $0x8840  }
.Ltmp12:
0x123: {  	_ = 	snop;
	(pc) =	sbr.rel @p0 .LBB2_26-.Ltmp12, $4  }
0x124: {  	_ = 	snop  }
0x125: {  	s16 =	sshra.s32 s15, $0x2;
	s15 =	sadd.s32 $0x40, s15;
	vm0 =	vge.s32 v15, v13  }
0x126: {  	v15 =	vld [tilespmem:s16+$0x2280];
	v16 =	vsel vm0, $0x1, v0  }
0x127: {  	v14 =	vadd.s32 v16, v14  }
0x128: {  	_ =	sdelay $0x2  }
0x129: {  	vm0 =	vge.s32 v15, v13  }
0x12a: {  	v15 =	vsel vm0, $0x1, v0  }
0x12b: {  	v14 =	vadd.s32 v15, v14  }
0x12c: {  	v15 =	vperm.xlane v14, v1;
	_ =	sdelay $0x1  }
0x12d: {  	v14 =	vadd.s32 v14, v15  }
0x12e: {  	v15 =	vperm.xlane v14, v2;
	_ =	sdelay $0x1  }
0x12f: {  	v14 =	vadd.s32 v15, v14  }
0x130: {  	v15 =	vperm.xlane v14, v3;
	_ =	sdelay $0x1  }
0x131: {  	v14 =	vadd.s32 v15, v14  }
0x132: {  	v15 =	vperm.xlane v14, v4;
	_ =	sdelay $0x1  }
0x133: {  	v14 =	vadd.s32 v15, v14  }
0x134: {  	s16 =	simm.s32 $0x0;
	vm15 =	vlt.s32 v14, v11  }
0x135: {  	v15 =	vld [tilespmem:s16+$0x2280];
	v12 =	vsel vm15, v12, v13  }
0x136: {  	s15 =	simm.s32 $0x40;
	v14 =	vimm.s32 $0x0;
	v13 =	vor.u32 $0x20000, v12  }
.LBB2_28:
0x137: {  	p0 =	sne.s32 s15, $0x8840  }
.Ltmp13:
0x138: {  	_ = 	snop;
	(pc) =	sbr.rel @p0 .LBB2_28-.Ltmp13, $4  }
0x139: {  	_ = 	snop  }
0x13a: {  	s16 =	sshra.s32 s15, $0x2;
	s15 =	sadd.s32 $0x40, s15;
	vm0 =	vge.s32 v15, v13  }
0x13b: {  	v15 =	vld [tilespmem:s16+$0x2280];
	v16 =	vsel vm0, $0x1, v0  }
0x13c: {  	v14 =	vadd.s32 v16, v14  }
0x13d: {  	_ =	sdelay $0x2  }
0x13e: {  	vm0 =	vge.s32 v15, v13  }
0x13f: {  	v15 =	vsel vm0, $0x1, v0  }
0x140: {  	v14 =	vadd.s32 v15, v14  }
0x141: {  	v15 =	vperm.xlane v14, v1;
	_ =	sdelay $0x1  }
0x142: {  	v14 =	vadd.s32 v14, v15  }
0x143: {  	v15 =	vperm.xlane v14, v2;
	_ =	sdelay $0x1  }
0x144: {  	v14 =	vadd.s32 v15, v14  }
0x145: {  	v15 =	vperm.xlane v14, v3;
	_ =	sdelay $0x1  }
0x146: {  	v14 =	vadd.s32 v15, v14  }
0x147: {  	v15 =	vperm.xlane v14, v4;
	_ =	sdelay $0x1  }
0x148: {  	v14 =	vadd.s32 v15, v14  }
0x149: {  	s16 =	simm.s32 $0x0;
	vm15 =	vlt.s32 v14, v11  }
0x14a: {  	v15 =	vld [tilespmem:s16+$0x2280];
	v12 =	vsel vm15, v12, v13  }
0x14b: {  	s15 =	simm.s32 $0x40;
	v14 =	vimm.s32 $0x0;
	v13 =	vor.u32 $0x10000, v12  }
.LBB2_30:
0x14c: {  	p0 =	sne.s32 s15, $0x8840  }
.Ltmp14:
0x14d: {  	_ = 	snop;
	(pc) =	sbr.rel @p0 .LBB2_30-.Ltmp14, $4  }
0x14e: {  	_ = 	snop  }
0x14f: {  	s16 =	sshra.s32 s15, $0x2;
	s15 =	sadd.s32 $0x40, s15;
	vm0 =	vge.s32 v15, v13  }
0x150: {  	v15 =	vld [tilespmem:s16+$0x2280];
	v16 =	vsel vm0, $0x1, v0  }
0x151: {  	v14 =	vadd.s32 v16, v14  }
0x152: {  	_ =	sdelay $0x2  }
0x153: {  	vm0 =	vge.s32 v15, v13  }
0x154: {  	v15 =	vsel vm0, $0x1, v0  }
0x155: {  	v14 =	vadd.s32 v15, v14  }
0x156: {  	v15 =	vperm.xlane v14, v1;
	_ =	sdelay $0x1  }
0x157: {  	v14 =	vadd.s32 v14, v15  }
0x158: {  	v15 =	vperm.xlane v14, v2;
	_ =	sdelay $0x1  }
0x159: {  	v14 =	vadd.s32 v15, v14  }
0x15a: {  	v15 =	vperm.xlane v14, v3;
	_ =	sdelay $0x1  }
0x15b: {  	v14 =	vadd.s32 v15, v14  }
0x15c: {  	v15 =	vperm.xlane v14, v4;
	_ =	sdelay $0x1  }
0x15d: {  	v14 =	vadd.s32 v15, v14  }
0x15e: {  	s16 =	simm.s32 $0x0;
	vm15 =	vlt.s32 v14, v11  }
0x15f: {  	v15 =	vld [tilespmem:s16+$0x2280];
	v12 =	vsel vm15, v12, v13  }
0x160: {  	s15 =	simm.s32 $0x40;
	v14 =	vimm.s32 $0x0;
	v13 =	vor.u32 $0x8000, v12  }
.LBB2_32:
0x161: {  	p0 =	sne.s32 s15, $0x8840  }
.Ltmp15:
0x162: {  	_ = 	snop;
	(pc) =	sbr.rel @p0 .LBB2_32-.Ltmp15, $4  }
0x163: {  	_ = 	snop  }
0x164: {  	s16 =	sshra.s32 s15, $0x2;
	s15 =	sadd.s32 $0x40, s15;
	vm0 =	vge.s32 v15, v13  }
0x165: {  	v15 =	vld [tilespmem:s16+$0x2280];
	v16 =	vsel vm0, $0x1, v0  }
0x166: {  	v14 =	vadd.s32 v16, v14  }
0x167: {  	_ =	sdelay $0x2  }
0x168: {  	vm0 =	vge.s32 v15, v13  }
0x169: {  	v15 =	vsel vm0, $0x1, v0  }
0x16a: {  	v14 =	vadd.s32 v15, v14  }
0x16b: {  	v15 =	vperm.xlane v14, v1;
	_ =	sdelay $0x1  }
0x16c: {  	v14 =	vadd.s32 v14, v15  }
0x16d: {  	v15 =	vperm.xlane v14, v2;
	_ =	sdelay $0x1  }
0x16e: {  	v14 =	vadd.s32 v15, v14  }
0x16f: {  	v15 =	vperm.xlane v14, v3;
	_ =	sdelay $0x1  }
0x170: {  	v14 =	vadd.s32 v15, v14  }
0x171: {  	v15 =	vperm.xlane v14, v4;
	_ =	sdelay $0x1  }
0x172: {  	v14 =	vadd.s32 v15, v14  }
0x173: {  	s16 =	simm.s32 $0x0;
	vm15 =	vlt.s32 v14, v11  }
0x174: {  	v15 =	vld [tilespmem:s16+$0x2280];
	v12 =	vsel vm15, v12, v13  }
0x175: {  	s15 =	simm.s32 $0x40;
	v14 =	vimm.s32 $0x0;
	v13 =	vor.u32 $0x4000, v12  }
.LBB2_34:
0x176: {  	p0 =	sne.s32 s15, $0x8840  }
.Ltmp16:
0x177: {  	_ = 	snop;
	(pc) =	sbr.rel @p0 .LBB2_34-.Ltmp16, $4  }
0x178: {  	_ = 	snop  }
0x179: {  	s16 =	sshra.s32 s15, $0x2;
	s15 =	sadd.s32 $0x40, s15;
	vm0 =	vge.s32 v15, v13  }
0x17a: {  	v15 =	vld [tilespmem:s16+$0x2280];
	v16 =	vsel vm0, $0x1, v0  }
0x17b: {  	v14 =	vadd.s32 v16, v14  }
0x17c: {  	_ =	sdelay $0x2  }
0x17d: {  	vm0 =	vge.s32 v15, v13  }
0x17e: {  	v15 =	vsel vm0, $0x1, v0  }
0x17f: {  	v14 =	vadd.s32 v15, v14  }
0x180: {  	v15 =	vperm.xlane v14, v1;
	_ =	sdelay $0x1  }
0x181: {  	v14 =	vadd.s32 v14, v15  }
0x182: {  	v15 =	vperm.xlane v14, v2;
	_ =	sdelay $0x1  }
0x183: {  	v14 =	vadd.s32 v15, v14  }
0x184: {  	v15 =	vperm.xlane v14, v3;
	_ =	sdelay $0x1  }
0x185: {  	v14 =	vadd.s32 v15, v14  }
0x186: {  	v15 =	vperm.xlane v14, v4;
	_ =	sdelay $0x1  }
0x187: {  	v14 =	vadd.s32 v15, v14  }
0x188: {  	s16 =	simm.s32 $0x0;
	vm15 =	vlt.s32 v14, v11  }
0x189: {  	v15 =	vld [tilespmem:s16+$0x2280];
	v12 =	vsel vm15, v12, v13  }
0x18a: {  	s15 =	simm.s32 $0x40;
	v14 =	vimm.s32 $0x0;
	v13 =	vor.u32 $0x2000, v12  }
.LBB2_36:
0x18b: {  	p0 =	sne.s32 s15, $0x8840  }
.Ltmp17:
0x18c: {  	_ = 	snop;
	(pc) =	sbr.rel @p0 .LBB2_36-.Ltmp17, $4  }
0x18d: {  	_ = 	snop  }
0x18e: {  	s16 =	sshra.s32 s15, $0x2;
	s15 =	sadd.s32 $0x40, s15;
	vm0 =	vge.s32 v15, v13  }
0x18f: {  	v15 =	vld [tilespmem:s16+$0x2280];
	v16 =	vsel vm0, $0x1, v0  }
0x190: {  	v14 =	vadd.s32 v16, v14  }
0x191: {  	_ =	sdelay $0x2  }
0x192: {  	vm0 =	vge.s32 v15, v13  }
0x193: {  	v15 =	vsel vm0, $0x1, v0  }
0x194: {  	v14 =	vadd.s32 v15, v14  }
0x195: {  	v15 =	vperm.xlane v14, v1;
	_ =	sdelay $0x1  }
0x196: {  	v14 =	vadd.s32 v14, v15  }
0x197: {  	v15 =	vperm.xlane v14, v2;
	_ =	sdelay $0x1  }
0x198: {  	v14 =	vadd.s32 v15, v14  }
0x199: {  	v15 =	vperm.xlane v14, v3;
	_ =	sdelay $0x1  }
0x19a: {  	v14 =	vadd.s32 v15, v14  }
0x19b: {  	v15 =	vperm.xlane v14, v4;
	_ =	sdelay $0x1  }
0x19c: {  	v14 =	vadd.s32 v15, v14  }
0x19d: {  	s16 =	simm.s32 $0x0;
	vm15 =	vlt.s32 v14, v11  }
0x19e: {  	v15 =	vld [tilespmem:s16+$0x2280];
	v12 =	vsel vm15, v12, v13  }
0x19f: {  	s15 =	simm.s32 $0x40;
	v14 =	vimm.s32 $0x0;
	v13 =	vor.u32 $0x1000, v12  }
.LBB2_38:
0x1a0: {  	p0 =	sne.s32 s15, $0x8840  }
.Ltmp18:
0x1a1: {  	_ = 	snop;
	(pc) =	sbr.rel @p0 .LBB2_38-.Ltmp18, $4  }
0x1a2: {  	_ = 	snop  }
0x1a3: {  	s16 =	sshra.s32 s15, $0x2;
	s15 =	sadd.s32 $0x40, s15;
	vm0 =	vge.s32 v15, v13  }
0x1a4: {  	v15 =	vld [tilespmem:s16+$0x2280];
	v16 =	vsel vm0, $0x1, v0  }
0x1a5: {  	v14 =	vadd.s32 v16, v14  }
0x1a6: {  	_ =	sdelay $0x2  }
0x1a7: {  	vm0 =	vge.s32 v15, v13  }
0x1a8: {  	v15 =	vsel vm0, $0x1, v0  }
0x1a9: {  	v14 =	vadd.s32 v15, v14  }
0x1aa: {  	v15 =	vperm.xlane v14, v1;
	_ =	sdelay $0x1  }
0x1ab: {  	v14 =	vadd.s32 v14, v15  }
0x1ac: {  	v15 =	vperm.xlane v14, v2;
	_ =	sdelay $0x1  }
0x1ad: {  	v14 =	vadd.s32 v15, v14  }
0x1ae: {  	v15 =	vperm.xlane v14, v3;
	_ =	sdelay $0x1  }
0x1af: {  	v14 =	vadd.s32 v15, v14  }
0x1b0: {  	v15 =	vperm.xlane v14, v4;
	_ =	sdelay $0x1  }
0x1b1: {  	v14 =	vadd.s32 v15, v14  }
0x1b2: {  	s16 =	simm.s32 $0x0;
	vm15 =	vlt.s32 v14, v11  }
0x1b3: {  	v15 =	vld [tilespmem:s16+$0x2280];
	v12 =	vsel vm15, v12, v13  }
0x1b4: {  	s15 =	simm.s32 $0x40;
	v14 =	vimm.s32 $0x0;
	v13 =	vor.u32 $0x800, v12  }
.LBB2_40:
0x1b5: {  	p0 =	sne.s32 s15, $0x8840  }
.Ltmp19:
0x1b6: {  	_ = 	snop;
	(pc) =	sbr.rel @p0 .LBB2_40-.Ltmp19, $4  }
0x1b7: {  	_ = 	snop  }
0x1b8: {  	s16 =	sshra.s32 s15, $0x2;
	s15 =	sadd.s32 $0x40, s15;
	vm0 =	vge.s32 v15, v13  }
0x1b9: {  	v15 =	vld [tilespmem:s16+$0x2280];
	v16 =	vsel vm0, $0x1, v0  }
0x1ba: {  	v14 =	vadd.s32 v16, v14  }
0x1bb: {  	_ =	sdelay $0x2  }
0x1bc: {  	vm0 =	vge.s32 v15, v13  }
0x1bd: {  	v15 =	vsel vm0, $0x1, v0  }
0x1be: {  	v14 =	vadd.s32 v15, v14  }
0x1bf: {  	v15 =	vperm.xlane v14, v1;
	_ =	sdelay $0x1  }
0x1c0: {  	v14 =	vadd.s32 v14, v15  }
0x1c1: {  	v15 =	vperm.xlane v14, v2;
	_ =	sdelay $0x1  }
0x1c2: {  	v14 =	vadd.s32 v15, v14  }
0x1c3: {  	v15 =	vperm.xlane v14, v3;
	_ =	sdelay $0x1  }
0x1c4: {  	v14 =	vadd.s32 v15, v14  }
0x1c5: {  	v15 =	vperm.xlane v14, v4;
	_ =	sdelay $0x1  }
0x1c6: {  	v14 =	vadd.s32 v15, v14  }
0x1c7: {  	s16 =	simm.s32 $0x0;
	vm15 =	vlt.s32 v14, v11  }
0x1c8: {  	v15 =	vld [tilespmem:s16+$0x2280];
	v12 =	vsel vm15, v12, v13  }
0x1c9: {  	s15 =	simm.s32 $0x40;
	v14 =	vimm.s32 $0x0;
	v13 =	vor.u32 $0x400, v12  }
.LBB2_42:
0x1ca: {  	p0 =	sne.s32 s15, $0x8840  }
.Ltmp20:
0x1cb: {  	_ = 	snop;
	(pc) =	sbr.rel @p0 .LBB2_42-.Ltmp20, $4  }
0x1cc: {  	_ = 	snop  }
0x1cd: {  	s16 =	sshra.s32 s15, $0x2;
	s15 =	sadd.s32 $0x40, s15;
	vm0 =	vge.s32 v15, v13  }
0x1ce: {  	v15 =	vld [tilespmem:s16+$0x2280];
	v16 =	vsel vm0, $0x1, v0  }
0x1cf: {  	v14 =	vadd.s32 v16, v14  }
0x1d0: {  	_ =	sdelay $0x2  }
0x1d1: {  	vm0 =	vge.s32 v15, v13  }
0x1d2: {  	v15 =	vsel vm0, $0x1, v0  }
0x1d3: {  	v14 =	vadd.s32 v15, v14  }
0x1d4: {  	v15 =	vperm.xlane v14, v1;
	_ =	sdelay $0x1  }
0x1d5: {  	v14 =	vadd.s32 v14, v15  }
0x1d6: {  	v15 =	vperm.xlane v14, v2;
	_ =	sdelay $0x1  }
0x1d7: {  	v14 =	vadd.s32 v15, v14  }
0x1d8: {  	v15 =	vperm.xlane v14, v3;
	_ =	sdelay $0x1  }
0x1d9: {  	v14 =	vadd.s32 v15, v14  }
0x1da: {  	v15 =	vperm.xlane v14, v4;
	_ =	sdelay $0x1  }
0x1db: {  	v14 =	vadd.s32 v15, v14  }
0x1dc: {  	s16 =	simm.s32 $0x0;
	vm15 =	vlt.s32 v14, v11  }
0x1dd: {  	v15 =	vld [tilespmem:s16+$0x2280];
	v12 =	vsel vm15, v12, v13  }
0x1de: {  	s15 =	simm.s32 $0x40;
	v14 =	vimm.s32 $0x0;
	v13 =	vor.u32 $0x200, v12  }
.LBB2_44:
0x1df: {  	p0 =	sne.s32 s15, $0x8840  }
.Ltmp21:
0x1e0: {  	_ = 	snop;
	(pc) =	sbr.rel @p0 .LBB2_44-.Ltmp21, $4  }
0x1e1: {  	_ = 	snop  }
0x1e2: {  	s16 =	sshra.s32 s15, $0x2;
	s15 =	sadd.s32 $0x40, s15;
	vm0 =	vge.s32 v15, v13  }
0x1e3: {  	v15 =	vld [tilespmem:s16+$0x2280];
	v16 =	vsel vm0, $0x1, v0  }
0x1e4: {  	v14 =	vadd.s32 v16, v14  }
0x1e5: {  	_ =	sdelay $0x2  }
0x1e6: {  	vm0 =	vge.s32 v15, v13  }
0x1e7: {  	v15 =	vsel vm0, $0x1, v0  }
0x1e8: {  	v14 =	vadd.s32 v15, v14  }
0x1e9: {  	v15 =	vperm.xlane v14, v1;
	_ =	sdelay $0x1  }
0x1ea: {  	v14 =	vadd.s32 v14, v15  }
0x1eb: {  	v15 =	vperm.xlane v14, v2;
	_ =	sdelay $0x1  }
0x1ec: {  	v14 =	vadd.s32 v15, v14  }
0x1ed: {  	v15 =	vperm.xlane v14, v3;
	_ =	sdelay $0x1  }
0x1ee: {  	v14 =	vadd.s32 v15, v14  }
0x1ef: {  	v15 =	vperm.xlane v14, v4;
	_ =	sdelay $0x1  }
0x1f0: {  	v14 =	vadd.s32 v15, v14  }
0x1f1: {  	s16 =	simm.s32 $0x0;
	vm15 =	vlt.s32 v14, v11  }
0x1f2: {  	v15 =	vld [tilespmem:s16+$0x2280];
	v12 =	vsel vm15, v12, v13  }
0x1f3: {  	s15 =	simm.s32 $0x40;
	v14 =	vimm.s32 $0x0;
	v13 =	vor.u32 $0x100, v12  }
.LBB2_46:
0x1f4: {  	p0 =	sne.s32 s15, $0x8840  }
.Ltmp22:
0x1f5: {  	_ = 	snop;
	(pc) =	sbr.rel @p0 .LBB2_46-.Ltmp22, $4  }
0x1f6: {  	_ = 	snop  }
0x1f7: {  	s16 =	sshra.s32 s15, $0x2;
	s15 =	sadd.s32 $0x40, s15;
	vm0 =	vge.s32 v15, v13  }
0x1f8: {  	v15 =	vld [tilespmem:s16+$0x2280];
	v16 =	vsel vm0, $0x1, v0  }
0x1f9: {  	v14 =	vadd.s32 v16, v14  }
0x1fa: {  	_ =	sdelay $0x2  }
0x1fb: {  	vm0 =	vge.s32 v15, v13  }
0x1fc: {  	v15 =	vsel vm0, $0x1, v0  }
0x1fd: {  	v14 =	vadd.s32 v15, v14  }
0x1fe: {  	v15 =	vperm.xlane v14, v1;
	_ =	sdelay $0x1  }
0x1ff: {  	v14 =	vadd.s32 v14, v15  }
0x200: {  	v15 =	vperm.xlane v14, v2;
	_ =	sdelay $0x1  }
0x201: {  	v14 =	vadd.s32 v15, v14  }
0x202: {  	v15 =	vperm.xlane v14, v3;
	_ =	sdelay $0x1  }
0x203: {  	v14 =	vadd.s32 v15, v14  }
0x204: {  	v15 =	vperm.xlane v14, v4;
	_ =	sdelay $0x1  }
0x205: {  	v14 =	vadd.s32 v15, v14  }
0x206: {  	s16 =	simm.s32 $0x0;
	vm15 =	vlt.s32 v14, v11  }
0x207: {  	v15 =	vld [tilespmem:s16+$0x2280];
	v12 =	vsel vm15, v12, v13  }
0x208: {  	s15 =	simm.s32 $0x40;
	v14 =	vimm.s32 $0x0;
	v13 =	vor.u32 $0x80, v12  }
.LBB2_48:
0x209: {  	p0 =	sne.s32 s15, $0x8840  }
.Ltmp23:
0x20a: {  	_ = 	snop;
	(pc) =	sbr.rel @p0 .LBB2_48-.Ltmp23, $4  }
0x20b: {  	_ = 	snop  }
0x20c: {  	s16 =	sshra.s32 s15, $0x2;
	s15 =	sadd.s32 $0x40, s15;
	vm0 =	vge.s32 v15, v13  }
0x20d: {  	v15 =	vld [tilespmem:s16+$0x2280];
	v16 =	vsel vm0, $0x1, v0  }
0x20e: {  	v14 =	vadd.s32 v16, v14  }
0x20f: {  	_ =	sdelay $0x2  }
0x210: {  	vm0 =	vge.s32 v15, v13  }
0x211: {  	v15 =	vsel vm0, $0x1, v0  }
0x212: {  	v14 =	vadd.s32 v15, v14  }
0x213: {  	v15 =	vperm.xlane v14, v1;
	_ =	sdelay $0x1  }
0x214: {  	v14 =	vadd.s32 v14, v15  }
0x215: {  	v15 =	vperm.xlane v14, v2;
	_ =	sdelay $0x1  }
0x216: {  	v14 =	vadd.s32 v15, v14  }
0x217: {  	v15 =	vperm.xlane v14, v3;
	_ =	sdelay $0x1  }
0x218: {  	v14 =	vadd.s32 v15, v14  }
0x219: {  	v15 =	vperm.xlane v14, v4;
	_ =	sdelay $0x1  }
0x21a: {  	v14 =	vadd.s32 v15, v14  }
0x21b: {  	s16 =	simm.s32 $0x0;
	vm15 =	vlt.s32 v14, v11  }
0x21c: {  	v15 =	vld [tilespmem:s16+$0x2280];
	v12 =	vsel vm15, v12, v13  }
0x21d: {  	s15 =	simm.s32 $0x40;
	v14 =	vimm.s32 $0x0;
	v13 =	vor.u32 $0x40, v12  }
.LBB2_50:
0x21e: {  	p0 =	sne.s32 s15, $0x8840  }
.Ltmp24:
0x21f: {  	_ = 	snop;
	(pc) =	sbr.rel @p0 .LBB2_50-.Ltmp24, $4  }
0x220: {  	_ = 	snop  }
0x221: {  	s16 =	sshra.s32 s15, $0x2;
	s15 =	sadd.s32 $0x40, s15;
	vm0 =	vge.s32 v15, v13  }
0x222: {  	v15 =	vld [tilespmem:s16+$0x2280];
	v16 =	vsel vm0, $0x1, v0  }
0x223: {  	v14 =	vadd.s32 v16, v14  }
0x224: {  	_ =	sdelay $0x2  }
0x225: {  	vm0 =	vge.s32 v15, v13  }
0x226: {  	v15 =	vsel vm0, $0x1, v0  }
0x227: {  	v14 =	vadd.s32 v15, v14  }
0x228: {  	v15 =	vperm.xlane v14, v1;
	_ =	sdelay $0x1  }
0x229: {  	v14 =	vadd.s32 v14, v15  }
0x22a: {  	v15 =	vperm.xlane v14, v2;
	_ =	sdelay $0x1  }
0x22b: {  	v14 =	vadd.s32 v15, v14  }
0x22c: {  	v15 =	vperm.xlane v14, v3;
	_ =	sdelay $0x1  }
0x22d: {  	v14 =	vadd.s32 v15, v14  }
0x22e: {  	v15 =	vperm.xlane v14, v4;
	_ =	sdelay $0x1  }
0x22f: {  	v14 =	vadd.s32 v15, v14  }
0x230: {  	s16 =	simm.s32 $0x0;
	vm15 =	vlt.s32 v14, v11  }
0x231: {  	v15 =	vld [tilespmem:s16+$0x2280];
	v12 =	vsel vm15, v12, v13  }
0x232: {  	s15 =	simm.s32 $0x40;
	v14 =	vimm.s32 $0x0;
	v13 =	vor.u32 $0x20, v12  }
.LBB2_52:
0x233: {  	p0 =	sne.s32 s15, $0x8840  }
.Ltmp25:
0x234: {  	_ = 	snop;
	(pc) =	sbr.rel @p0 .LBB2_52-.Ltmp25, $4  }
0x235: {  	_ = 	snop  }
0x236: {  	s16 =	sshra.s32 s15, $0x2;
	s15 =	sadd.s32 $0x40, s15;
	vm0 =	vge.s32 v15, v13  }
0x237: {  	v15 =	vld [tilespmem:s16+$0x2280];
	v16 =	vsel vm0, $0x1, v0  }
0x238: {  	v14 =	vadd.s32 v16, v14  }
0x239: {  	_ =	sdelay $0x2  }
0x23a: {  	vm0 =	vge.s32 v15, v13  }
0x23b: {  	v15 =	vsel vm0, $0x1, v0  }
0x23c: {  	v14 =	vadd.s32 v15, v14  }
0x23d: {  	v15 =	vperm.xlane v14, v1;
	_ =	sdelay $0x1  }
0x23e: {  	v14 =	vadd.s32 v14, v15  }
0x23f: {  	v15 =	vperm.xlane v14, v2;
	_ =	sdelay $0x1  }
0x240: {  	v14 =	vadd.s32 v15, v14  }
0x241: {  	v15 =	vperm.xlane v14, v3;
	_ =	sdelay $0x1  }
0x242: {  	v14 =	vadd.s32 v15, v14  }
0x243: {  	v15 =	vperm.xlane v14, v4;
	_ =	sdelay $0x1  }
0x244: {  	v14 =	vadd.s32 v15, v14  }
0x245: {  	s16 =	simm.s32 $0x0;
	vm15 =	vlt.s32 v14, v11  }
0x246: {  	v15 =	vld [tilespmem:s16+$0x2280];
	v12 =	vsel vm15, v12, v13  }
0x247: {  	s15 =	simm.s32 $0x40;
	v14 =	vimm.s32 $0x0;
	v13 =	vor.u32 $0x10, v12  }
.LBB2_54:
0x248: {  	p0 =	sne.s32 s15, $0x8840  }
.Ltmp26:
0x249: {  	_ = 	snop;
	(pc) =	sbr.rel @p0 .LBB2_54-.Ltmp26, $4  }
0x24a: {  	_ = 	snop  }
0x24b: {  	s16 =	sshra.s32 s15, $0x2;
	s15 =	sadd.s32 $0x40, s15;
	vm0 =	vge.s32 v15, v13  }
0x24c: {  	v15 =	vld [tilespmem:s16+$0x2280];
	v16 =	vsel vm0, $0x1, v0  }
0x24d: {  	v14 =	vadd.s32 v16, v14  }
0x24e: {  	_ =	sdelay $0x2  }
0x24f: {  	vm0 =	vge.s32 v15, v13  }
0x250: {  	v15 =	vsel vm0, $0x1, v0  }
0x251: {  	v14 =	vadd.s32 v15, v14  }
0x252: {  	v15 =	vperm.xlane v14, v1;
	_ =	sdelay $0x1  }
0x253: {  	v14 =	vadd.s32 v14, v15  }
0x254: {  	v15 =	vperm.xlane v14, v2;
	_ =	sdelay $0x1  }
0x255: {  	v14 =	vadd.s32 v15, v14  }
0x256: {  	v15 =	vperm.xlane v14, v3;
	_ =	sdelay $0x1  }
0x257: {  	v14 =	vadd.s32 v15, v14  }
0x258: {  	v15 =	vperm.xlane v14, v4;
	_ =	sdelay $0x1  }
0x259: {  	v14 =	vadd.s32 v15, v14  }
0x25a: {  	s16 =	simm.s32 $0x0;
	vm15 =	vlt.s32 v14, v11  }
0x25b: {  	v15 =	vld [tilespmem:s16+$0x2280];
	v12 =	vsel vm15, v12, v13  }
0x25c: {  	s15 =	simm.s32 $0x40;
	v14 =	vimm.s32 $0x0;
	v13 =	vor.u32 $0x8, v12  }
.LBB2_56:
0x25d: {  	p0 =	sne.s32 s15, $0x8840  }
.Ltmp27:
0x25e: {  	_ = 	snop;
	(pc) =	sbr.rel @p0 .LBB2_56-.Ltmp27, $4  }
0x25f: {  	_ = 	snop  }
0x260: {  	s16 =	sshra.s32 s15, $0x2;
	s15 =	sadd.s32 $0x40, s15;
	vm0 =	vge.s32 v15, v13  }
0x261: {  	v15 =	vld [tilespmem:s16+$0x2280];
	v16 =	vsel vm0, $0x1, v0  }
0x262: {  	v14 =	vadd.s32 v16, v14  }
0x263: {  	_ =	sdelay $0x2  }
0x264: {  	vm0 =	vge.s32 v15, v13  }
0x265: {  	v15 =	vsel vm0, $0x1, v0  }
0x266: {  	v14 =	vadd.s32 v15, v14  }
0x267: {  	v15 =	vperm.xlane v14, v1;
	_ =	sdelay $0x1  }
0x268: {  	v14 =	vadd.s32 v14, v15  }
0x269: {  	v15 =	vperm.xlane v14, v2;
	_ =	sdelay $0x1  }
0x26a: {  	v14 =	vadd.s32 v15, v14  }
0x26b: {  	v15 =	vperm.xlane v14, v3;
	_ =	sdelay $0x1  }
0x26c: {  	v14 =	vadd.s32 v15, v14  }
0x26d: {  	v15 =	vperm.xlane v14, v4;
	_ =	sdelay $0x1  }
0x26e: {  	v14 =	vadd.s32 v15, v14  }
0x26f: {  	s16 =	simm.s32 $0x0;
	vm15 =	vlt.s32 v14, v11  }
0x270: {  	v15 =	vld [tilespmem:s16+$0x2280];
	v12 =	vsel vm15, v12, v13  }
0x271: {  	s15 =	simm.s32 $0x40;
	v14 =	vimm.s32 $0x0;
	v13 =	vor.u32 $0x4, v12  }
.LBB2_58:
0x272: {  	p0 =	sne.s32 s15, $0x8840  }
.Ltmp28:
0x273: {  	_ = 	snop;
	(pc) =	sbr.rel @p0 .LBB2_58-.Ltmp28, $4  }
0x274: {  	_ = 	snop  }
0x275: {  	s16 =	sshra.s32 s15, $0x2;
	s15 =	sadd.s32 $0x40, s15;
	vm0 =	vge.s32 v15, v13  }
0x276: {  	v15 =	vld [tilespmem:s16+$0x2280];
	v16 =	vsel vm0, $0x1, v0  }
0x277: {  	v14 =	vadd.s32 v16, v14  }
0x278: {  	_ =	sdelay $0x2  }
0x279: {  	vm0 =	vge.s32 v15, v13  }
0x27a: {  	v15 =	vsel vm0, $0x1, v0  }
0x27b: {  	v14 =	vadd.s32 v15, v14  }
0x27c: {  	v15 =	vperm.xlane v14, v1;
	_ =	sdelay $0x1  }
0x27d: {  	v14 =	vadd.s32 v14, v15  }
0x27e: {  	v15 =	vperm.xlane v14, v2;
	_ =	sdelay $0x1  }
0x27f: {  	v14 =	vadd.s32 v15, v14  }
0x280: {  	v15 =	vperm.xlane v14, v3;
	_ =	sdelay $0x1  }
0x281: {  	v14 =	vadd.s32 v15, v14  }
0x282: {  	v15 =	vperm.xlane v14, v4;
	_ =	sdelay $0x1  }
0x283: {  	v14 =	vadd.s32 v15, v14  }
0x284: {  	s16 =	simm.s32 $0x0;
	vm15 =	vlt.s32 v14, v11  }
0x285: {  	v15 =	vld [tilespmem:s16+$0x2280];
	v12 =	vsel vm15, v12, v13  }
0x286: {  	s15 =	simm.s32 $0x40;
	v14 =	vimm.s32 $0x0;
	v13 =	vor.u32 $0x2, v12  }
.LBB2_60:
0x287: {  	p0 =	sne.s32 s15, $0x8840  }
.Ltmp29:
0x288: {  	_ = 	snop;
	(pc) =	sbr.rel @p0 .LBB2_60-.Ltmp29, $4  }
0x289: {  	_ = 	snop  }
0x28a: {  	s16 =	sshra.s32 s15, $0x2;
	s15 =	sadd.s32 $0x40, s15;
	vm0 =	vge.s32 v15, v13  }
0x28b: {  	v15 =	vld [tilespmem:s16+$0x2280];
	v16 =	vsel vm0, $0x1, v0  }
0x28c: {  	v14 =	vadd.s32 v16, v14  }
0x28d: {  	_ =	sdelay $0x2  }
0x28e: {  	vm0 =	vge.s32 v15, v13  }
0x28f: {  	v15 =	vsel vm0, $0x1, v0  }
0x290: {  	v14 =	vadd.s32 v15, v14  }
0x291: {  	v15 =	vperm.xlane v14, v1;
	_ =	sdelay $0x1  }
0x292: {  	v14 =	vadd.s32 v14, v15  }
0x293: {  	v15 =	vperm.xlane v14, v2;
	_ =	sdelay $0x1  }
0x294: {  	v14 =	vadd.s32 v15, v14  }
0x295: {  	v15 =	vperm.xlane v14, v3;
	_ =	sdelay $0x1  }
0x296: {  	v14 =	vadd.s32 v15, v14  }
0x297: {  	v15 =	vperm.xlane v14, v4;
	_ =	sdelay $0x1  }
0x298: {  	v14 =	vadd.s32 v15, v14  }
0x299: {  	s16 =	simm.s32 $0x0;
	vm15 =	vlt.s32 v14, v11  }
0x29a: {  	v15 =	vld [tilespmem:s16+$0x2280];
	v12 =	vsel vm15, v12, v13  }
0x29b: {  	s15 =	simm.s32 $0x40;
	v14 =	vimm.s32 $0x0;
	v13 =	vor.u32 $0x1, v12  }
.LBB2_62:
0x29c: {  	p0 =	sne.s32 s15, $0x8840  }
.Ltmp30:
0x29d: {  	_ = 	snop;
	(pc) =	sbr.rel @p0 .LBB2_62-.Ltmp30, $4  }
0x29e: {  	_ = 	snop  }
0x29f: {  	s16 =	sshra.s32 s15, $0x2;
	s15 =	sadd.s32 $0x40, s15;
	vm0 =	vge.s32 v15, v13  }
0x2a0: {  	v15 =	vld [tilespmem:s16+$0x2280];
	v16 =	vsel vm0, $0x1, v0  }
0x2a1: {  	v14 =	vadd.s32 v16, v14  }
0x2a2: {  	_ =	sdelay $0x2  }
0x2a3: {  	vm0 =	vge.s32 v15, v13  }
0x2a4: {  	v15 =	vsel vm0, $0x1, v0  }
0x2a5: {  	v14 =	vadd.s32 v15, v14  }
0x2a6: {  	v15 =	vperm.xlane v14, v1;
	_ =	sdelay $0x1  }
0x2a7: {  	v14 =	vadd.s32 v14, v15  }
0x2a8: {  	v15 =	vperm.xlane v14, v2;
	_ =	sdelay $0x1  }
0x2a9: {  	v14 =	vadd.s32 v15, v14  }
0x2aa: {  	v15 =	vperm.xlane v14, v3;
	_ =	sdelay $0x1  }
0x2ab: {  	v14 =	vadd.s32 v15, v14  }
0x2ac: {  	v15 =	vperm.xlane v14, v4;
	_ =	sdelay $0x1  }
0x2ad: {  	s16 =	simm.s32 $0x0;
	v14 =	vadd.s32 v15, v14  }
0x2ae: {  	vm15 =	vlt.s32 v14, v11;
	v14 =	vld [tilespmem:s16+$0x2280]  }
0x2af: {  	s15 =	simm.s32 $0x40;
	v12 =	vsel vm15, v12, v13;
	v13 =	vimm.s32 $0x0  }
.LBB2_64:
0x2b0: {  	p0 =	sne.s32 s15, $0x8840  }
.Ltmp31:
0x2b1: {  	_ = 	snop;
	(pc) =	sbr.rel @p0 .LBB2_64-.Ltmp31, $4  }
0x2b2: {  	_ = 	snop  }
0x2b3: {  	s16 =	sshra.s32 s15, $0x2;
	s15 =	sadd.s32 $0x40, s15;
	vm0 =	vgt.s32 v14, v12  }
0x2b4: {  	v14 =	vld [tilespmem:s16+$0x2280];
	v15 =	vsel vm0, $0x1, v0  }
0x2b5: {  	v13 =	vadd.s32 v15, v13  }
0x2b6: {  	_ =	sdelay $0x2  }
0x2b7: {  	vm0 =	vgt.s32 v14, v12  }
0x2b8: {  	v14 =	vsel vm0, $0x1, v0  }
0x2b9: {  	v13 =	vadd.s32 v14, v13  }
0x2ba: {  	s15 =	simm.s32 $0x0;
	v14 =	vperm.xlane v13, v1  }
0x2bb: {  	v15 =	vld [tilespmem:s15+$0x2280]  }
0x2bc: {  	v13 =	vadd.s32 v13, v14  }
0x2bd: {  	v14 =	vperm.xlane v13, v2;
	_ =	sdelay $0x1  }
0x2be: {  	v13 =	vadd.s32 v14, v13  }
0x2bf: {  	vm0 =	veq.s32 v15, v12;
	v14 =	vperm.xlane v13, v3  }
0x2c0: {  	v16 =	vsel vm0, $0x1, v0  }
0x2c1: {  	v13 =	vadd.s32 v14, v13;
	v14 =	vperm.xlane v16, v5  }
0x2c2: {  	vm4 =	veq.s32 v9, $0x0;
	v17 =	vperm.xlane v16, v1  }
0x2c3: {  	v14 =	vsel vm4, $0x0, v14  }
0x2c4: {  	v17 =	vadd.s32 v16, v17;
	v18 =	vperm.xlane v13, v4;
	v14 =	vadd.s32 v16, v14  }
0x2c5: {  	s16 =	simm.s32 $0x10;
	v16 =	vperm.xlane v17, v2;
	v19 =	vperm.xlane v14, v6  }
0x2c6: {  	vm1 =	vmmov $0x3;
	vm2 =	vmmov $0xff;
	v20 =	vld [tilespmem:s16+$0x2280];
	v13 =	vadd.s32 v13, v18  }
0x2c7: {  	v18 =	vimm.s32 $0x0;
	v16 =	vadd.s32 v16, v17;
	v19 =	vsel vm1, $0x0, v19  }
0x2c8: {  	v17 =	vsel vm0, $0xFFFFFFFF, v0;
	v21 =	vperm.xlane v16, v3;
	v14 =	vadd.s32 v19, v14  }
0x2c9: {  	vm5 =	vgt.s32 v15, v12;
	v15 =	vadd.s32 v17, v18;
	v17 =	vperm.xlane v14, v8  }
0x2ca: {  	vm7 =	vmmov vm0;
	vm0 =	vmmov $0xf;
	v16 =	vadd.s32 v21, v16  }
0x2cb: {  	vm3 =	veq.s32 v20, v12;
	v19 =	vperm.xlane v16, v4;
	v17 =	vsel vm0, $0x0, v17  }
0x2cc: {  	vm6 =	vmmov vm5;
	v21 =	vsel vm3, $0x1, v0;
	v22 =	vadd.s32 v17, v14  }
0x2cd: {  	v14 =	vperm.xlane v21, v5;
	v17 =	vadd.s32 v18, v19;
	v18 =	vperm.xlane v21, v1  }
0x2ce: {  	vm5 =	vgt.s32 v20, v12;
	v11 =	vsub.s32 v11, v13;
	v19 =	vperm.xlane v22, v10  }
0x2cf: {  	v13 =	vimm.f32 $0.0e+00;
	v14 =	vsel vm4, $0x0, v14;
	v23 =	vadd.s32 v21, v18  }
0x2d0: {  	v24 =	vadd.s32 v21, v14;
	v14 =	vsel vm2, $0x0, v19;
	v21 =	vperm.xlane v23, v2  }
0x2d1: {  	v17 =	vadd.s32 v16, v17;
	v18 =	vld [tilespmem:s15+$0x0];
	v25 =	vperm.xlane v24, v6;
	v15 =	vadd.s32 v14, v15  }
0x2d2: {  	s31 =	simm.s32 $0x20;
	v16 =	vsel vm3, $0xFFFFFFFF, v0;
	v14 =	vld [tilespmem:s16+$0x0];
	v15 =	vadd.s32 v22, v15;
	v21 =	vadd.s32 v21, v23  }
0x2d3: {  	v19 =	vld [tilespmem:s31+$0x2280];
	v20 =	vsel vm1, $0x0, v25;
	vm8 =	vlt.s32 v15, v11;
	v22 =	vperm.xlane v21, v3  }
0x2d4: {  	v16 =	vadd.s32 v16, v17;
	s15 =	simm.s32 $0xC0;
	s16 =	simm.s32 $0x100;
	v15 =	vld [tilespmem:s31+$0x0];
	v20 =	vadd.s32 v20, v24;
	vm7 =	vmand vm7, vm8  }
.LBB2_66:
0x2d5: {  	v23 =	vperm.xlane v20, v8;
	v21 =	vadd.s32 v22, v21  }
0x2d6: {  	p0 =	sne.s32 s16, $0x8840;
	vm8 =	vmor vm6, vm7;
	vm7 =	vmmov vm3;
	vm6 =	vmmov vm5  }
0x2d7: {  	v22 =	vperm.xlane v21, v4;
	v24 =	vnsel vm8, $0x0, v18;
	v18 =	vmov v14  }
0x2d8: {  	vm3 =	veq.s32 v19, v12;
	vm5 =	vgt.s32 v19, v12;
	v23 =	vsel vm0, $0x0, v23  }
0x2d9: {  	v19 =	vsel vm3, $0x1, v0;
	v20 =	vadd.s32 v23, v20;
	v17 =	vadd.s32 v17, v22;
	v14 =	vmovc v15  }
0x2da: {  	v15 =	vperm.xlane v19, v5;
	v22 =	vperm.xlane v19, v1;
	v17 =	vadd.s32 v21, v17  }
0x2db: {  	v13 =	vadd.f32 v24, v13;
	v21 =	vsel vm3, $0xFFFFFFFF, v0;
	v23 =	vperm.xlane v20, v10  }
0x2dc: {  	v21 =	vadd.s32 v21, v17;
	v15 =	vsel vm4, $0x0, v15;
	v22 =	vadd.s32 v19, v22  }
.Ltmp32:
0x2dd: {  	v24 =	vadd.s32 v19, v15;
	v15 =	vperm.xlane v22, v2;
	v19 =	vsel vm2, $0x0, v23;
	(pc) =	sbr.rel @p0 .LBB2_66-.Ltmp32, $4  }
0x2de: {  	s17 =	sshra.s32 s15, $0x2;
	s15 =	smov.u32 s16;
	v23 =	vperm.xlane v24, v6;
	v25 =	vadd.s32 v19, v16;
	v16 =	vmov v21  }
0x2df: {  	v19 =	vld [tilespmem:s17+$0x2280];
	v21 =	vadd.s32 v15, v22;
	v20 =	vadd.s32 v20, v25  }
0x2e0: {  	v15 =	vld [tilespmem:s17+$0x0];
	v23 =	vsel vm1, $0x0, v23;
	v22 =	vperm.xlane v21, v3;
	vm8 =	vlt.s32 v20, v11  }
0x2e1: {  	s16 =	sadd.s32 $0x40, s16;
	v20 =	vadd.s32 v23, v24;
	vm7 =	vmand vm7, vm8  }
0x2e2: {  	s15 =	sshra.s32 s15, $0x2;
	v24 =	vperm.xlane v20, v8  }
0x2e3: {  	v21 =	vadd.s32 v22, v21;
	vm4 =	vmor vm6, vm7;
	vm8 =	veq.s32 v9, $0x0;
	v23 =	vld [tilespmem:s15+$0x2280]  }
0x2e4: {  	vm12 =	vmmov vm3;
	vm13 =	vmmov vm5;
	vm15 =	vmmov $0xff  }
0x2e5: {  	vm10 =	vmmov $0xff;
	v22 =	vperm.xlane v21, v4;
	v18 =	vnsel vm4, $0x0, v18  }
0x2e6: {  	vm7 =	veq.s32 v19, v12;
	vm6 =	vgt.s32 v19, v12;
	v42 =	vsel vm0, $0x0, v24  }
0x2e7: {  	v13 =	vadd.f32 v18, v13;
	v43 =	vsel vm7, $0x1, v0;
	v19 =	vadd.s32 v42, v20  }
0x2e8: {  	v17 =	vadd.s32 v17, v22;
	v45 =	vperm.xlane v43, v5;
	vm4 =	veq.s32 v23, v12  }
0x2e9: {  	v49 =	vsel vm7, $0xFFFFFFFF, v0;
	vm7 =	vmmov vm7;
	v25 =	vsel vm4, $0x1, v0  }
0x2ea: {  	v46 =	vperm.xlane v19, v10;
	v22 =	vsel vm8, $0x0, v45;
	v27 =	vperm.xlane v25, v5  }
0x2eb: {  	v44 =	vperm.xlane v43, v1;
	v17 =	vadd.s32 v21, v17;
	v47 =	vadd.s32 v43, v22  }
0x2ec: {  	v21 =	vsel vm2, $0x0, v46;
	v24 =	vperm.xlane v47, v6;
	v48 =	vsel vm8, $0x0, v27  }
0x2ed: {  	v20 =	vadd.s32 v43, v44;
	v16 =	vadd.s32 v21, v16;
	v21 =	vadd.s32 v25, v48  }
0x2ee: {  	v26 =	vperm.xlane v20, v2;
	v50 =	vsel vm1, $0x0, v24;
	v51 =	vperm.xlane v21, v6  }
0x2ef: {  	vm9 =	vmmov vm6;
	vm11 =	vgt.s32 v23, v12;
	v18 =	vadd.s32 v50, v47  }
0x2f0: {  	v20 =	vadd.s32 v26, v20;
	v54 =	vperm.xlane v18, v8;
	v53 =	vsel vm1, $0x0, v51  }
0x2f1: {  	v16 =	vadd.s32 v19, v16;
	v52 =	vperm.xlane v20, v3;
	v19 =	vadd.s32 v53, v21  }
0x2f2: {  	v22 =	vadd.s32 v49, v17;
	v55 =	vsel vm0, $0x0, v54;
	v21 =	vperm.xlane v19, v8  }
0x2f3: {  	vm14 =	vlt.s32 v16, v11;
	v16 =	vadd.s32 v52, v20;
	v18 =	vadd.s32 v55, v18  }
0x2f4: {  	v56 =	vperm.xlane v16, v4;
	v20 =	vperm.xlane v18, v10;
	v21 =	vsel vm0, $0x0, v21  }
0x2f5: {  	v59 =	vsel vm4, $0xFFFFFFFF, v0;
	vm5 =	vmand vm12, vm14;
	v19 =	vadd.s32 v21, v19  }
0x2f6: {  	v17 =	vadd.s32 v17, v56;
	v57 =	vsel vm15, $0x0, v20;
	v58 =	vperm.xlane v19, v10  }
0x2f7: {  	vm1 =	vmor vm13, vm5;
	v16 =	vadd.s32 v16, v17;
	v17 =	vadd.s32 v57, v22  }
0x2f8: {  	v16 =	vadd.s32 v59, v16;
	v17 =	vadd.s32 v18, v17;
	v60 =	vsel vm10, $0x0, v58  }
0x2f9: {  	v61 =	vld [tilespmem:s15+$0x0];
	vm13 =	vmmov vm4;
	vm12 =	vlt.s32 v17, v11;
	v62 =	vadd.s32 v60, v16  }
0x2fa: {  	v14 =	vnsel vm1, $0x0, v14;
	vm1 =	vmand vm7, vm12;
	v12 =	vadd.s32 v19, v62  }
0x2fb: {  	v13 =	vadd.f32 v14, v13;
	vm1 =	vmor vm9, vm1;
	vm14 =	vlt.s32 v12, v11  }
0x2fc: {  	vm0 =	vmmov vm11;
	v11 =	vnsel vm1, $0x0, v15;
	vm15 =	vmand vm13, vm14  }
0x2fd: {  	v11 =	vadd.f32 v11, v13;
	vm0 =	vmor vm0, vm15  }
0x2fe: {  	v63 =	vnsel vm0, $0x0, v61  }
0x2ff: {  	s14 =	sadd.s32 $0x1, s14;
	v11 =	vadd.f32 v63, v11  }
0x300: {  	p0 =	sne.s32 s14, s7  }
.Ltmp33:
0x301: {  	[tilespmem:$0x4580] =	vst v11;
	(pc) =	sbr.rel @p0 .LBB2_1-.Ltmp33, $4  }
0x302: {  	[hbm4b:s6+s2] =	stream.linear.scatter [tilespmem:s13], [sflag:$0x1], $0x80, $0x38;
	[tilespmem:$0x4600] =	vst v63  }
0x303: {  	_ =	swait.ge [sflag:s10], $0x80  }
0x304: {  	[sflag:s10] =	ssyncset.done $0x0  }
0x305: {  	[sflag:s10] =	ssyncadd.s32 $0xFFFFFF80  }
0x306: {  	_ =	sfence.sel $0x180000  }
0x307: {  	[bflag:$0x0] =	sbarrier.arrive $0xFFFF  }
0x308: {  	p0 =	sne.s32 s1, $0x0;
	_ =	strace $0x90000047  }
0x309: {  	s0 =	sadd.s32 @!p0 $0x100000, s0;
	[bflag:$0x2] =	sbarrier.arrive $0xFFFF  }
0x30a: {  	[sflag:s0] =	ssyncadd.tile.s32 @!p0 $0x1;
	_ =	shalt  }
.Lfunc_end2:
_tile_overlayer_lowered:
.L_overlay_start_2:
0x30b: {  	(tag) =	ssettag $0x2  }
0x30c: {  	s0 =	rddreg [dreg:$0x0];
	s2 =	stileid.u32  }
0x30d: {  	s1 =	rddreg [dreg:$0x1];
	p0 =	sne.s32 s2, $0x0  }
0x30e: {  	s3 =	rddreg [dreg:$0x2];
	[bflag:$0x3] =	sbarrier.arrive $0xFFFF;
	s2 =	simm.s32 @!p0 $0x1C01  }
0x30f: {  	[timem:s3], [sflag:s2] =	dma.local @!p0 [hbm:s0], s1  }
0x310: {  	s0 =	simm.s32 @!p0 $0x1  }
0x311: {  	_ =	swait.ge @!p0 [sflag:s0], s1  }
0x312: {  	s1 =	ssub.s32 @!p0 $0x0, s1;
	[sflag:s0] =	ssyncset.done @!p0 $0x0  }
0x313: {  	[sflag:s0] =	ssyncadd.s32 @!p0 s1  }
0x314: {  	[bflag:$0x3] =	sbarrier.arrive $0xFFFF  }
0x315: {  	_ =	shalt  }

</sc_bundles>
